<compile_context>
chip_gen: v7x
topology: tpu7x:2x2x1
jax: 0.10.2.dev20260603
libtpu: 0.0.44.dev20260713+nightly
codegen_flags: <defaults>
</compile_context>

<pallas_src>
import functools

import jax
import jax.numpy as jnp
from jax import lax
from jax.experimental import pallas as pl
from jax.experimental.pallas import tpu as pltpu
from jax.experimental.pallas import tpu_sc as plsc

_BLK = 128
_NW = 32
_CH = 128


def _round_up(a, b):
    return (a + b - 1) // b * b



def _make_propagate(NP, EP, F):
    EPW = EP // _NW
    NCH = EPW // _CH
    RPT = NP // 16
    ZR = 64
    NZ = RPT // ZR
    mesh = plsc.VectorSubcoreMesh(core_axis_name="c", subcore_axis_name="s",
                                  num_cores=2, num_subcores=16)

    def body(u_hbm, src_hbm, dst_hbm, out_hbm, sidx, didx, rows, zbuf, acc, sem):
        c = lax.axis_index("c")
        s = lax.axis_index("s")
        wid = s * 2 + c

        def zrow(i, _):
            def zcol(j, _):
                zbuf[i, pl.ds(j * 16, 16)] = jnp.zeros((16,), jnp.float32)
                return 0
            return lax.fori_loop(0, F // 16, zcol, 0)
        lax.fori_loop(0, ZR, zrow, 0)

        def zacc(k, _):
            pltpu.sync_copy(zbuf, acc.at[pl.ds(s * RPT + k * ZR, ZR)])
            return 0
        lax.fori_loop(0, NZ, zacc, 0)
        plsc.subcore_barrier()

        base = wid * EPW

        def chunk(i, _):
            off = base + i * _CH
            pltpu.sync_copy(src_hbm.at[pl.ds(off, _CH)], sidx)
            pltpu.sync_copy(dst_hbm.at[pl.ds(off, _CH)], didx)
            pltpu.async_copy(u_hbm.at[sidx], rows, sem).wait()
            pltpu.sync_copy(rows, acc.at[didx], add=True)
            return 0
        lax.fori_loop(0, NCH, chunk, 0)
        plsc.subcore_barrier()

        pltpu.sync_copy(acc.at[pl.ds(s * RPT, RPT)],
                        out_hbm.at[pl.ds(c * NP + s * RPT, RPT)])

    return pl.kernel(
        body,
        out_type=jax.ShapeDtypeStruct((2 * NP, F), jnp.float32),
        mesh=mesh,
        compiler_params=pltpu.CompilerParams(
            use_tc_tiling_on_sc=(F % 128 == 0)),
        scratch_types=[
            pltpu.VMEM((_CH,), jnp.int32),
            pltpu.VMEM((_CH,), jnp.int32),
            pltpu.VMEM((_CH, F), jnp.float32),
            pltpu.VMEM((ZR, F), jnp.float32),
            pltpu.VMEM_SHARED((NP, F), jnp.float32),
            pltpu.SemaphoreType.DMA,
        ],
    )


def _make_gather(NP, W):
    mesh = plsc.VectorSubcoreMesh(core_axis_name="c", subcore_axis_name="s",
                                  num_cores=2, num_subcores=16)

    def body(x_hbm, idx_hbm, out_hbm, idxv, rows, sem):
        c = lax.axis_index("c")
        s = lax.axis_index("s")

        @pl.when(jnp.logical_and(c == 0, s == 0))
        def _():
            pltpu.sync_copy(idx_hbm, idxv)
            pltpu.async_copy(x_hbm.at[idxv], rows, sem).wait()
            pltpu.sync_copy(rows, out_hbm)

    return pl.kernel(
        body,
        out_type=jax.ShapeDtypeStruct((128, W), jnp.float32),
        mesh=mesh,
        scratch_types=[
            pltpu.VMEM((128,), jnp.int32),
            pltpu.VMEM((128, W), jnp.float32),
            pltpu.SemaphoreType.DMA,
        ],
    )



def _mm_nt(a, b):
    return lax.dot_general(a, b, (((1,), (1,)), ((), ())),
                           preferred_element_type=jnp.float32)


def _diag(v):
    col = jnp.dot(jnp.ones((_BLK, 1), jnp.float32), v,
                  preferred_element_type=jnp.float32)
    i = lax.broadcasted_iota(jnp.int32, (_BLK, _BLK), 0)
    j = lax.broadcasted_iota(jnp.int32, (_BLK, _BLK), 1)
    return jnp.where(i == j, col, 0.0)


def _gelu(x):
    return 0.5 * x * (1.0 + lax.erf(x * 0.7071067811865476))


def _foot_body(N, x_ref, da_ref, db_ref, wf_ref, bf_ref, w0_ref,
               xx_ref, u_ref, dis_ref):
    r = pl.program_id(0)
    degv = da_ref[0] + db_ref[0] + 1.0
    lane = lax.broadcasted_iota(jnp.int32, (1, _BLK), 1)
    disv = jnp.where(r * _BLK + lane < N, lax.rsqrt(degv), 0.0)
    rowi = lax.broadcasted_iota(jnp.int32, (_BLK, 1), 0)
    validr = r * _BLK + rowi < N
    h = _mm_nt(x_ref[...], wf_ref[...]) + bf_ref[...]
    xx = jnp.where(validr, _gelu(h), 0.0)
    xx_ref[...] = xx
    u_ref[...] = jnp.dot(_diag(disv), _mm_nt(xx, w0_ref[...]),
                         preferred_element_type=jnp.float32)
    dis_ref[0] = disv


def _update_body(N, xx_ref, u_ref, sa_ref, sb_ref, dis_ref, b_ref, w_ref,
                 xxo_ref, uo_ref):
    r = pl.program_id(0)
    D = _diag(dis_ref[0])
    ssum = sa_ref[...] + sb_ref[...] + u_ref[...]
    xn = xx_ref[...] + jnp.dot(D, ssum, preferred_element_type=jnp.float32) \
        + b_ref[...]
    rowi = lax.broadcasted_iota(jnp.int32, (_BLK, 1), 0)
    xn = jnp.where(r * _BLK + rowi < N, xn, 0.0)
    xxo_ref[...] = xn
    uo_ref[...] = jnp.dot(D, _mm_nt(xn, w_ref[...]),
                          preferred_element_type=jnp.float32)


def _head_body(rows_ref, wh_ref, bh_ref, o_ref):
    o_ref[...] = _mm_nt(_gelu(rows_ref[...]), wh_ref[...]) + bh_ref[...]



def kernel(x, edge_index, center, ptr, W_foot, b_foot, W_blocks, b_blocks,
           W_head, b_head):
    N, DIN = x.shape
    E = edge_index.shape[1]
    WIDTH = W_foot.shape[0]
    B = center.shape[0]
    NC = W_head.shape[0]
    NP = _round_up(N + 1, 1024)
    EP = _round_up(E, _CH * _NW)
    nblk = NP // _BLK

    pad = jnp.full((EP - E,), N, jnp.int32)
    srcp = jnp.concatenate([edge_index[0].astype(jnp.int32), pad])
    dstp = jnp.concatenate([edge_index[1].astype(jnp.int32), pad])
    xpad = jnp.zeros((NP, DIN), jnp.float32).at[:N].set(x)
    validc = (jnp.arange(NP) < N).astype(jnp.float32)[:, None]
    ones16 = jnp.broadcast_to(validc, (NP, 16))

    deg2 = _make_propagate(NP, EP, 16)(ones16, srcp, dstp)
    dega = deg2[:NP, 0].reshape(nblk, 1, _BLK)
    degb = deg2[NP:, 0].reshape(nblk, 1, _BLK)

    row_spec = pl.BlockSpec((_BLK, WIDTH), lambda r: (r, 0))
    vec_spec = pl.BlockSpec((1, 1, _BLK), lambda r: (r, 0, 0))
    w_spec = pl.BlockSpec((WIDTH, WIDTH), lambda r: (0, 0))
    b_spec = pl.BlockSpec((1, WIDTH), lambda r: (0, 0))

    xx, u, dis = pl.pallas_call(
        functools.partial(_foot_body, N),
        grid=(nblk,),
        in_specs=[pl.BlockSpec((_BLK, DIN), lambda r: (r, 0)),
                  vec_spec, vec_spec,
                  pl.BlockSpec((WIDTH, DIN), lambda r: (0, 0)),
                  b_spec, w_spec],
        out_specs=[row_spec, row_spec, vec_spec],
        out_shape=[jax.ShapeDtypeStruct((NP, WIDTH), jnp.float32),
                   jax.ShapeDtypeStruct((NP, WIDTH), jnp.float32),
                   jax.ShapeDtypeStruct((nblk, 1, _BLK), jnp.float32)],
    )(xpad, dega, degb, W_foot, b_foot.reshape(1, -1), W_blocks[0])

    prop = _make_propagate(NP, EP, WIDTH)
    n_layers = W_blocks.shape[0]
    for l in range(n_layers):
        s2 = prop(u, srcp, dstp)
        wn = W_blocks[l + 1] if l + 1 < n_layers else W_blocks[0]
        xx, u = pl.pallas_call(
            functools.partial(_update_body, N),
            grid=(nblk,),
            in_specs=[row_spec, row_spec,
                      row_spec,
                      pl.BlockSpec((_BLK, WIDTH), lambda r: (r + nblk, 0)),
                      vec_spec, b_spec, w_spec],
            out_specs=[row_spec, row_spec],
            out_shape=[jax.ShapeDtypeStruct((NP, WIDTH), jnp.float32),
                       jax.ShapeDtypeStruct((NP, WIDTH), jnp.float32)],
        )(xx, u, s2, s2, dis, b_blocks[l].reshape(1, -1), wn)

    idxp = jnp.concatenate([(center + ptr[:-1]).astype(jnp.int32),
                            jnp.zeros((128 - B,), jnp.int32)])
    rows = _make_gather(NP, WIDTH)(xx, idxp)

    whp = jnp.zeros((_BLK, WIDTH), jnp.float32).at[:NC].set(W_head)
    bhp = jnp.zeros((1, _BLK), jnp.float32).at[0, :NC].set(b_head)
    out = pl.pallas_call(
        _head_body,
        out_shape=jax.ShapeDtypeStruct((128, _BLK), jnp.float32),
    )(rows, whp, bhp)
    return out[:B, :NC]

# --- scband reference (transcript-rebuilt; emitter-appended) ---
"""Pipeline reference for scband-gcn-60086592471617 (READ-ONLY COPY).

The authoritative reference and input builder live on the scoring server;
editing this copy changes nothing except your own understanding.
"""

import jax, jax.numpy as jnp
import numpy as np

N = 10000
E = 320000
DIM_IN = 128
WIDTH = 128
DEPTH = 4
B = 100
N_CLASSES = 7


def setup_inputs(seed: int = 0) -> dict:
    key = jax.random.key(seed)
    ks = jax.random.split(key, 12)
    x = jax.random.normal(ks[0], (N, DIM_IN), dtype=jnp.float32)
    edge_index = jax.random.randint(ks[1], (2, E), 0, N)
    center = jnp.zeros((B,), dtype=jnp.int32)
    ptr = jnp.sort(jax.random.randint(ks[2], (B + 1,), 0, N))
    # foot: Conv1d(dim_input, width, 1) == per-node linear, weight [width, dim_input]
    W_foot = jax.random.normal(ks[3], (WIDTH, DIM_IN), dtype=jnp.float32) * 0.05
    b_foot = jax.random.normal(ks[4], (WIDTH,), dtype=jnp.float32) * 0.05
    # depth+1 GCNConv blocks, each weight [width, width] (PyG lin: x @ W.T) + bias
    W_blocks = jax.random.normal(ks[5], (DEPTH + 1, WIDTH, WIDTH), dtype=jnp.float32) * 0.05
    b_blocks = jax.random.normal(ks[6], (DEPTH + 1, WIDTH), dtype=jnp.float32) * 0.05
    # head: Conv1d(width, 7, 1)
    W_head = jax.random.normal(ks[7], (N_CLASSES, WIDTH), dtype=jnp.float32) * 0.05
    b_head = jax.random.normal(ks[8], (N_CLASSES,), dtype=jnp.float32) * 0.05
    return {"x": x, "edge_index": edge_index, "center": center, "ptr": ptr,
            "W_foot": W_foot, "b_foot": b_foot, "W_blocks": W_blocks,
            "b_blocks": b_blocks, "W_head": W_head, "b_head": b_head}


def reference(x, edge_index, center, ptr, W_foot, b_foot, W_blocks, b_blocks, W_head, b_head):
    # dropouts are identity in eval mode
    src0 = edge_index[0]
    dst0 = edge_index[1]
    loops = jnp.arange(N, dtype=src0.dtype)
    src = jnp.concatenate([src0, loops])
    dst = jnp.concatenate([dst0, loops])

    def gcn_conv(h, W, b):
        # PyG GCNConv: h' = D^{-1/2}(A+I)D^{-1/2} (h @ W^T) + b
        h = h @ W.T
        deg = jax.ops.segment_sum(jnp.ones(src.shape[0], jnp.float32), dst, num_segments=N)
        dis = jnp.where(deg > 0, deg ** -0.5, 0.0)
        norm = dis[src] * dis[dst]
        msg = h[src] * norm[:, None]
        return jax.ops.segment_sum(msg, dst, num_segments=N) + b

    # foot: Conv1d kernel-1 == linear per node, then GELU (exact erf, torch default)
    xx = jax.nn.gelu(x @ W_foot.T + b_foot, approximate=False)
    for i in range(W_blocks.shape[0]):
        xx = xx + gcn_conv(xx, W_blocks[i], b_blocks[i])
    xx = jax.nn.gelu(xx, approximate=False) @ W_head.T + b_head
    out = xx[center + ptr[:-1]]
    return out

if __name__ == "__main__":
    import jax
    _d = setup_inputs()
    print(jax.jit(kernel)(*tuple(_d.values())))

</pallas_src>

<mosaic_0001>
#map = affine_map<(d0, d1) -> (0, 0)>
#map1 = affine_map<(d0, d1) -> (0)>
module attributes {stable_mosaic.version = 14 : i64} {
  func.func @body(%arg0: i32, %arg1: i32, %arg2: memref<10240x128xf32, #tpu.memory_space<hbm>>, %arg3: memref<323584xi32, #tpu.memory_space<hbm>>, %arg4: memref<323584xi32, #tpu.memory_space<hbm>>, %arg5: memref<20480x128xf32, #tpu.memory_space<hbm>>, %arg6: memref<128xi32, #tpu.memory_space<vmem>>, %arg7: memref<128xi32, #tpu.memory_space<vmem>>, %arg8: memref<128x128xf32, #tpu.memory_space<vmem>>, %arg9: memref<64x128xf32, #tpu.memory_space<vmem>>, %arg10: memref<10240x128xf32, #tpu.memory_space<vmem_shared>>, %arg11: memref<!tpu.dma_semaphore, #tpu.memory_space<semaphore_mem>>) attributes {dimension_semantics = [#tpu.dimension_semantics<core_parallel>, #tpu.dimension_semantics<subcore_parallel>], iteration_bounds = array<i64: 2, 16>, scalar_prefetch = 0 : i64, scratch_operands = 6 : i64, tpu.core_type = #tpu.core_type<sc_vector_subcore>, window_params = [{transform_indices = #map}, {transform_indices = #map1}, {transform_indices = #map1}, {transform_indices = #map}]} {
    %mul3A = arith.constant 2 : i32
    %mul3A_0 = arith.muli %arg1, %mul3A : i32
    %add3A = arith.addi %mul3A_0, %arg0 : i32
    %scan3A = arith.constant 0 : i32
    %scan3A_1 = arith.constant 0 : i32
    %scan3A_2 = arith.constant 64 : i32
    %scan3A_3 = arith.addi %scan3A_1, %scan3A_2 : i32
    %scan3A_4 = arith.constant 1 : i32
    %scan3A_5 = scf.for %scan3A_31 = %scan3A_1 to %scan3A_3 step %scan3A_4 iter_args(%scan3A_32 = %scan3A) -> (i32)  : i32 {
      %scan3A_33 = arith.constant 0 : i32
      %scan3A_34 = arith.constant 0 : i32
      %scan3A_35 = arith.constant 8 : i32
      %scan3A_36 = arith.addi %scan3A_34, %scan3A_35 : i32
      %scan3A_37 = arith.constant 1 : i32
      %scan3A_38 = scf.for %scan3A_40 = %scan3A_34 to %scan3A_36 step %scan3A_37 iter_args(%scan3A_41 = %scan3A_33) -> (i32)  : i32 {
        %broadcast_in_dim3A = arith.constant 0.000000e+00 : f32
        %broadcast_in_dim3A_42 = vector.broadcast %broadcast_in_dim3A : f32 to vector<16xf32>
        %mul3A_43 = arith.constant 16 : i32
        %mul3A_44 = arith.muli %scan3A_40, %mul3A_43 : i32
        %swap3A = arith.index_cast %scan3A_31 : i32 to index
        %swap3A_45 = arith.index_cast %mul3A_44 : i32 to index
        %swap3A_46 = tpu.vector_load %arg9[%swap3A, %swap3A_45] {strides = array<i32>} : memref<64x128xf32, #tpu.memory_space<vmem>>, vector<1x16xf32>,
        %swap3A_47 = vector.shape_cast %swap3A_46 : vector<1x16xf32> to vector<16xf32>
        %swap3A_48 = vector.shape_cast %broadcast_in_dim3A_42 : vector<16xf32> to vector<1x16xf32>
        tpu.vector_store %arg9[%swap3A, %swap3A_45], %swap3A_48 {strides = array<i32>} : memref<64x128xf32, #tpu.memory_space<vmem>>, vector<1x16xf32>,
        %scan3A_49 = arith.constant 0 : i32
        scf.yield %scan3A_49 : i32
      }
      %scan3A_39 = arith.constant 8 : i32
      scf.yield %scan3A_38 : i32
    }
    %scan3A_6 = arith.constant 64 : i32
    %scan3A_7 = arith.constant 0 : i32
    %scan3A_8 = arith.constant 0 : i32
    %scan3A_9 = arith.constant 10 : i32
    %scan3A_10 = arith.addi %scan3A_8, %scan3A_9 : i32
    %scan3A_11 = arith.constant 1 : i32
    %scan3A_12 = scf.for %scan3A_31 = %scan3A_8 to %scan3A_10 step %scan3A_11 iter_args(%scan3A_32 = %scan3A_7) -> (i32)  : i32 {
      %mul3A_33 = arith.constant 640 : i32
      %mul3A_34 = arith.muli %arg1, %mul3A_33 : i32
      %mul3A_35 = arith.constant 64 : i32
      %mul3A_36 = arith.muli %scan3A_31, %mul3A_35 : i32
      %add3A_37 = arith.addi %mul3A_34, %mul3A_36 : i32
      "tpu.region"() ({
        %run_scoped3A = tpu.sem_alloc : memref<!tpu.dma_semaphore, #tpu.memory_space<semaphore_mem>>
        %dma_start3A = arith.constant 0 : i32
        %dma_start3A_39 = tpu.memref_slice %arg10[%add3A_37, %dma_start3A] : memref<10240x128xf32, #tpu.memory_space<vmem_shared>> -> memref<64x128xf32, #tpu.memory_space<vmem_shared>>
        %dma_start3A_40 = arith.constant 0 : i32
        %dma_start3A_41 = tpu.memref_slice %arg10[%add3A_37, %dma_start3A_40] : memref<10240x128xf32, #tpu.memory_space<vmem_shared>> -> memref<64x128xf32, #tpu.memory_space<vmem_shared>>
        tpu.enqueue_dma source(%arg9 : memref<64x128xf32, #tpu.memory_space<vmem>>) target(%dma_start3A_41 : memref<64x128xf32, #tpu.memory_space<vmem_shared>>) target_semaphore(%run_scoped3A : memref<!tpu.dma_semaphore, #tpu.memory_space<semaphore_mem>>)
        %dma_wait3A = arith.constant 0 : i32
        %dma_wait3A_42 = tpu.memref_slice %arg10[%add3A_37, %dma_wait3A] : memref<10240x128xf32, #tpu.memory_space<vmem_shared>> -> memref<64x128xf32, #tpu.memory_space<vmem_shared>>
        %dma_wait3A_43 = arith.constant 0 : i32
        %dma_wait3A_44 = tpu.memref_slice %arg10[%add3A_37, %dma_wait3A_43] : memref<10240x128xf32, #tpu.memory_space<vmem_shared>> -> memref<64x128xf32, #tpu.memory_space<vmem_shared>>
        tpu.wait_dma2 semaphore(%run_scoped3A : memref<!tpu.dma_semaphore, #tpu.memory_space<semaphore_mem>>) src(%arg9 : memref<64x128xf32, #tpu.memory_space<vmem>>) dst(%dma_wait3A_44 : memref<64x128xf32, #tpu.memory_space<vmem_shared>>)
        tpu.yield
      }) : () -> ()
      %scan3A_38 = arith.constant 0 : i32
      scf.yield %scan3A_38 : i32
    }
    %scan3A_13 = arith.constant 10 : i32
    %barrier3A = arith.constant 0 : index
    tpu.barrier barrier_id(%barrier3A)
    %mul3A_14 = arith.constant 10112 : i32
    %mul3A_15 = arith.muli %add3A, %mul3A_14 : i32
    %scan3A_16 = arith.constant 0 : i32
    %scan3A_17 = arith.constant 0 : i32
    %scan3A_18 = arith.constant 79 : i32
    %scan3A_19 = arith.addi %scan3A_17, %scan3A_18 : i32
    %scan3A_20 = arith.constant 1 : i32
    %scan3A_21 = scf.for %scan3A_31 = %scan3A_17 to %scan3A_19 step %scan3A_20 iter_args(%scan3A_32 = %scan3A_16) -> (i32)  : i32 {
      %mul3A_33 = arith.constant 128 : i32
      %mul3A_34 = arith.muli %scan3A_31, %mul3A_33 : i32
      %add3A_35 = arith.addi %mul3A_15, %mul3A_34 : i32
      "tpu.region"() ({
        %run_scoped3A = tpu.sem_alloc : memref<!tpu.dma_semaphore, #tpu.memory_space<semaphore_mem>>
        %dma_start3A_41 = tpu.memref_slice %arg3[%add3A_35] : memref<323584xi32, #tpu.memory_space<hbm>> -> memref<128xi32, #tpu.memory_space<hbm>>
        %dma_start3A_42 = tpu.memref_slice %arg3[%add3A_35] : memref<323584xi32, #tpu.memory_space<hbm>> -> memref<128xi32, #tpu.memory_space<hbm>>
        tpu.enqueue_dma source(%dma_start3A_42 : memref<128xi32, #tpu.memory_space<hbm>>) target(%arg6 : memref<128xi32, #tpu.memory_space<vmem>>) target_semaphore(%run_scoped3A : memref<!tpu.dma_semaphore, #tpu.memory_space<semaphore_mem>>)
        %dma_wait3A_43 = tpu.memref_slice %arg3[%add3A_35] : memref<323584xi32, #tpu.memory_space<hbm>> -> memref<128xi32, #tpu.memory_space<hbm>>
        %dma_wait3A_44 = tpu.memref_slice %arg3[%add3A_35] : memref<323584xi32, #tpu.memory_space<hbm>> -> memref<128xi32, #tpu.memory_space<hbm>>
        tpu.wait_dma2 semaphore(%run_scoped3A : memref<!tpu.dma_semaphore, #tpu.memory_space<semaphore_mem>>) src(%dma_wait3A_44 : memref<128xi32, #tpu.memory_space<hbm>>) dst(%arg6 : memref<128xi32, #tpu.memory_space<vmem>>)
        tpu.yield
      }) : () -> ()
      "tpu.region"() ({
        %run_scoped3A = tpu.sem_alloc : memref<!tpu.dma_semaphore, #tpu.memory_space<semaphore_mem>>
        %dma_start3A_41 = tpu.memref_slice %arg4[%add3A_35] : memref<323584xi32, #tpu.memory_space<hbm>> -> memref<128xi32, #tpu.memory_space<hbm>>
        %dma_start3A_42 = tpu.memref_slice %arg4[%add3A_35] : memref<323584xi32, #tpu.memory_space<hbm>> -> memref<128xi32, #tpu.memory_space<hbm>>
        tpu.enqueue_dma source(%dma_start3A_42 : memref<128xi32, #tpu.memory_space<hbm>>) target(%arg7 : memref<128xi32, #tpu.memory_space<vmem>>) target_semaphore(%run_scoped3A : memref<!tpu.dma_semaphore, #tpu.memory_space<semaphore_mem>>)
        %dma_wait3A_43 = tpu.memref_slice %arg4[%add3A_35] : memref<323584xi32, #tpu.memory_space<hbm>> -> memref<128xi32, #tpu.memory_space<hbm>>
        %dma_wait3A_44 = tpu.memref_slice %arg4[%add3A_35] : memref<323584xi32, #tpu.memory_space<hbm>> -> memref<128xi32, #tpu.memory_space<hbm>>
        tpu.wait_dma2 semaphore(%run_scoped3A : memref<!tpu.dma_semaphore, #tpu.memory_space<semaphore_mem>>) src(%dma_wait3A_44 : memref<128xi32, #tpu.memory_space<hbm>>) dst(%arg7 : memref<128xi32, #tpu.memory_space<vmem>>)
        tpu.yield
      }) : () -> ()
      %dma_start3A = arith.constant 0 : i32
      %dma_start3A_36 = arith.constant 0 : i32
      %dma_start3A_37 = tpu.memref_slice %arg2[%dma_start3A, %dma_start3A_36] : memref<10240x128xf32, #tpu.memory_space<hbm>> -> memref<10240x128xf32, #tpu.memory_space<hbm>>
      tpu.enqueue_indirect_dma source(%dma_start3A_37 : memref<10240x128xf32, #tpu.memory_space<hbm>>) target(%arg8 : memref<128x128xf32, #tpu.memory_space<vmem>>) offsets(%arg6 : memref<128xi32, #tpu.memory_space<vmem>>) semaphore(%arg11 : memref<!tpu.dma_semaphore, #tpu.memory_space<semaphore_mem>>)
      %dma_wait3A = arith.constant 0 : i32
      %dma_wait3A_38 = arith.constant 0 : i32
      %dma_wait3A_39 = tpu.memref_slice %arg2[%dma_wait3A, %dma_wait3A_38] : memref<10240x128xf32, #tpu.memory_space<hbm>> -> memref<10240x128xf32, #tpu.memory_space<hbm>>
      tpu.wait_indirect_dma semaphore(%arg11 : memref<!tpu.dma_semaphore, #tpu.memory_space<semaphore_mem>>) src(%dma_wait3A_39 : memref<10240x128xf32, #tpu.memory_space<hbm>>) dst(%arg8 : memref<128x128xf32, #tpu.memory_space<vmem>>)
      "tpu.region"() ({
        %run_scoped3A = tpu.sem_alloc : memref<!tpu.dma_semaphore, #tpu.memory_space<semaphore_mem>>
        %dma_start3A_41 = arith.constant 0 : i32
        %dma_start3A_42 = arith.constant 0 : i32
        %dma_start3A_43 = tpu.memref_slice %arg10[%dma_start3A_41, %dma_start3A_42] : memref<10240x128xf32, #tpu.memory_space<vmem_shared>> -> memref<10240x128xf32, #tpu.memory_space<vmem_shared>>
        tpu.enqueue_indirect_dma source(%arg8 : memref<128x128xf32, #tpu.memory_space<vmem>>) target(%dma_start3A_43 : memref<10240x128xf32, #tpu.memory_space<vmem_shared>>) offsets(%arg7 : memref<128xi32, #tpu.memory_space<vmem>>) semaphore(%run_scoped3A : memref<!tpu.dma_semaphore, #tpu.memory_space<semaphore_mem>>) {add = true}
        %dma_wait3A_44 = arith.constant 0 : i32
        %dma_wait3A_45 = arith.constant 0 : i32
        %dma_wait3A_46 = tpu.memref_slice %arg10[%dma_wait3A_44, %dma_wait3A_45] : memref<10240x128xf32, #tpu.memory_space<vmem_shared>> -> memref<10240x128xf32, #tpu.memory_space<vmem_shared>>
        tpu.wait_indirect_dma semaphore(%run_scoped3A : memref<!tpu.dma_semaphore, #tpu.memory_space<semaphore_mem>>) src(%arg8 : memref<128x128xf32, #tpu.memory_space<vmem>>) dst(%dma_wait3A_46 : memref<10240x128xf32, #tpu.memory_space<vmem_shared>>)
        tpu.yield
      }) : () -> ()
      %scan3A_40 = arith.constant 0 : i32
      scf.yield %scan3A_40 : i32
    }
    %scan3A_22 = arith.constant 79 : i32
    %barrier3A_23 = arith.constant 0 : index
    tpu.barrier barrier_id(%barrier3A_23)
    %mul3A_24 = arith.constant 640 : i32
    %mul3A_25 = arith.muli %arg1, %mul3A_24 : i32
    %mul3A_26 = arith.constant 10240 : i32
    %mul3A_27 = arith.muli %arg0, %mul3A_26 : i32
    %mul3A_28 = arith.constant 640 : i32
    %mul3A_29 = arith.muli %arg1, %mul3A_28 : i32
    %add3A_30 = arith.addi %mul3A_27, %mul3A_29 : i32
    "tpu.region"() ({
      %run_scoped3A = tpu.sem_alloc : memref<!tpu.dma_semaphore, #tpu.memory_space<semaphore_mem>>
      %dma_start3A = arith.constant 0 : i32
      %dma_start3A_31 = tpu.memref_slice %arg5[%add3A_30, %dma_start3A] : memref<20480x128xf32, #tpu.memory_space<hbm>> -> memref<640x128xf32, #tpu.memory_space<hbm>>
      %dma_start3A_32 = arith.constant 0 : i32
      %dma_start3A_33 = tpu.memref_slice %arg10[%mul3A_25, %dma_start3A_32] : memref<10240x128xf32, #tpu.memory_space<vmem_shared>> -> memref<640x128xf32, #tpu.memory_space<vmem_shared>>
      tpu.enqueue_dma source(%dma_start3A_33 : memref<640x128xf32, #tpu.memory_space<vmem_shared>>) target(%dma_start3A_31 : memref<640x128xf32, #tpu.memory_space<hbm>>) target_semaphore(%run_scoped3A : memref<!tpu.dma_semaphore, #tpu.memory_space<semaphore_mem>>)
      %dma_wait3A = arith.constant 0 : i32
      %dma_wait3A_34 = tpu.memref_slice %arg5[%add3A_30, %dma_wait3A] : memref<20480x128xf32, #tpu.memory_space<hbm>> -> memref<640x128xf32, #tpu.memory_space<hbm>>
      %dma_wait3A_35 = arith.constant 0 : i32
      %dma_wait3A_36 = tpu.memref_slice %arg10[%mul3A_25, %dma_wait3A_35] : memref<10240x128xf32, #tpu.memory_space<vmem_shared>> -> memref<640x128xf32, #tpu.memory_space<vmem_shared>>
      tpu.wait_dma2 semaphore(%run_scoped3A : memref<!tpu.dma_semaphore, #tpu.memory_space<semaphore_mem>>) src(%dma_wait3A_36 : memref<640x128xf32, #tpu.memory_space<vmem_shared>>) dst(%dma_wait3A_34 : memref<640x128xf32, #tpu.memory_space<hbm>>)
      tpu.yield
    }) : () -> ()
    return
  }
}

#map = affine_map<(d0, d1) -> (0, 0)>
#map1 = affine_map<(d0, d1) -> (0)>
module attributes {stable_mosaic.version = 14 : i64} {
  func.func @body(%arg0: i32, %arg1: i32, %arg2: memref<10240x16xf32, #tpu.memory_space<hbm>>, %arg3: memref<323584xi32, #tpu.memory_space<hbm>>, %arg4: memref<323584xi32, #tpu.memory_space<hbm>>, %arg5: memref<20480x16xf32, #tpu.memory_space<hbm>>, %arg6: memref<128xi32, #tpu.memory_space<vmem>>, %arg7: memref<128xi32, #tpu.memory_space<vmem>>, %arg8: memref<128x16xf32, #tpu.memory_space<vmem>>, %arg9: memref<64x16xf32, #tpu.memory_space<vmem>>, %arg10: memref<10240x16xf32, #tpu.memory_space<vmem_shared>>, %arg11: memref<!tpu.dma_semaphore, #tpu.memory_space<semaphore_mem>>) attributes {dimension_semantics = [#tpu.dimension_semantics<core_parallel>, #tpu.dimension_semantics<subcore_parallel>], iteration_bounds = array<i64: 2, 16>, scalar_prefetch = 0 : i64, scratch_operands = 6 : i64, tpu.core_type = #tpu.core_type<sc_vector_subcore>, window_params = [{transform_indices = #map}, {transform_indices = #map1}, {transform_indices = #map1}, {transform_indices = #map}]} {
    %mul3A = arith.constant 2 : i32
    %mul3A_0 = arith.muli %arg1, %mul3A : i32
    %add3A = arith.addi %mul3A_0, %arg0 : i32
    %scan3A = arith.constant 0 : i32
    %scan3A_1 = arith.constant 0 : i32
    %scan3A_2 = arith.constant 64 : i32
    %scan3A_3 = arith.addi %scan3A_1, %scan3A_2 : i32
    %scan3A_4 = arith.constant 1 : i32
    %scan3A_5 = scf.for %scan3A_31 = %scan3A_1 to %scan3A_3 step %scan3A_4 iter_args(%scan3A_32 = %scan3A) -> (i32)  : i32 {
      %scan3A_33 = arith.constant 0 : i32
      %scan3A_34 = arith.constant 0 : i32
      %broadcast_in_dim3A = arith.constant 0.000000e+00 : f32
      %broadcast_in_dim3A_35 = vector.broadcast %broadcast_in_dim3A : f32 to vector<16xf32>
      %mul3A_36 = arith.constant 16 : i32
      %mul3A_37 = arith.muli %scan3A_34, %mul3A_36 : i32
      %swap3A = arith.index_cast %scan3A_31 : i32 to index
      %swap3A_38 = arith.index_cast %mul3A_37 : i32 to index
      %swap3A_39 = tpu.vector_load %arg9[%swap3A, %swap3A_38] {strides = array<i32>} : memref<64x16xf32, #tpu.memory_space<vmem>>, vector<1x16xf32>,
      %swap3A_40 = vector.shape_cast %swap3A_39 : vector<1x16xf32> to vector<16xf32>
      %swap3A_41 = vector.shape_cast %broadcast_in_dim3A_35 : vector<16xf32> to vector<1x16xf32>
      tpu.vector_store %arg9[%swap3A, %swap3A_38], %swap3A_41 {strides = array<i32>} : memref<64x16xf32, #tpu.memory_space<vmem>>, vector<1x16xf32>,
      %scan3A_42 = arith.constant 0 : i32
      %scan3A_43 = arith.constant 1 : i32
      scf.yield %scan3A_42 : i32
    }
    %scan3A_6 = arith.constant 64 : i32
    %scan3A_7 = arith.constant 0 : i32
    %scan3A_8 = arith.constant 0 : i32
    %scan3A_9 = arith.constant 10 : i32
    %scan3A_10 = arith.addi %scan3A_8, %scan3A_9 : i32
    %scan3A_11 = arith.constant 1 : i32
    %scan3A_12 = scf.for %scan3A_31 = %scan3A_8 to %scan3A_10 step %scan3A_11 iter_args(%scan3A_32 = %scan3A_7) -> (i32)  : i32 {
      %mul3A_33 = arith.constant 640 : i32
      %mul3A_34 = arith.muli %arg1, %mul3A_33 : i32
      %mul3A_35 = arith.constant 64 : i32
      %mul3A_36 = arith.muli %scan3A_31, %mul3A_35 : i32
      %add3A_37 = arith.addi %mul3A_34, %mul3A_36 : i32
      "tpu.region"() ({
        %run_scoped3A = tpu.sem_alloc : memref<!tpu.dma_semaphore, #tpu.memory_space<semaphore_mem>>
        %dma_start3A = arith.constant 0 : i32
        %dma_start3A_39 = tpu.memref_slice %arg10[%add3A_37, %dma_start3A] : memref<10240x16xf32, #tpu.memory_space<vmem_shared>> -> memref<64x16xf32, #tpu.memory_space<vmem_shared>>
        %dma_start3A_40 = arith.constant 0 : i32
        %dma_start3A_41 = tpu.memref_slice %arg10[%add3A_37, %dma_start3A_40] : memref<10240x16xf32, #tpu.memory_space<vmem_shared>> -> memref<64x16xf32, #tpu.memory_space<vmem_shared>>
        tpu.enqueue_dma source(%arg9 : memref<64x16xf32, #tpu.memory_space<vmem>>) target(%dma_start3A_41 : memref<64x16xf32, #tpu.memory_space<vmem_shared>>) target_semaphore(%run_scoped3A : memref<!tpu.dma_semaphore, #tpu.memory_space<semaphore_mem>>)
        %dma_wait3A = arith.constant 0 : i32
        %dma_wait3A_42 = tpu.memref_slice %arg10[%add3A_37, %dma_wait3A] : memref<10240x16xf32, #tpu.memory_space<vmem_shared>> -> memref<64x16xf32, #tpu.memory_space<vmem_shared>>
        %dma_wait3A_43 = arith.constant 0 : i32
        %dma_wait3A_44 = tpu.memref_slice %arg10[%add3A_37, %dma_wait3A_43] : memref<10240x16xf32, #tpu.memory_space<vmem_shared>> -> memref<64x16xf32, #tpu.memory_space<vmem_shared>>
        tpu.wait_dma2 semaphore(%run_scoped3A : memref<!tpu.dma_semaphore, #tpu.memory_space<semaphore_mem>>) src(%arg9 : memref<64x16xf32, #tpu.memory_space<vmem>>) dst(%dma_wait3A_44 : memref<64x16xf32, #tpu.memory_space<vmem_shared>>)
        tpu.yield
      }) : () -> ()
      %scan3A_38 = arith.constant 0 : i32
      scf.yield %scan3A_38 : i32
    }
    %scan3A_13 = arith.constant 10 : i32
    %barrier3A = arith.constant 0 : index
    tpu.barrier barrier_id(%barrier3A)
    %mul3A_14 = arith.constant 10112 : i32
    %mul3A_15 = arith.muli %add3A, %mul3A_14 : i32
    %scan3A_16 = arith.constant 0 : i32
    %scan3A_17 = arith.constant 0 : i32
    %scan3A_18 = arith.constant 79 : i32
    %scan3A_19 = arith.addi %scan3A_17, %scan3A_18 : i32
    %scan3A_20 = arith.constant 1 : i32
    %scan3A_21 = scf.for %scan3A_31 = %scan3A_17 to %scan3A_19 step %scan3A_20 iter_args(%scan3A_32 = %scan3A_16) -> (i32)  : i32 {
      %mul3A_33 = arith.constant 128 : i32
      %mul3A_34 = arith.muli %scan3A_31, %mul3A_33 : i32
      %add3A_35 = arith.addi %mul3A_15, %mul3A_34 : i32
      "tpu.region"() ({
        %run_scoped3A = tpu.sem_alloc : memref<!tpu.dma_semaphore, #tpu.memory_space<semaphore_mem>>
        %dma_start3A_41 = tpu.memref_slice %arg3[%add3A_35] : memref<323584xi32, #tpu.memory_space<hbm>> -> memref<128xi32, #tpu.memory_space<hbm>>
        %dma_start3A_42 = tpu.memref_slice %arg3[%add3A_35] : memref<323584xi32, #tpu.memory_space<hbm>> -> memref<128xi32, #tpu.memory_space<hbm>>
        tpu.enqueue_dma source(%dma_start3A_42 : memref<128xi32, #tpu.memory_space<hbm>>) target(%arg6 : memref<128xi32, #tpu.memory_space<vmem>>) target_semaphore(%run_scoped3A : memref<!tpu.dma_semaphore, #tpu.memory_space<semaphore_mem>>)
        %dma_wait3A_43 = tpu.memref_slice %arg3[%add3A_35] : memref<323584xi32, #tpu.memory_space<hbm>> -> memref<128xi32, #tpu.memory_space<hbm>>
        %dma_wait3A_44 = tpu.memref_slice %arg3[%add3A_35] : memref<323584xi32, #tpu.memory_space<hbm>> -> memref<128xi32, #tpu.memory_space<hbm>>
        tpu.wait_dma2 semaphore(%run_scoped3A : memref<!tpu.dma_semaphore, #tpu.memory_space<semaphore_mem>>) src(%dma_wait3A_44 : memref<128xi32, #tpu.memory_space<hbm>>) dst(%arg6 : memref<128xi32, #tpu.memory_space<vmem>>)
        tpu.yield
      }) : () -> ()
      "tpu.region"() ({
        %run_scoped3A = tpu.sem_alloc : memref<!tpu.dma_semaphore, #tpu.memory_space<semaphore_mem>>
        %dma_start3A_41 = tpu.memref_slice %arg4[%add3A_35] : memref<323584xi32, #tpu.memory_space<hbm>> -> memref<128xi32, #tpu.memory_space<hbm>>
        %dma_start3A_42 = tpu.memref_slice %arg4[%add3A_35] : memref<323584xi32, #tpu.memory_space<hbm>> -> memref<128xi32, #tpu.memory_space<hbm>>
        tpu.enqueue_dma source(%dma_start3A_42 : memref<128xi32, #tpu.memory_space<hbm>>) target(%arg7 : memref<128xi32, #tpu.memory_space<vmem>>) target_semaphore(%run_scoped3A : memref<!tpu.dma_semaphore, #tpu.memory_space<semaphore_mem>>)
        %dma_wait3A_43 = tpu.memref_slice %arg4[%add3A_35] : memref<323584xi32, #tpu.memory_space<hbm>> -> memref<128xi32, #tpu.memory_space<hbm>>
        %dma_wait3A_44 = tpu.memref_slice %arg4[%add3A_35] : memref<323584xi32, #tpu.memory_space<hbm>> -> memref<128xi32, #tpu.memory_space<hbm>>
        tpu.wait_dma2 semaphore(%run_scoped3A : memref<!tpu.dma_semaphore, #tpu.memory_space<semaphore_mem>>) src(%dma_wait3A_44 : memref<128xi32, #tpu.memory_space<hbm>>) dst(%arg7 : memref<128xi32, #tpu.memory_space<vmem>>)
        tpu.yield
      }) : () -> ()
      %dma_start3A = arith.constant 0 : i32
      %dma_start3A_36 = arith.constant 0 : i32
      %dma_start3A_37 = tpu.memref_slice %arg2[%dma_start3A, %dma_start3A_36] : memref<10240x16xf32, #tpu.memory_space<hbm>> -> memref<10240x16xf32, #tpu.memory_space<hbm>>
      tpu.enqueue_indirect_dma source(%dma_start3A_37 : memref<10240x16xf32, #tpu.memory_space<hbm>>) target(%arg8 : memref<128x16xf32, #tpu.memory_space<vmem>>) offsets(%arg6 : memref<128xi32, #tpu.memory_space<vmem>>) semaphore(%arg11 : memref<!tpu.dma_semaphore, #tpu.memory_space<semaphore_mem>>)
      %dma_wait3A = arith.constant 0 : i32
      %dma_wait3A_38 = arith.constant 0 : i32
      %dma_wait3A_39 = tpu.memref_slice %arg2[%dma_wait3A, %dma_wait3A_38] : memref<10240x16xf32, #tpu.memory_space<hbm>> -> memref<10240x16xf32, #tpu.memory_space<hbm>>
      tpu.wait_indirect_dma semaphore(%arg11 : memref<!tpu.dma_semaphore, #tpu.memory_space<semaphore_mem>>) src(%dma_wait3A_39 : memref<10240x16xf32, #tpu.memory_space<hbm>>) dst(%arg8 : memref<128x16xf32, #tpu.memory_space<vmem>>)
      "tpu.region"() ({
        %run_scoped3A = tpu.sem_alloc : memref<!tpu.dma_semaphore, #tpu.memory_space<semaphore_mem>>
        %dma_start3A_41 = arith.constant 0 : i32
        %dma_start3A_42 = arith.constant 0 : i32
        %dma_start3A_43 = tpu.memref_slice %arg10[%dma_start3A_41, %dma_start3A_42] : memref<10240x16xf32, #tpu.memory_space<vmem_shared>> -> memref<10240x16xf32, #tpu.memory_space<vmem_shared>>
        tpu.enqueue_indirect_dma source(%arg8 : memref<128x16xf32, #tpu.memory_space<vmem>>) target(%dma_start3A_43 : memref<10240x16xf32, #tpu.memory_space<vmem_shared>>) offsets(%arg7 : memref<128xi32, #tpu.memory_space<vmem>>) semaphore(%run_scoped3A : memref<!tpu.dma_semaphore, #tpu.memory_space<semaphore_mem>>) {add = true}
        %dma_wait3A_44 = arith.constant 0 : i32
        %dma_wait3A_45 = arith.constant 0 : i32
        %dma_wait3A_46 = tpu.memref_slice %arg10[%dma_wait3A_44, %dma_wait3A_45] : memref<10240x16xf32, #tpu.memory_space<vmem_shared>> -> memref<10240x16xf32, #tpu.memory_space<vmem_shared>>
        tpu.wait_indirect_dma semaphore(%run_scoped3A : memref<!tpu.dma_semaphore, #tpu.memory_space<semaphore_mem>>) src(%arg8 : memref<128x16xf32, #tpu.memory_space<vmem>>) dst(%dma_wait3A_46 : memref<10240x16xf32, #tpu.memory_space<vmem_shared>>)
        tpu.yield
      }) : () -> ()
      %scan3A_40 = arith.constant 0 : i32
      scf.yield %scan3A_40 : i32
    }
    %scan3A_22 = arith.constant 79 : i32
    %barrier3A_23 = arith.constant 0 : index
    tpu.barrier barrier_id(%barrier3A_23)
    %mul3A_24 = arith.constant 640 : i32
    %mul3A_25 = arith.muli %arg1, %mul3A_24 : i32
    %mul3A_26 = arith.constant 10240 : i32
    %mul3A_27 = arith.muli %arg0, %mul3A_26 : i32
    %mul3A_28 = arith.constant 640 : i32
    %mul3A_29 = arith.muli %arg1, %mul3A_28 : i32
    %add3A_30 = arith.addi %mul3A_27, %mul3A_29 : i32
    "tpu.region"() ({
      %run_scoped3A = tpu.sem_alloc : memref<!tpu.dma_semaphore, #tpu.memory_space<semaphore_mem>>
      %dma_start3A = arith.constant 0 : i32
      %dma_start3A_31 = tpu.memref_slice %arg5[%add3A_30, %dma_start3A] : memref<20480x16xf32, #tpu.memory_space<hbm>> -> memref<640x16xf32, #tpu.memory_space<hbm>>
      %dma_start3A_32 = arith.constant 0 : i32
      %dma_start3A_33 = tpu.memref_slice %arg10[%mul3A_25, %dma_start3A_32] : memref<10240x16xf32, #tpu.memory_space<vmem_shared>> -> memref<640x16xf32, #tpu.memory_space<vmem_shared>>
      tpu.enqueue_dma source(%dma_start3A_33 : memref<640x16xf32, #tpu.memory_space<vmem_shared>>) target(%dma_start3A_31 : memref<640x16xf32, #tpu.memory_space<hbm>>) target_semaphore(%run_scoped3A : memref<!tpu.dma_semaphore, #tpu.memory_space<semaphore_mem>>)
      %dma_wait3A = arith.constant 0 : i32
      %dma_wait3A_34 = tpu.memref_slice %arg5[%add3A_30, %dma_wait3A] : memref<20480x16xf32, #tpu.memory_space<hbm>> -> memref<640x16xf32, #tpu.memory_space<hbm>>
      %dma_wait3A_35 = arith.constant 0 : i32
      %dma_wait3A_36 = tpu.memref_slice %arg10[%mul3A_25, %dma_wait3A_35] : memref<10240x16xf32, #tpu.memory_space<vmem_shared>> -> memref<640x16xf32, #tpu.memory_space<vmem_shared>>
      tpu.wait_dma2 semaphore(%run_scoped3A : memref<!tpu.dma_semaphore, #tpu.memory_space<semaphore_mem>>) src(%dma_wait3A_36 : memref<640x16xf32, #tpu.memory_space<vmem_shared>>) dst(%dma_wait3A_34 : memref<640x16xf32, #tpu.memory_space<hbm>>)
      tpu.yield
    }) : () -> ()
    return
  }
}

#map = affine_map<(d0, d1) -> (0, 0)>
#map1 = affine_map<(d0, d1) -> (0)>
module attributes {stable_mosaic.version = 14 : i64} {
  func.func @body(%arg0: i32, %arg1: i32, %arg2: memref<10240x128xf32, #tpu.memory_space<hbm>>, %arg3: memref<323584xi32, #tpu.memory_space<hbm>>, %arg4: memref<323584xi32, #tpu.memory_space<hbm>>, %arg5: memref<20480x128xf32, #tpu.memory_space<hbm>>, %arg6: memref<128xi32, #tpu.memory_space<vmem>>, %arg7: memref<128xi32, #tpu.memory_space<vmem>>, %arg8: memref<128x128xf32, #tpu.memory_space<vmem>>, %arg9: memref<64x128xf32, #tpu.memory_space<vmem>>, %arg10: memref<10240x128xf32, #tpu.memory_space<vmem_shared>>, %arg11: memref<!tpu.dma_semaphore, #tpu.memory_space<semaphore_mem>>) attributes {dimension_semantics = [#tpu.dimension_semantics<core_parallel>, #tpu.dimension_semantics<subcore_parallel>], iteration_bounds = array<i64: 2, 16>, scalar_prefetch = 0 : i64, scratch_operands = 6 : i64, tpu.core_type = #tpu.core_type<sc_vector_subcore>, window_params = [{transform_indices = #map}, {transform_indices = #map1}, {transform_indices = #map1}, {transform_indices = #map}]} {
    %mul3A = arith.constant 2 : i32
    %mul3A_0 = arith.muli %arg1, %mul3A : i32
    %add3A = arith.addi %mul3A_0, %arg0 : i32
    %scan3A = arith.constant 0 : i32
    %scan3A_1 = arith.constant 0 : i32
    %scan3A_2 = arith.constant 64 : i32
    %scan3A_3 = arith.addi %scan3A_1, %scan3A_2 : i32
    %scan3A_4 = arith.constant 1 : i32
    %scan3A_5 = scf.for %scan3A_31 = %scan3A_1 to %scan3A_3 step %scan3A_4 iter_args(%scan3A_32 = %scan3A) -> (i32)  : i32 {
      %scan3A_33 = arith.constant 0 : i32
      %scan3A_34 = arith.constant 0 : i32
      %scan3A_35 = arith.constant 8 : i32
      %scan3A_36 = arith.addi %scan3A_34, %scan3A_35 : i32
      %scan3A_37 = arith.constant 1 : i32
      %scan3A_38 = scf.for %scan3A_40 = %scan3A_34 to %scan3A_36 step %scan3A_37 iter_args(%scan3A_41 = %scan3A_33) -> (i32)  : i32 {
        %broadcast_in_dim3A = arith.constant 0.000000e+00 : f32
        %broadcast_in_dim3A_42 = vector.broadcast %broadcast_in_dim3A : f32 to vector<16xf32>
        %mul3A_43 = arith.constant 16 : i32
        %mul3A_44 = arith.muli %scan3A_40, %mul3A_43 : i32
        %swap3A = arith.index_cast %scan3A_31 : i32 to index
        %swap3A_45 = arith.index_cast %mul3A_44 : i32 to index
        %swap3A_46 = tpu.vector_load %arg9[%swap3A, %swap3A_45] {strides = array<i32>} : memref<64x128xf32, #tpu.memory_space<vmem>>, vector<1x16xf32>,
        %swap3A_47 = vector.shape_cast %swap3A_46 : vector<1x16xf32> to vector<16xf32>
        %swap3A_48 = vector.shape_cast %broadcast_in_dim3A_42 : vector<16xf32> to vector<1x16xf32>
        tpu.vector_store %arg9[%swap3A, %swap3A_45], %swap3A_48 {strides = array<i32>} : memref<64x128xf32, #tpu.memory_space<vmem>>, vector<1x16xf32>,
        %scan3A_49 = arith.constant 0 : i32
        scf.yield %scan3A_49 : i32
      }
      %scan3A_39 = arith.constant 8 : i32
      scf.yield %scan3A_38 : i32
    }
    %scan3A_6 = arith.constant 64 : i32
    %scan3A_7 = arith.constant 0 : i32
    %scan3A_8 = arith.constant 0 : i32
    %scan3A_9 = arith.constant 10 : i32
    %scan3A_10 = arith.addi %scan3A_8, %scan3A_9 : i32
    %scan3A_11 = arith.constant 1 : i32
    %scan3A_12 = scf.for %scan3A_31 = %scan3A_8 to %scan3A_10 step %scan3A_11 iter_args(%scan3A_32 = %scan3A_7) -> (i32)  : i32 {
      %mul3A_33 = arith.constant 640 : i32
      %mul3A_34 = arith.muli %arg1, %mul3A_33 : i32
      %mul3A_35 = arith.constant 64 : i32
      %mul3A_36 = arith.muli %scan3A_31, %mul3A_35 : i32
      %add3A_37 = arith.addi %mul3A_34, %mul3A_36 : i32
      "tpu.region"() ({
        %run_scoped3A = tpu.sem_alloc : memref<!tpu.dma_semaphore, #tpu.memory_space<semaphore_mem>>
        %dma_start3A = arith.constant 0 : i32
        %dma_start3A_39 = tpu.memref_slice %arg10[%add3A_37, %dma_start3A] : memref<10240x128xf32, #tpu.memory_space<vmem_shared>> -> memref<64x128xf32, #tpu.memory_space<vmem_shared>>
        %dma_start3A_40 = arith.constant 0 : i32
        %dma_start3A_41 = tpu.memref_slice %arg10[%add3A_37, %dma_start3A_40] : memref<10240x128xf32, #tpu.memory_space<vmem_shared>> -> memref<64x128xf32, #tpu.memory_space<vmem_shared>>
        tpu.enqueue_dma source(%arg9 : memref<64x128xf32, #tpu.memory_space<vmem>>) target(%dma_start3A_41 : memref<64x128xf32, #tpu.memory_space<vmem_shared>>) target_semaphore(%run_scoped3A : memref<!tpu.dma_semaphore, #tpu.memory_space<semaphore_mem>>)
        %dma_wait3A = arith.constant 0 : i32
        %dma_wait3A_42 = tpu.memref_slice %arg10[%add3A_37, %dma_wait3A] : memref<10240x128xf32, #tpu.memory_space<vmem_shared>> -> memref<64x128xf32, #tpu.memory_space<vmem_shared>>
        %dma_wait3A_43 = arith.constant 0 : i32
        %dma_wait3A_44 = tpu.memref_slice %arg10[%add3A_37, %dma_wait3A_43] : memref<10240x128xf32, #tpu.memory_space<vmem_shared>> -> memref<64x128xf32, #tpu.memory_space<vmem_shared>>
        tpu.wait_dma2 semaphore(%run_scoped3A : memref<!tpu.dma_semaphore, #tpu.memory_space<semaphore_mem>>) src(%arg9 : memref<64x128xf32, #tpu.memory_space<vmem>>) dst(%dma_wait3A_44 : memref<64x128xf32, #tpu.memory_space<vmem_shared>>)
        tpu.yield
      }) : () -> ()
      %scan3A_38 = arith.constant 0 : i32
      scf.yield %scan3A_38 : i32
    }
    %scan3A_13 = arith.constant 10 : i32
    %barrier3A = arith.constant 0 : index
    tpu.barrier barrier_id(%barrier3A)
    %mul3A_14 = arith.constant 10112 : i32
    %mul3A_15 = arith.muli %add3A, %mul3A_14 : i32
    %scan3A_16 = arith.constant 0 : i32
    %scan3A_17 = arith.constant 0 : i32
    %scan3A_18 = arith.constant 79 : i32
    %scan3A_19 = arith.addi %scan3A_17, %scan3A_18 : i32
    %scan3A_20 = arith.constant 1 : i32
    %scan3A_21 = scf.for %scan3A_31 = %scan3A_17 to %scan3A_19 step %scan3A_20 iter_args(%scan3A_32 = %scan3A_16) -> (i32)  : i32 {
      %mul3A_33 = arith.constant 128 : i32
      %mul3A_34 = arith.muli %scan3A_31, %mul3A_33 : i32
      %add3A_35 = arith.addi %mul3A_15, %mul3A_34 : i32
      "tpu.region"() ({
        %run_scoped3A = tpu.sem_alloc : memref<!tpu.dma_semaphore, #tpu.memory_space<semaphore_mem>>
        %dma_start3A_41 = tpu.memref_slice %arg3[%add3A_35] : memref<323584xi32, #tpu.memory_space<hbm>> -> memref<128xi32, #tpu.memory_space<hbm>>
        %dma_start3A_42 = tpu.memref_slice %arg3[%add3A_35] : memref<323584xi32, #tpu.memory_space<hbm>> -> memref<128xi32, #tpu.memory_space<hbm>>
        tpu.enqueue_dma source(%dma_start3A_42 : memref<128xi32, #tpu.memory_space<hbm>>) target(%arg6 : memref<128xi32, #tpu.memory_space<vmem>>) target_semaphore(%run_scoped3A : memref<!tpu.dma_semaphore, #tpu.memory_space<semaphore_mem>>)
        %dma_wait3A_43 = tpu.memref_slice %arg3[%add3A_35] : memref<323584xi32, #tpu.memory_space<hbm>> -> memref<128xi32, #tpu.memory_space<hbm>>
        %dma_wait3A_44 = tpu.memref_slice %arg3[%add3A_35] : memref<323584xi32, #tpu.memory_space<hbm>> -> memref<128xi32, #tpu.memory_space<hbm>>
        tpu.wait_dma2 semaphore(%run_scoped3A : memref<!tpu.dma_semaphore, #tpu.memory_space<semaphore_mem>>) src(%dma_wait3A_44 : memref<128xi32, #tpu.memory_space<hbm>>) dst(%arg6 : memref<128xi32, #tpu.memory_space<vmem>>)
        tpu.yield
      }) : () -> ()
      "tpu.region"() ({
        %run_scoped3A = tpu.sem_alloc : memref<!tpu.dma_semaphore, #tpu.memory_space<semaphore_mem>>
        %dma_start3A_41 = tpu.memref_slice %arg4[%add3A_35] : memref<323584xi32, #tpu.memory_space<hbm>> -> memref<128xi32, #tpu.memory_space<hbm>>
        %dma_start3A_42 = tpu.memref_slice %arg4[%add3A_35] : memref<323584xi32, #tpu.memory_space<hbm>> -> memref<128xi32, #tpu.memory_space<hbm>>
        tpu.enqueue_dma source(%dma_start3A_42 : memref<128xi32, #tpu.memory_space<hbm>>) target(%arg7 : memref<128xi32, #tpu.memory_space<vmem>>) target_semaphore(%run_scoped3A : memref<!tpu.dma_semaphore, #tpu.memory_space<semaphore_mem>>)
        %dma_wait3A_43 = tpu.memref_slice %arg4[%add3A_35] : memref<323584xi32, #tpu.memory_space<hbm>> -> memref<128xi32, #tpu.memory_space<hbm>>
        %dma_wait3A_44 = tpu.memref_slice %arg4[%add3A_35] : memref<323584xi32, #tpu.memory_space<hbm>> -> memref<128xi32, #tpu.memory_space<hbm>>
        tpu.wait_dma2 semaphore(%run_scoped3A : memref<!tpu.dma_semaphore, #tpu.memory_space<semaphore_mem>>) src(%dma_wait3A_44 : memref<128xi32, #tpu.memory_space<hbm>>) dst(%arg7 : memref<128xi32, #tpu.memory_space<vmem>>)
        tpu.yield
      }) : () -> ()
      %dma_start3A = arith.constant 0 : i32
      %dma_start3A_36 = arith.constant 0 : i32
      %dma_start3A_37 = tpu.memref_slice %arg2[%dma_start3A, %dma_start3A_36] : memref<10240x128xf32, #tpu.memory_space<hbm>> -> memref<10240x128xf32, #tpu.memory_space<hbm>>
      tpu.enqueue_indirect_dma source(%dma_start3A_37 : memref<10240x128xf32, #tpu.memory_space<hbm>>) target(%arg8 : memref<128x128xf32, #tpu.memory_space<vmem>>) offsets(%arg6 : memref<128xi32, #tpu.memory_space<vmem>>) semaphore(%arg11 : memref<!tpu.dma_semaphore, #tpu.memory_space<semaphore_mem>>)
      %dma_wait3A = arith.constant 0 : i32
      %dma_wait3A_38 = arith.constant 0 : i32
      %dma_wait3A_39 = tpu.memref_slice %arg2[%dma_wait3A, %dma_wait3A_38] : memref<10240x128xf32, #tpu.memory_space<hbm>> -> memref<10240x128xf32, #tpu.memory_space<hbm>>
      tpu.wait_indirect_dma semaphore(%arg11 : memref<!tpu.dma_semaphore, #tpu.memory_space<semaphore_mem>>) src(%dma_wait3A_39 : memref<10240x128xf32, #tpu.memory_space<hbm>>) dst(%arg8 : memref<128x128xf32, #tpu.memory_space<vmem>>)
      "tpu.region"() ({
        %run_scoped3A = tpu.sem_alloc : memref<!tpu.dma_semaphore, #tpu.memory_space<semaphore_mem>>
        %dma_start3A_41 = arith.constant 0 : i32
        %dma_start3A_42 = arith.constant 0 : i32
        %dma_start3A_43 = tpu.memref_slice %arg10[%dma_start3A_41, %dma_start3A_42] : memref<10240x128xf32, #tpu.memory_space<vmem_shared>> -> memref<10240x128xf32, #tpu.memory_space<vmem_shared>>
        tpu.enqueue_indirect_dma source(%arg8 : memref<128x128xf32, #tpu.memory_space<vmem>>) target(%dma_start3A_43 : memref<10240x128xf32, #tpu.memory_space<vmem_shared>>) offsets(%arg7 : memref<128xi32, #tpu.memory_space<vmem>>) semaphore(%run_scoped3A : memref<!tpu.dma_semaphore, #tpu.memory_space<semaphore_mem>>) {add = true}
        %dma_wait3A_44 = arith.constant 0 : i32
        %dma_wait3A_45 = arith.constant 0 : i32
        %dma_wait3A_46 = tpu.memref_slice %arg10[%dma_wait3A_44, %dma_wait3A_45] : memref<10240x128xf32, #tpu.memory_space<vmem_shared>> -> memref<10240x128xf32, #tpu.memory_space<vmem_shared>>
        tpu.wait_indirect_dma semaphore(%run_scoped3A : memref<!tpu.dma_semaphore, #tpu.memory_space<semaphore_mem>>) src(%arg8 : memref<128x128xf32, #tpu.memory_space<vmem>>) dst(%dma_wait3A_46 : memref<10240x128xf32, #tpu.memory_space<vmem_shared>>)
        tpu.yield
      }) : () -> ()
      %scan3A_40 = arith.constant 0 : i32
      scf.yield %scan3A_40 : i32
    }
    %scan3A_22 = arith.constant 79 : i32
    %barrier3A_23 = arith.constant 0 : index
    tpu.barrier barrier_id(%barrier3A_23)
    %mul3A_24 = arith.constant 640 : i32
    %mul3A_25 = arith.muli %arg1, %mul3A_24 : i32
    %mul3A_26 = arith.constant 10240 : i32
    %mul3A_27 = arith.muli %arg0, %mul3A_26 : i32
    %mul3A_28 = arith.constant 640 : i32
    %mul3A_29 = arith.muli %arg1, %mul3A_28 : i32
    %add3A_30 = arith.addi %mul3A_27, %mul3A_29 : i32
    "tpu.region"() ({
      %run_scoped3A = tpu.sem_alloc : memref<!tpu.dma_semaphore, #tpu.memory_space<semaphore_mem>>
      %dma_start3A = arith.constant 0 : i32
      %dma_start3A_31 = tpu.memref_slice %arg5[%add3A_30, %dma_start3A] : memref<20480x128xf32, #tpu.memory_space<hbm>> -> memref<640x128xf32, #tpu.memory_space<hbm>>
      %dma_start3A_32 = arith.constant 0 : i32
      %dma_start3A_33 = tpu.memref_slice %arg10[%mul3A_25, %dma_start3A_32] : memref<10240x128xf32, #tpu.memory_space<vmem_shared>> -> memref<640x128xf32, #tpu.memory_space<vmem_shared>>
      tpu.enqueue_dma source(%dma_start3A_33 : memref<640x128xf32, #tpu.memory_space<vmem_shared>>) target(%dma_start3A_31 : memref<640x128xf32, #tpu.memory_space<hbm>>) target_semaphore(%run_scoped3A : memref<!tpu.dma_semaphore, #tpu.memory_space<semaphore_mem>>)
      %dma_wait3A = arith.constant 0 : i32
      %dma_wait3A_34 = tpu.memref_slice %arg5[%add3A_30, %dma_wait3A] : memref<20480x128xf32, #tpu.memory_space<hbm>> -> memref<640x128xf32, #tpu.memory_space<hbm>>
      %dma_wait3A_35 = arith.constant 0 : i32
      %dma_wait3A_36 = tpu.memref_slice %arg10[%mul3A_25, %dma_wait3A_35] : memref<10240x128xf32, #tpu.memory_space<vmem_shared>> -> memref<640x128xf32, #tpu.memory_space<vmem_shared>>
      tpu.wait_dma2 semaphore(%run_scoped3A : memref<!tpu.dma_semaphore, #tpu.memory_space<semaphore_mem>>) src(%dma_wait3A_36 : memref<640x128xf32, #tpu.memory_space<vmem_shared>>) dst(%dma_wait3A_34 : memref<640x128xf32, #tpu.memory_space<hbm>>)
      tpu.yield
    }) : () -> ()
    return
  }
}

#map = affine_map<(d0, d1) -> (0, 0)>
#map1 = affine_map<(d0, d1) -> (0)>
module attributes {stable_mosaic.version = 14 : i64} {
  func.func @body(%arg0: i32, %arg1: i32, %arg2: memref<10240x128xf32, #tpu.memory_space<hbm>>, %arg3: memref<323584xi32, #tpu.memory_space<hbm>>, %arg4: memref<323584xi32, #tpu.memory_space<hbm>>, %arg5: memref<20480x128xf32, #tpu.memory_space<hbm>>, %arg6: memref<128xi32, #tpu.memory_space<vmem>>, %arg7: memref<128xi32, #tpu.memory_space<vmem>>, %arg8: memref<128x128xf32, #tpu.memory_space<vmem>>, %arg9: memref<64x128xf32, #tpu.memory_space<vmem>>, %arg10: memref<10240x128xf32, #tpu.memory_space<vmem_shared>>, %arg11: memref<!tpu.dma_semaphore, #tpu.memory_space<semaphore_mem>>) attributes {dimension_semantics = [#tpu.dimension_semantics<core_parallel>, #tpu.dimension_semantics<subcore_parallel>], iteration_bounds = array<i64: 2, 16>, scalar_prefetch = 0 : i64, scratch_operands = 6 : i64, tpu.core_type = #tpu.core_type<sc_vector_subcore>, window_params = [{transform_indices = #map}, {transform_indices = #map1}, {transform_indices = #map1}, {transform_indices = #map}]} {
    %mul3A = arith.constant 2 : i32
    %mul3A_0 = arith.muli %arg1, %mul3A : i32
    %add3A = arith.addi %mul3A_0, %arg0 : i32
    %scan3A = arith.constant 0 : i32
    %scan3A_1 = arith.constant 0 : i32
    %scan3A_2 = arith.constant 64 : i32
    %scan3A_3 = arith.addi %scan3A_1, %scan3A_2 : i32
    %scan3A_4 = arith.constant 1 : i32
    %scan3A_5 = scf.for %scan3A_31 = %scan3A_1 to %scan3A_3 step %scan3A_4 iter_args(%scan3A_32 = %scan3A) -> (i32)  : i32 {
      %scan3A_33 = arith.constant 0 : i32
      %scan3A_34 = arith.constant 0 : i32
      %scan3A_35 = arith.constant 8 : i32
      %scan3A_36 = arith.addi %scan3A_34, %scan3A_35 : i32
      %scan3A_37 = arith.constant 1 : i32
      %scan3A_38 = scf.for %scan3A_40 = %scan3A_34 to %scan3A_36 step %scan3A_37 iter_args(%scan3A_41 = %scan3A_33) -> (i32)  : i32 {
        %broadcast_in_dim3A = arith.constant 0.000000e+00 : f32
        %broadcast_in_dim3A_42 = vector.broadcast %broadcast_in_dim3A : f32 to vector<16xf32>
        %mul3A_43 = arith.constant 16 : i32
        %mul3A_44 = arith.muli %scan3A_40, %mul3A_43 : i32
        %swap3A = arith.index_cast %scan3A_31 : i32 to index
        %swap3A_45 = arith.index_cast %mul3A_44 : i32 to index
        %swap3A_46 = tpu.vector_load %arg9[%swap3A, %swap3A_45] {strides = array<i32>} : memref<64x128xf32, #tpu.memory_space<vmem>>, vector<1x16xf32>,
        %swap3A_47 = vector.shape_cast %swap3A_46 : vector<1x16xf32> to vector<16xf32>
        %swap3A_48 = vector.shape_cast %broadcast_in_dim3A_42 : vector<16xf32> to vector<1x16xf32>
        tpu.vector_store %arg9[%swap3A, %swap3A_45], %swap3A_48 {strides = array<i32>} : memref<64x128xf32, #tpu.memory_space<vmem>>, vector<1x16xf32>,
        %scan3A_49 = arith.constant 0 : i32
        scf.yield %scan3A_49 : i32
      }
      %scan3A_39 = arith.constant 8 : i32
      scf.yield %scan3A_38 : i32
    }
    %scan3A_6 = arith.constant 64 : i32
    %scan3A_7 = arith.constant 0 : i32
    %scan3A_8 = arith.constant 0 : i32
    %scan3A_9 = arith.constant 10 : i32
    %scan3A_10 = arith.addi %scan3A_8, %scan3A_9 : i32
    %scan3A_11 = arith.constant 1 : i32
    %scan3A_12 = scf.for %scan3A_31 = %scan3A_8 to %scan3A_10 step %scan3A_11 iter_args(%scan3A_32 = %scan3A_7) -> (i32)  : i32 {
      %mul3A_33 = arith.constant 640 : i32
      %mul3A_34 = arith.muli %arg1, %mul3A_33 : i32
      %mul3A_35 = arith.constant 64 : i32
      %mul3A_36 = arith.muli %scan3A_31, %mul3A_35 : i32
      %add3A_37 = arith.addi %mul3A_34, %mul3A_36 : i32
      "tpu.region"() ({
        %run_scoped3A = tpu.sem_alloc : memref<!tpu.dma_semaphore, #tpu.memory_space<semaphore_mem>>
        %dma_start3A = arith.constant 0 : i32
        %dma_start3A_39 = tpu.memref_slice %arg10[%add3A_37, %dma_start3A] : memref<10240x128xf32, #tpu.memory_space<vmem_shared>> -> memref<64x128xf32, #tpu.memory_space<vmem_shared>>
        %dma_start3A_40 = arith.constant 0 : i32
        %dma_start3A_41 = tpu.memref_slice %arg10[%add3A_37, %dma_start3A_40] : memref<10240x128xf32, #tpu.memory_space<vmem_shared>> -> memref<64x128xf32, #tpu.memory_space<vmem_shared>>
        tpu.enqueue_dma source(%arg9 : memref<64x128xf32, #tpu.memory_space<vmem>>) target(%dma_start3A_41 : memref<64x128xf32, #tpu.memory_space<vmem_shared>>) target_semaphore(%run_scoped3A : memref<!tpu.dma_semaphore, #tpu.memory_space<semaphore_mem>>)
        %dma_wait3A = arith.constant 0 : i32
        %dma_wait3A_42 = tpu.memref_slice %arg10[%add3A_37, %dma_wait3A] : memref<10240x128xf32, #tpu.memory_space<vmem_shared>> -> memref<64x128xf32, #tpu.memory_space<vmem_shared>>
        %dma_wait3A_43 = arith.constant 0 : i32
        %dma_wait3A_44 = tpu.memref_slice %arg10[%add3A_37, %dma_wait3A_43] : memref<10240x128xf32, #tpu.memory_space<vmem_shared>> -> memref<64x128xf32, #tpu.memory_space<vmem_shared>>
        tpu.wait_dma2 semaphore(%run_scoped3A : memref<!tpu.dma_semaphore, #tpu.memory_space<semaphore_mem>>) src(%arg9 : memref<64x128xf32, #tpu.memory_space<vmem>>) dst(%dma_wait3A_44 : memref<64x128xf32, #tpu.memory_space<vmem_shared>>)
        tpu.yield
      }) : () -> ()
      %scan3A_38 = arith.constant 0 : i32
      scf.yield %scan3A_38 : i32
    }
    %scan3A_13 = arith.constant 10 : i32
    %barrier3A = arith.constant 0 : index
    tpu.barrier barrier_id(%barrier3A)
    %mul3A_14 = arith.constant 10112 : i32
    %mul3A_15 = arith.muli %add3A, %mul3A_14 : i32
    %scan3A_16 = arith.constant 0 : i32
    %scan3A_17 = arith.constant 0 : i32
    %scan3A_18 = arith.constant 79 : i32
    %scan3A_19 = arith.addi %scan3A_17, %scan3A_18 : i32
    %scan3A_20 = arith.constant 1 : i32
    %scan3A_21 = scf.for %scan3A_31 = %scan3A_17 to %scan3A_19 step %scan3A_20 iter_args(%scan3A_32 = %scan3A_16) -> (i32)  : i32 {
      %mul3A_33 = arith.constant 128 : i32
      %mul3A_34 = arith.muli %scan3A_31, %mul3A_33 : i32
      %add3A_35 = arith.addi %mul3A_15, %mul3A_34 : i32
      "tpu.region"() ({
        %run_scoped3A = tpu.sem_alloc : memref<!tpu.dma_semaphore, #tpu.memory_space<semaphore_mem>>
        %dma_start3A_41 = tpu.memref_slice %arg3[%add3A_35] : memref<323584xi32, #tpu.memory_space<hbm>> -> memref<128xi32, #tpu.memory_space<hbm>>
        %dma_start3A_42 = tpu.memref_slice %arg3[%add3A_35] : memref<323584xi32, #tpu.memory_space<hbm>> -> memref<128xi32, #tpu.memory_space<hbm>>
        tpu.enqueue_dma source(%dma_start3A_42 : memref<128xi32, #tpu.memory_space<hbm>>) target(%arg6 : memref<128xi32, #tpu.memory_space<vmem>>) target_semaphore(%run_scoped3A : memref<!tpu.dma_semaphore, #tpu.memory_space<semaphore_mem>>)
        %dma_wait3A_43 = tpu.memref_slice %arg3[%add3A_35] : memref<323584xi32, #tpu.memory_space<hbm>> -> memref<128xi32, #tpu.memory_space<hbm>>
        %dma_wait3A_44 = tpu.memref_slice %arg3[%add3A_35] : memref<323584xi32, #tpu.memory_space<hbm>> -> memref<128xi32, #tpu.memory_space<hbm>>
        tpu.wait_dma2 semaphore(%run_scoped3A : memref<!tpu.dma_semaphore, #tpu.memory_space<semaphore_mem>>) src(%dma_wait3A_44 : memref<128xi32, #tpu.memory_space<hbm>>) dst(%arg6 : memref<128xi32, #tpu.memory_space<vmem>>)
        tpu.yield
      }) : () -> ()
      "tpu.region"() ({
        %run_scoped3A = tpu.sem_alloc : memref<!tpu.dma_semaphore, #tpu.memory_space<semaphore_mem>>
        %dma_start3A_41 = tpu.memref_slice %arg4[%add3A_35] : memref<323584xi32, #tpu.memory_space<hbm>> -> memref<128xi32, #tpu.memory_space<hbm>>
        %dma_start3A_42 = tpu.memref_slice %arg4[%add3A_35] : memref<323584xi32, #tpu.memory_space<hbm>> -> memref<128xi32, #tpu.memory_space<hbm>>
        tpu.enqueue_dma source(%dma_start3A_42 : memref<128xi32, #tpu.memory_space<hbm>>) target(%arg7 : memref<128xi32, #tpu.memory_space<vmem>>) target_semaphore(%run_scoped3A : memref<!tpu.dma_semaphore, #tpu.memory_space<semaphore_mem>>)
        %dma_wait3A_43 = tpu.memref_slice %arg4[%add3A_35] : memref<323584xi32, #tpu.memory_space<hbm>> -> memref<128xi32, #tpu.memory_space<hbm>>
        %dma_wait3A_44 = tpu.memref_slice %arg4[%add3A_35] : memref<323584xi32, #tpu.memory_space<hbm>> -> memref<128xi32, #tpu.memory_space<hbm>>
        tpu.wait_dma2 semaphore(%run_scoped3A : memref<!tpu.dma_semaphore, #tpu.memory_space<semaphore_mem>>) src(%dma_wait3A_44 : memref<128xi32, #tpu.memory_space<hbm>>) dst(%arg7 : memref<128xi32, #tpu.memory_space<vmem>>)
        tpu.yield
      }) : () -> ()
      %dma_start3A = arith.constant 0 : i32
      %dma_start3A_36 = arith.constant 0 : i32
      %dma_start3A_37 = tpu.memref_slice %arg2[%dma_start3A, %dma_start3A_36] : memref<10240x128xf32, #tpu.memory_space<hbm>> -> memref<10240x128xf32, #tpu.memory_space<hbm>>
      tpu.enqueue_indirect_dma source(%dma_start3A_37 : memref<10240x128xf32, #tpu.memory_space<hbm>>) target(%arg8 : memref<128x128xf32, #tpu.memory_space<vmem>>) offsets(%arg6 : memref<128xi32, #tpu.memory_space<vmem>>) semaphore(%arg11 : memref<!tpu.dma_semaphore, #tpu.memory_space<semaphore_mem>>)
      %dma_wait3A = arith.constant 0 : i32
      %dma_wait3A_38 = arith.constant 0 : i32
      %dma_wait3A_39 = tpu.memref_slice %arg2[%dma_wait3A, %dma_wait3A_38] : memref<10240x128xf32, #tpu.memory_space<hbm>> -> memref<10240x128xf32, #tpu.memory_space<hbm>>
      tpu.wait_indirect_dma semaphore(%arg11 : memref<!tpu.dma_semaphore, #tpu.memory_space<semaphore_mem>>) src(%dma_wait3A_39 : memref<10240x128xf32, #tpu.memory_space<hbm>>) dst(%arg8 : memref<128x128xf32, #tpu.memory_space<vmem>>)
      "tpu.region"() ({
        %run_scoped3A = tpu.sem_alloc : memref<!tpu.dma_semaphore, #tpu.memory_space<semaphore_mem>>
        %dma_start3A_41 = arith.constant 0 : i32
        %dma_start3A_42 = arith.constant 0 : i32
        %dma_start3A_43 = tpu.memref_slice %arg10[%dma_start3A_41, %dma_start3A_42] : memref<10240x128xf32, #tpu.memory_space<vmem_shared>> -> memref<10240x128xf32, #tpu.memory_space<vmem_shared>>
        tpu.enqueue_indirect_dma source(%arg8 : memref<128x128xf32, #tpu.memory_space<vmem>>) target(%dma_start3A_43 : memref<10240x128xf32, #tpu.memory_space<vmem_shared>>) offsets(%arg7 : memref<128xi32, #tpu.memory_space<vmem>>) semaphore(%run_scoped3A : memref<!tpu.dma_semaphore, #tpu.memory_space<semaphore_mem>>) {add = true}
        %dma_wait3A_44 = arith.constant 0 : i32
        %dma_wait3A_45 = arith.constant 0 : i32
        %dma_wait3A_46 = tpu.memref_slice %arg10[%dma_wait3A_44, %dma_wait3A_45] : memref<10240x128xf32, #tpu.memory_space<vmem_shared>> -> memref<10240x128xf32, #tpu.memory_space<vmem_shared>>
        tpu.wait_indirect_dma semaphore(%run_scoped3A : memref<!tpu.dma_semaphore, #tpu.memory_space<semaphore_mem>>) src(%arg8 : memref<128x128xf32, #tpu.memory_space<vmem>>) dst(%dma_wait3A_46 : memref<10240x128xf32, #tpu.memory_space<vmem_shared>>)
        tpu.yield
      }) : () -> ()
      %scan3A_40 = arith.constant 0 : i32
      scf.yield %scan3A_40 : i32
    }
    %scan3A_22 = arith.constant 79 : i32
    %barrier3A_23 = arith.constant 0 : index
    tpu.barrier barrier_id(%barrier3A_23)
    %mul3A_24 = arith.constant 640 : i32
    %mul3A_25 = arith.muli %arg1, %mul3A_24 : i32
    %mul3A_26 = arith.constant 10240 : i32
    %mul3A_27 = arith.muli %arg0, %mul3A_26 : i32
    %mul3A_28 = arith.constant 640 : i32
    %mul3A_29 = arith.muli %arg1, %mul3A_28 : i32
    %add3A_30 = arith.addi %mul3A_27, %mul3A_29 : i32
    "tpu.region"() ({
      %run_scoped3A = tpu.sem_alloc : memref<!tpu.dma_semaphore, #tpu.memory_space<semaphore_mem>>
      %dma_start3A = arith.constant 0 : i32
      %dma_start3A_31 = tpu.memref_slice %arg5[%add3A_30, %dma_start3A] : memref<20480x128xf32, #tpu.memory_space<hbm>> -> memref<640x128xf32, #tpu.memory_space<hbm>>
      %dma_start3A_32 = arith.constant 0 : i32
      %dma_start3A_33 = tpu.memref_slice %arg10[%mul3A_25, %dma_start3A_32] : memref<10240x128xf32, #tpu.memory_space<vmem_shared>> -> memref<640x128xf32, #tpu.memory_space<vmem_shared>>
      tpu.enqueue_dma source(%dma_start3A_33 : memref<640x128xf32, #tpu.memory_space<vmem_shared>>) target(%dma_start3A_31 : memref<640x128xf32, #tpu.memory_space<hbm>>) target_semaphore(%run_scoped3A : memref<!tpu.dma_semaphore, #tpu.memory_space<semaphore_mem>>)
      %dma_wait3A = arith.constant 0 : i32
      %dma_wait3A_34 = tpu.memref_slice %arg5[%add3A_30, %dma_wait3A] : memref<20480x128xf32, #tpu.memory_space<hbm>> -> memref<640x128xf32, #tpu.memory_space<hbm>>
      %dma_wait3A_35 = arith.constant 0 : i32
      %dma_wait3A_36 = tpu.memref_slice %arg10[%mul3A_25, %dma_wait3A_35] : memref<10240x128xf32, #tpu.memory_space<vmem_shared>> -> memref<640x128xf32, #tpu.memory_space<vmem_shared>>
      tpu.wait_dma2 semaphore(%run_scoped3A : memref<!tpu.dma_semaphore, #tpu.memory_space<semaphore_mem>>) src(%dma_wait3A_36 : memref<640x128xf32, #tpu.memory_space<vmem_shared>>) dst(%dma_wait3A_34 : memref<640x128xf32, #tpu.memory_space<hbm>>)
      tpu.yield
    }) : () -> ()
    return
  }
}

#map = affine_map<(d0, d1) -> (0, 0)>
#map1 = affine_map<(d0, d1) -> (0)>
module attributes {stable_mosaic.version = 14 : i64} {
  func.func @body(%arg0: i32, %arg1: i32, %arg2: memref<10240x128xf32, #tpu.memory_space<hbm>>, %arg3: memref<323584xi32, #tpu.memory_space<hbm>>, %arg4: memref<323584xi32, #tpu.memory_space<hbm>>, %arg5: memref<20480x128xf32, #tpu.memory_space<hbm>>, %arg6: memref<128xi32, #tpu.memory_space<vmem>>, %arg7: memref<128xi32, #tpu.memory_space<vmem>>, %arg8: memref<128x128xf32, #tpu.memory_space<vmem>>, %arg9: memref<64x128xf32, #tpu.memory_space<vmem>>, %arg10: memref<10240x128xf32, #tpu.memory_space<vmem_shared>>, %arg11: memref<!tpu.dma_semaphore, #tpu.memory_space<semaphore_mem>>) attributes {dimension_semantics = [#tpu.dimension_semantics<core_parallel>, #tpu.dimension_semantics<subcore_parallel>], iteration_bounds = array<i64: 2, 16>, scalar_prefetch = 0 : i64, scratch_operands = 6 : i64, tpu.core_type = #tpu.core_type<sc_vector_subcore>, window_params = [{transform_indices = #map}, {transform_indices = #map1}, {transform_indices = #map1}, {transform_indices = #map}]} {
    %mul3A = arith.constant 2 : i32
    %mul3A_0 = arith.muli %arg1, %mul3A : i32
    %add3A = arith.addi %mul3A_0, %arg0 : i32
    %scan3A = arith.constant 0 : i32
    %scan3A_1 = arith.constant 0 : i32
    %scan3A_2 = arith.constant 64 : i32
    %scan3A_3 = arith.addi %scan3A_1, %scan3A_2 : i32
    %scan3A_4 = arith.constant 1 : i32
    %scan3A_5 = scf.for %scan3A_31 = %scan3A_1 to %scan3A_3 step %scan3A_4 iter_args(%scan3A_32 = %scan3A) -> (i32)  : i32 {
      %scan3A_33 = arith.constant 0 : i32
      %scan3A_34 = arith.constant 0 : i32
      %scan3A_35 = arith.constant 8 : i32
      %scan3A_36 = arith.addi %scan3A_34, %scan3A_35 : i32
      %scan3A_37 = arith.constant 1 : i32
      %scan3A_38 = scf.for %scan3A_40 = %scan3A_34 to %scan3A_36 step %scan3A_37 iter_args(%scan3A_41 = %scan3A_33) -> (i32)  : i32 {
        %broadcast_in_dim3A = arith.constant 0.000000e+00 : f32
        %broadcast_in_dim3A_42 = vector.broadcast %broadcast_in_dim3A : f32 to vector<16xf32>
        %mul3A_43 = arith.constant 16 : i32
        %mul3A_44 = arith.muli %scan3A_40, %mul3A_43 : i32
        %swap3A = arith.index_cast %scan3A_31 : i32 to index
        %swap3A_45 = arith.index_cast %mul3A_44 : i32 to index
        %swap3A_46 = tpu.vector_load %arg9[%swap3A, %swap3A_45] {strides = array<i32>} : memref<64x128xf32, #tpu.memory_space<vmem>>, vector<1x16xf32>,
        %swap3A_47 = vector.shape_cast %swap3A_46 : vector<1x16xf32> to vector<16xf32>
        %swap3A_48 = vector.shape_cast %broadcast_in_dim3A_42 : vector<16xf32> to vector<1x16xf32>
        tpu.vector_store %arg9[%swap3A, %swap3A_45], %swap3A_48 {strides = array<i32>} : memref<64x128xf32, #tpu.memory_space<vmem>>, vector<1x16xf32>,
        %scan3A_49 = arith.constant 0 : i32
        scf.yield %scan3A_49 : i32
      }
      %scan3A_39 = arith.constant 8 : i32
      scf.yield %scan3A_38 : i32
    }
    %scan3A_6 = arith.constant 64 : i32
    %scan3A_7 = arith.constant 0 : i32
    %scan3A_8 = arith.constant 0 : i32
    %scan3A_9 = arith.constant 10 : i32
    %scan3A_10 = arith.addi %scan3A_8, %scan3A_9 : i32
    %scan3A_11 = arith.constant 1 : i32
    %scan3A_12 = scf.for %scan3A_31 = %scan3A_8 to %scan3A_10 step %scan3A_11 iter_args(%scan3A_32 = %scan3A_7) -> (i32)  : i32 {
      %mul3A_33 = arith.constant 640 : i32
      %mul3A_34 = arith.muli %arg1, %mul3A_33 : i32
      %mul3A_35 = arith.constant 64 : i32
      %mul3A_36 = arith.muli %scan3A_31, %mul3A_35 : i32
      %add3A_37 = arith.addi %mul3A_34, %mul3A_36 : i32
      "tpu.region"() ({
        %run_scoped3A = tpu.sem_alloc : memref<!tpu.dma_semaphore, #tpu.memory_space<semaphore_mem>>
        %dma_start3A = arith.constant 0 : i32
        %dma_start3A_39 = tpu.memref_slice %arg10[%add3A_37, %dma_start3A] : memref<10240x128xf32, #tpu.memory_space<vmem_shared>> -> memref<64x128xf32, #tpu.memory_space<vmem_shared>>
        %dma_start3A_40 = arith.constant 0 : i32
        %dma_start3A_41 = tpu.memref_slice %arg10[%add3A_37, %dma_start3A_40] : memref<10240x128xf32, #tpu.memory_space<vmem_shared>> -> memref<64x128xf32, #tpu.memory_space<vmem_shared>>
        tpu.enqueue_dma source(%arg9 : memref<64x128xf32, #tpu.memory_space<vmem>>) target(%dma_start3A_41 : memref<64x128xf32, #tpu.memory_space<vmem_shared>>) target_semaphore(%run_scoped3A : memref<!tpu.dma_semaphore, #tpu.memory_space<semaphore_mem>>)
        %dma_wait3A = arith.constant 0 : i32
        %dma_wait3A_42 = tpu.memref_slice %arg10[%add3A_37, %dma_wait3A] : memref<10240x128xf32, #tpu.memory_space<vmem_shared>> -> memref<64x128xf32, #tpu.memory_space<vmem_shared>>
        %dma_wait3A_43 = arith.constant 0 : i32
        %dma_wait3A_44 = tpu.memref_slice %arg10[%add3A_37, %dma_wait3A_43] : memref<10240x128xf32, #tpu.memory_space<vmem_shared>> -> memref<64x128xf32, #tpu.memory_space<vmem_shared>>
        tpu.wait_dma2 semaphore(%run_scoped3A : memref<!tpu.dma_semaphore, #tpu.memory_space<semaphore_mem>>) src(%arg9 : memref<64x128xf32, #tpu.memory_space<vmem>>) dst(%dma_wait3A_44 : memref<64x128xf32, #tpu.memory_space<vmem_shared>>)
        tpu.yield
      }) : () -> ()
      %scan3A_38 = arith.constant 0 : i32
      scf.yield %scan3A_38 : i32
    }
    %scan3A_13 = arith.constant 10 : i32
    %barrier3A = arith.constant 0 : index
    tpu.barrier barrier_id(%barrier3A)
    %mul3A_14 = arith.constant 10112 : i32
    %mul3A_15 = arith.muli %add3A, %mul3A_14 : i32
    %scan3A_16 = arith.constant 0 : i32
    %scan3A_17 = arith.constant 0 : i32
    %scan3A_18 = arith.constant 79 : i32
    %scan3A_19 = arith.addi %scan3A_17, %scan3A_18 : i32
    %scan3A_20 = arith.constant 1 : i32
    %scan3A_21 = scf.for %scan3A_31 = %scan3A_17 to %scan3A_19 step %scan3A_20 iter_args(%scan3A_32 = %scan3A_16) -> (i32)  : i32 {
      %mul3A_33 = arith.constant 128 : i32
      %mul3A_34 = arith.muli %scan3A_31, %mul3A_33 : i32
      %add3A_35 = arith.addi %mul3A_15, %mul3A_34 : i32
      "tpu.region"() ({
        %run_scoped3A = tpu.sem_alloc : memref<!tpu.dma_semaphore, #tpu.memory_space<semaphore_mem>>
        %dma_start3A_41 = tpu.memref_slice %arg3[%add3A_35] : memref<323584xi32, #tpu.memory_space<hbm>> -> memref<128xi32, #tpu.memory_space<hbm>>
        %dma_start3A_42 = tpu.memref_slice %arg3[%add3A_35] : memref<323584xi32, #tpu.memory_space<hbm>> -> memref<128xi32, #tpu.memory_space<hbm>>
        tpu.enqueue_dma source(%dma_start3A_42 : memref<128xi32, #tpu.memory_space<hbm>>) target(%arg6 : memref<128xi32, #tpu.memory_space<vmem>>) target_semaphore(%run_scoped3A : memref<!tpu.dma_semaphore, #tpu.memory_space<semaphore_mem>>)
        %dma_wait3A_43 = tpu.memref_slice %arg3[%add3A_35] : memref<323584xi32, #tpu.memory_space<hbm>> -> memref<128xi32, #tpu.memory_space<hbm>>
        %dma_wait3A_44 = tpu.memref_slice %arg3[%add3A_35] : memref<323584xi32, #tpu.memory_space<hbm>> -> memref<128xi32, #tpu.memory_space<hbm>>
        tpu.wait_dma2 semaphore(%run_scoped3A : memref<!tpu.dma_semaphore, #tpu.memory_space<semaphore_mem>>) src(%dma_wait3A_44 : memref<128xi32, #tpu.memory_space<hbm>>) dst(%arg6 : memref<128xi32, #tpu.memory_space<vmem>>)
        tpu.yield
      }) : () -> ()
      "tpu.region"() ({
        %run_scoped3A = tpu.sem_alloc : memref<!tpu.dma_semaphore, #tpu.memory_space<semaphore_mem>>
        %dma_start3A_41 = tpu.memref_slice %arg4[%add3A_35] : memref<323584xi32, #tpu.memory_space<hbm>> -> memref<128xi32, #tpu.memory_space<hbm>>
        %dma_start3A_42 = tpu.memref_slice %arg4[%add3A_35] : memref<323584xi32, #tpu.memory_space<hbm>> -> memref<128xi32, #tpu.memory_space<hbm>>
        tpu.enqueue_dma source(%dma_start3A_42 : memref<128xi32, #tpu.memory_space<hbm>>) target(%arg7 : memref<128xi32, #tpu.memory_space<vmem>>) target_semaphore(%run_scoped3A : memref<!tpu.dma_semaphore, #tpu.memory_space<semaphore_mem>>)
        %dma_wait3A_43 = tpu.memref_slice %arg4[%add3A_35] : memref<323584xi32, #tpu.memory_space<hbm>> -> memref<128xi32, #tpu.memory_space<hbm>>
        %dma_wait3A_44 = tpu.memref_slice %arg4[%add3A_35] : memref<323584xi32, #tpu.memory_space<hbm>> -> memref<128xi32, #tpu.memory_space<hbm>>
        tpu.wait_dma2 semaphore(%run_scoped3A : memref<!tpu.dma_semaphore, #tpu.memory_space<semaphore_mem>>) src(%dma_wait3A_44 : memref<128xi32, #tpu.memory_space<hbm>>) dst(%arg7 : memref<128xi32, #tpu.memory_space<vmem>>)
        tpu.yield
      }) : () -> ()
      %dma_start3A = arith.constant 0 : i32
      %dma_start3A_36 = arith.constant 0 : i32
      %dma_start3A_37 = tpu.memref_slice %arg2[%dma_start3A, %dma_start3A_36] : memref<10240x128xf32, #tpu.memory_space<hbm>> -> memref<10240x128xf32, #tpu.memory_space<hbm>>
      tpu.enqueue_indirect_dma source(%dma_start3A_37 : memref<10240x128xf32, #tpu.memory_space<hbm>>) target(%arg8 : memref<128x128xf32, #tpu.memory_space<vmem>>) offsets(%arg6 : memref<128xi32, #tpu.memory_space<vmem>>) semaphore(%arg11 : memref<!tpu.dma_semaphore, #tpu.memory_space<semaphore_mem>>)
      %dma_wait3A = arith.constant 0 : i32
      %dma_wait3A_38 = arith.constant 0 : i32
      %dma_wait3A_39 = tpu.memref_slice %arg2[%dma_wait3A, %dma_wait3A_38] : memref<10240x128xf32, #tpu.memory_space<hbm>> -> memref<10240x128xf32, #tpu.memory_space<hbm>>
      tpu.wait_indirect_dma semaphore(%arg11 : memref<!tpu.dma_semaphore, #tpu.memory_space<semaphore_mem>>) src(%dma_wait3A_39 : memref<10240x128xf32, #tpu.memory_space<hbm>>) dst(%arg8 : memref<128x128xf32, #tpu.memory_space<vmem>>)
      "tpu.region"() ({
        %run_scoped3A = tpu.sem_alloc : memref<!tpu.dma_semaphore, #tpu.memory_space<semaphore_mem>>
        %dma_start3A_41 = arith.constant 0 : i32
        %dma_start3A_42 = arith.constant 0 : i32
        %dma_start3A_43 = tpu.memref_slice %arg10[%dma_start3A_41, %dma_start3A_42] : memref<10240x128xf32, #tpu.memory_space<vmem_shared>> -> memref<10240x128xf32, #tpu.memory_space<vmem_shared>>
        tpu.enqueue_indirect_dma source(%arg8 : memref<128x128xf32, #tpu.memory_space<vmem>>) target(%dma_start3A_43 : memref<10240x128xf32, #tpu.memory_space<vmem_shared>>) offsets(%arg7 : memref<128xi32, #tpu.memory_space<vmem>>) semaphore(%run_scoped3A : memref<!tpu.dma_semaphore, #tpu.memory_space<semaphore_mem>>) {add = true}
        %dma_wait3A_44 = arith.constant 0 : i32
        %dma_wait3A_45 = arith.constant 0 : i32
        %dma_wait3A_46 = tpu.memref_slice %arg10[%dma_wait3A_44, %dma_wait3A_45] : memref<10240x128xf32, #tpu.memory_space<vmem_shared>> -> memref<10240x128xf32, #tpu.memory_space<vmem_shared>>
        tpu.wait_indirect_dma semaphore(%run_scoped3A : memref<!tpu.dma_semaphore, #tpu.memory_space<semaphore_mem>>) src(%arg8 : memref<128x128xf32, #tpu.memory_space<vmem>>) dst(%dma_wait3A_46 : memref<10240x128xf32, #tpu.memory_space<vmem_shared>>)
        tpu.yield
      }) : () -> ()
      %scan3A_40 = arith.constant 0 : i32
      scf.yield %scan3A_40 : i32
    }
    %scan3A_22 = arith.constant 79 : i32
    %barrier3A_23 = arith.constant 0 : index
    tpu.barrier barrier_id(%barrier3A_23)
    %mul3A_24 = arith.constant 640 : i32
    %mul3A_25 = arith.muli %arg1, %mul3A_24 : i32
    %mul3A_26 = arith.constant 10240 : i32
    %mul3A_27 = arith.muli %arg0, %mul3A_26 : i32
    %mul3A_28 = arith.constant 640 : i32
    %mul3A_29 = arith.muli %arg1, %mul3A_28 : i32
    %add3A_30 = arith.addi %mul3A_27, %mul3A_29 : i32
    "tpu.region"() ({
      %run_scoped3A = tpu.sem_alloc : memref<!tpu.dma_semaphore, #tpu.memory_space<semaphore_mem>>
      %dma_start3A = arith.constant 0 : i32
      %dma_start3A_31 = tpu.memref_slice %arg5[%add3A_30, %dma_start3A] : memref<20480x128xf32, #tpu.memory_space<hbm>> -> memref<640x128xf32, #tpu.memory_space<hbm>>
      %dma_start3A_32 = arith.constant 0 : i32
      %dma_start3A_33 = tpu.memref_slice %arg10[%mul3A_25, %dma_start3A_32] : memref<10240x128xf32, #tpu.memory_space<vmem_shared>> -> memref<640x128xf32, #tpu.memory_space<vmem_shared>>
      tpu.enqueue_dma source(%dma_start3A_33 : memref<640x128xf32, #tpu.memory_space<vmem_shared>>) target(%dma_start3A_31 : memref<640x128xf32, #tpu.memory_space<hbm>>) target_semaphore(%run_scoped3A : memref<!tpu.dma_semaphore, #tpu.memory_space<semaphore_mem>>)
      %dma_wait3A = arith.constant 0 : i32
      %dma_wait3A_34 = tpu.memref_slice %arg5[%add3A_30, %dma_wait3A] : memref<20480x128xf32, #tpu.memory_space<hbm>> -> memref<640x128xf32, #tpu.memory_space<hbm>>
      %dma_wait3A_35 = arith.constant 0 : i32
      %dma_wait3A_36 = tpu.memref_slice %arg10[%mul3A_25, %dma_wait3A_35] : memref<10240x128xf32, #tpu.memory_space<vmem_shared>> -> memref<640x128xf32, #tpu.memory_space<vmem_shared>>
      tpu.wait_dma2 semaphore(%run_scoped3A : memref<!tpu.dma_semaphore, #tpu.memory_space<semaphore_mem>>) src(%dma_wait3A_36 : memref<640x128xf32, #tpu.memory_space<vmem_shared>>) dst(%dma_wait3A_34 : memref<640x128xf32, #tpu.memory_space<hbm>>)
      tpu.yield
    }) : () -> ()
    return
  }
}

#map = affine_map<(d0, d1) -> (0, 0)>
#map1 = affine_map<(d0, d1) -> (0)>
module attributes {stable_mosaic.version = 14 : i64} {
  func.func @body(%arg0: i32, %arg1: i32, %arg2: memref<10240x128xf32, #tpu.memory_space<hbm>>, %arg3: memref<323584xi32, #tpu.memory_space<hbm>>, %arg4: memref<323584xi32, #tpu.memory_space<hbm>>, %arg5: memref<20480x128xf32, #tpu.memory_space<hbm>>, %arg6: memref<128xi32, #tpu.memory_space<vmem>>, %arg7: memref<128xi32, #tpu.memory_space<vmem>>, %arg8: memref<128x128xf32, #tpu.memory_space<vmem>>, %arg9: memref<64x128xf32, #tpu.memory_space<vmem>>, %arg10: memref<10240x128xf32, #tpu.memory_space<vmem_shared>>, %arg11: memref<!tpu.dma_semaphore, #tpu.memory_space<semaphore_mem>>) attributes {dimension_semantics = [#tpu.dimension_semantics<core_parallel>, #tpu.dimension_semantics<subcore_parallel>], iteration_bounds = array<i64: 2, 16>, scalar_prefetch = 0 : i64, scratch_operands = 6 : i64, tpu.core_type = #tpu.core_type<sc_vector_subcore>, window_params = [{transform_indices = #map}, {transform_indices = #map1}, {transform_indices = #map1}, {transform_indices = #map}]} {
    %mul3A = arith.constant 2 : i32
    %mul3A_0 = arith.muli %arg1, %mul3A : i32
    %add3A = arith.addi %mul3A_0, %arg0 : i32
    %scan3A = arith.constant 0 : i32
    %scan3A_1 = arith.constant 0 : i32
    %scan3A_2 = arith.constant 64 : i32
    %scan3A_3 = arith.addi %scan3A_1, %scan3A_2 : i32
    %scan3A_4 = arith.constant 1 : i32
    %scan3A_5 = scf.for %scan3A_31 = %scan3A_1 to %scan3A_3 step %scan3A_4 iter_args(%scan3A_32 = %scan3A) -> (i32)  : i32 {
      %scan3A_33 = arith.constant 0 : i32
      %scan3A_34 = arith.constant 0 : i32
      %scan3A_35 = arith.constant 8 : i32
      %scan3A_36 = arith.addi %scan3A_34, %scan3A_35 : i32
      %scan3A_37 = arith.constant 1 : i32
      %scan3A_38 = scf.for %scan3A_40 = %scan3A_34 to %scan3A_36 step %scan3A_37 iter_args(%scan3A_41 = %scan3A_33) -> (i32)  : i32 {
        %broadcast_in_dim3A = arith.constant 0.000000e+00 : f32
        %broadcast_in_dim3A_42 = vector.broadcast %broadcast_in_dim3A : f32 to vector<16xf32>
        %mul3A_43 = arith.constant 16 : i32
        %mul3A_44 = arith.muli %scan3A_40, %mul3A_43 : i32
        %swap3A = arith.index_cast %scan3A_31 : i32 to index
        %swap3A_45 = arith.index_cast %mul3A_44 : i32 to index
        %swap3A_46 = tpu.vector_load %arg9[%swap3A, %swap3A_45] {strides = array<i32>} : memref<64x128xf32, #tpu.memory_space<vmem>>, vector<1x16xf32>,
        %swap3A_47 = vector.shape_cast %swap3A_46 : vector<1x16xf32> to vector<16xf32>
        %swap3A_48 = vector.shape_cast %broadcast_in_dim3A_42 : vector<16xf32> to vector<1x16xf32>
        tpu.vector_store %arg9[%swap3A, %swap3A_45], %swap3A_48 {strides = array<i32>} : memref<64x128xf32, #tpu.memory_space<vmem>>, vector<1x16xf32>,
        %scan3A_49 = arith.constant 0 : i32
        scf.yield %scan3A_49 : i32
      }
      %scan3A_39 = arith.constant 8 : i32
      scf.yield %scan3A_38 : i32
    }
    %scan3A_6 = arith.constant 64 : i32
    %scan3A_7 = arith.constant 0 : i32
    %scan3A_8 = arith.constant 0 : i32
    %scan3A_9 = arith.constant 10 : i32
    %scan3A_10 = arith.addi %scan3A_8, %scan3A_9 : i32
    %scan3A_11 = arith.constant 1 : i32
    %scan3A_12 = scf.for %scan3A_31 = %scan3A_8 to %scan3A_10 step %scan3A_11 iter_args(%scan3A_32 = %scan3A_7) -> (i32)  : i32 {
      %mul3A_33 = arith.constant 640 : i32
      %mul3A_34 = arith.muli %arg1, %mul3A_33 : i32
      %mul3A_35 = arith.constant 64 : i32
      %mul3A_36 = arith.muli %scan3A_31, %mul3A_35 : i32
      %add3A_37 = arith.addi %mul3A_34, %mul3A_36 : i32
      "tpu.region"() ({
        %run_scoped3A = tpu.sem_alloc : memref<!tpu.dma_semaphore, #tpu.memory_space<semaphore_mem>>
        %dma_start3A = arith.constant 0 : i32
        %dma_start3A_39 = tpu.memref_slice %arg10[%add3A_37, %dma_start3A] : memref<10240x128xf32, #tpu.memory_space<vmem_shared>> -> memref<64x128xf32, #tpu.memory_space<vmem_shared>>
        %dma_start3A_40 = arith.constant 0 : i32
        %dma_start3A_41 = tpu.memref_slice %arg10[%add3A_37, %dma_start3A_40] : memref<10240x128xf32, #tpu.memory_space<vmem_shared>> -> memref<64x128xf32, #tpu.memory_space<vmem_shared>>
        tpu.enqueue_dma source(%arg9 : memref<64x128xf32, #tpu.memory_space<vmem>>) target(%dma_start3A_41 : memref<64x128xf32, #tpu.memory_space<vmem_shared>>) target_semaphore(%run_scoped3A : memref<!tpu.dma_semaphore, #tpu.memory_space<semaphore_mem>>)
        %dma_wait3A = arith.constant 0 : i32
        %dma_wait3A_42 = tpu.memref_slice %arg10[%add3A_37, %dma_wait3A] : memref<10240x128xf32, #tpu.memory_space<vmem_shared>> -> memref<64x128xf32, #tpu.memory_space<vmem_shared>>
        %dma_wait3A_43 = arith.constant 0 : i32
        %dma_wait3A_44 = tpu.memref_slice %arg10[%add3A_37, %dma_wait3A_43] : memref<10240x128xf32, #tpu.memory_space<vmem_shared>> -> memref<64x128xf32, #tpu.memory_space<vmem_shared>>
        tpu.wait_dma2 semaphore(%run_scoped3A : memref<!tpu.dma_semaphore, #tpu.memory_space<semaphore_mem>>) src(%arg9 : memref<64x128xf32, #tpu.memory_space<vmem>>) dst(%dma_wait3A_44 : memref<64x128xf32, #tpu.memory_space<vmem_shared>>)
        tpu.yield
      }) : () -> ()
      %scan3A_38 = arith.constant 0 : i32
      scf.yield %scan3A_38 : i32
    }
    %scan3A_13 = arith.constant 10 : i32
    %barrier3A = arith.constant 0 : index
    tpu.barrier barrier_id(%barrier3A)
    %mul3A_14 = arith.constant 10112 : i32
    %mul3A_15 = arith.muli %add3A, %mul3A_14 : i32
    %scan3A_16 = arith.constant 0 : i32
    %scan3A_17 = arith.constant 0 : i32
    %scan3A_18 = arith.constant 79 : i32
    %scan3A_19 = arith.addi %scan3A_17, %scan3A_18 : i32
    %scan3A_20 = arith.constant 1 : i32
    %scan3A_21 = scf.for %scan3A_31 = %scan3A_17 to %scan3A_19 step %scan3A_20 iter_args(%scan3A_32 = %scan3A_16) -> (i32)  : i32 {
      %mul3A_33 = arith.constant 128 : i32
      %mul3A_34 = arith.muli %scan3A_31, %mul3A_33 : i32
      %add3A_35 = arith.addi %mul3A_15, %mul3A_34 : i32
      "tpu.region"() ({
        %run_scoped3A = tpu.sem_alloc : memref<!tpu.dma_semaphore, #tpu.memory_space<semaphore_mem>>
        %dma_start3A_41 = tpu.memref_slice %arg3[%add3A_35] : memref<323584xi32, #tpu.memory_space<hbm>> -> memref<128xi32, #tpu.memory_space<hbm>>
        %dma_start3A_42 = tpu.memref_slice %arg3[%add3A_35] : memref<323584xi32, #tpu.memory_space<hbm>> -> memref<128xi32, #tpu.memory_space<hbm>>
        tpu.enqueue_dma source(%dma_start3A_42 : memref<128xi32, #tpu.memory_space<hbm>>) target(%arg6 : memref<128xi32, #tpu.memory_space<vmem>>) target_semaphore(%run_scoped3A : memref<!tpu.dma_semaphore, #tpu.memory_space<semaphore_mem>>)
        %dma_wait3A_43 = tpu.memref_slice %arg3[%add3A_35] : memref<323584xi32, #tpu.memory_space<hbm>> -> memref<128xi32, #tpu.memory_space<hbm>>
        %dma_wait3A_44 = tpu.memref_slice %arg3[%add3A_35] : memref<323584xi32, #tpu.memory_space<hbm>> -> memref<128xi32, #tpu.memory_space<hbm>>
        tpu.wait_dma2 semaphore(%run_scoped3A : memref<!tpu.dma_semaphore, #tpu.memory_space<semaphore_mem>>) src(%dma_wait3A_44 : memref<128xi32, #tpu.memory_space<hbm>>) dst(%arg6 : memref<128xi32, #tpu.memory_space<vmem>>)
        tpu.yield
      }) : () -> ()
      "tpu.region"() ({
        %run_scoped3A = tpu.sem_alloc : memref<!tpu.dma_semaphore, #tpu.memory_space<semaphore_mem>>
        %dma_start3A_41 = tpu.memref_slice %arg4[%add3A_35] : memref<323584xi32, #tpu.memory_space<hbm>> -> memref<128xi32, #tpu.memory_space<hbm>>
        %dma_start3A_42 = tpu.memref_slice %arg4[%add3A_35] : memref<323584xi32, #tpu.memory_space<hbm>> -> memref<128xi32, #tpu.memory_space<hbm>>
        tpu.enqueue_dma source(%dma_start3A_42 : memref<128xi32, #tpu.memory_space<hbm>>) target(%arg7 : memref<128xi32, #tpu.memory_space<vmem>>) target_semaphore(%run_scoped3A : memref<!tpu.dma_semaphore, #tpu.memory_space<semaphore_mem>>)
        %dma_wait3A_43 = tpu.memref_slice %arg4[%add3A_35] : memref<323584xi32, #tpu.memory_space<hbm>> -> memref<128xi32, #tpu.memory_space<hbm>>
        %dma_wait3A_44 = tpu.memref_slice %arg4[%add3A_35] : memref<323584xi32, #tpu.memory_space<hbm>> -> memref<128xi32, #tpu.memory_space<hbm>>
        tpu.wait_dma2 semaphore(%run_scoped3A : memref<!tpu.dma_semaphore, #tpu.memory_space<semaphore_mem>>) src(%dma_wait3A_44 : memref<128xi32, #tpu.memory_space<hbm>>) dst(%arg7 : memref<128xi32, #tpu.memory_space<vmem>>)
        tpu.yield
      }) : () -> ()
      %dma_start3A = arith.constant 0 : i32
      %dma_start3A_36 = arith.constant 0 : i32
      %dma_start3A_37 = tpu.memref_slice %arg2[%dma_start3A, %dma_start3A_36] : memref<10240x128xf32, #tpu.memory_space<hbm>> -> memref<10240x128xf32, #tpu.memory_space<hbm>>
      tpu.enqueue_indirect_dma source(%dma_start3A_37 : memref<10240x128xf32, #tpu.memory_space<hbm>>) target(%arg8 : memref<128x128xf32, #tpu.memory_space<vmem>>) offsets(%arg6 : memref<128xi32, #tpu.memory_space<vmem>>) semaphore(%arg11 : memref<!tpu.dma_semaphore, #tpu.memory_space<semaphore_mem>>)
      %dma_wait3A = arith.constant 0 : i32
      %dma_wait3A_38 = arith.constant 0 : i32
      %dma_wait3A_39 = tpu.memref_slice %arg2[%dma_wait3A, %dma_wait3A_38] : memref<10240x128xf32, #tpu.memory_space<hbm>> -> memref<10240x128xf32, #tpu.memory_space<hbm>>
      tpu.wait_indirect_dma semaphore(%arg11 : memref<!tpu.dma_semaphore, #tpu.memory_space<semaphore_mem>>) src(%dma_wait3A_39 : memref<10240x128xf32, #tpu.memory_space<hbm>>) dst(%arg8 : memref<128x128xf32, #tpu.memory_space<vmem>>)
      "tpu.region"() ({
        %run_scoped3A = tpu.sem_alloc : memref<!tpu.dma_semaphore, #tpu.memory_space<semaphore_mem>>
        %dma_start3A_41 = arith.constant 0 : i32
        %dma_start3A_42 = arith.constant 0 : i32
        %dma_start3A_43 = tpu.memref_slice %arg10[%dma_start3A_41, %dma_start3A_42] : memref<10240x128xf32, #tpu.memory_space<vmem_shared>> -> memref<10240x128xf32, #tpu.memory_space<vmem_shared>>
        tpu.enqueue_indirect_dma source(%arg8 : memref<128x128xf32, #tpu.memory_space<vmem>>) target(%dma_start3A_43 : memref<10240x128xf32, #tpu.memory_space<vmem_shared>>) offsets(%arg7 : memref<128xi32, #tpu.memory_space<vmem>>) semaphore(%run_scoped3A : memref<!tpu.dma_semaphore, #tpu.memory_space<semaphore_mem>>) {add = true}
        %dma_wait3A_44 = arith.constant 0 : i32
        %dma_wait3A_45 = arith.constant 0 : i32
        %dma_wait3A_46 = tpu.memref_slice %arg10[%dma_wait3A_44, %dma_wait3A_45] : memref<10240x128xf32, #tpu.memory_space<vmem_shared>> -> memref<10240x128xf32, #tpu.memory_space<vmem_shared>>
        tpu.wait_indirect_dma semaphore(%run_scoped3A : memref<!tpu.dma_semaphore, #tpu.memory_space<semaphore_mem>>) src(%arg8 : memref<128x128xf32, #tpu.memory_space<vmem>>) dst(%dma_wait3A_46 : memref<10240x128xf32, #tpu.memory_space<vmem_shared>>)
        tpu.yield
      }) : () -> ()
      %scan3A_40 = arith.constant 0 : i32
      scf.yield %scan3A_40 : i32
    }
    %scan3A_22 = arith.constant 79 : i32
    %barrier3A_23 = arith.constant 0 : index
    tpu.barrier barrier_id(%barrier3A_23)
    %mul3A_24 = arith.constant 640 : i32
    %mul3A_25 = arith.muli %arg1, %mul3A_24 : i32
    %mul3A_26 = arith.constant 10240 : i32
    %mul3A_27 = arith.muli %arg0, %mul3A_26 : i32
    %mul3A_28 = arith.constant 640 : i32
    %mul3A_29 = arith.muli %arg1, %mul3A_28 : i32
    %add3A_30 = arith.addi %mul3A_27, %mul3A_29 : i32
    "tpu.region"() ({
      %run_scoped3A = tpu.sem_alloc : memref<!tpu.dma_semaphore, #tpu.memory_space<semaphore_mem>>
      %dma_start3A = arith.constant 0 : i32
      %dma_start3A_31 = tpu.memref_slice %arg5[%add3A_30, %dma_start3A] : memref<20480x128xf32, #tpu.memory_space<hbm>> -> memref<640x128xf32, #tpu.memory_space<hbm>>
      %dma_start3A_32 = arith.constant 0 : i32
      %dma_start3A_33 = tpu.memref_slice %arg10[%mul3A_25, %dma_start3A_32] : memref<10240x128xf32, #tpu.memory_space<vmem_shared>> -> memref<640x128xf32, #tpu.memory_space<vmem_shared>>
      tpu.enqueue_dma source(%dma_start3A_33 : memref<640x128xf32, #tpu.memory_space<vmem_shared>>) target(%dma_start3A_31 : memref<640x128xf32, #tpu.memory_space<hbm>>) target_semaphore(%run_scoped3A : memref<!tpu.dma_semaphore, #tpu.memory_space<semaphore_mem>>)
      %dma_wait3A = arith.constant 0 : i32
      %dma_wait3A_34 = tpu.memref_slice %arg5[%add3A_30, %dma_wait3A] : memref<20480x128xf32, #tpu.memory_space<hbm>> -> memref<640x128xf32, #tpu.memory_space<hbm>>
      %dma_wait3A_35 = arith.constant 0 : i32
      %dma_wait3A_36 = tpu.memref_slice %arg10[%mul3A_25, %dma_wait3A_35] : memref<10240x128xf32, #tpu.memory_space<vmem_shared>> -> memref<640x128xf32, #tpu.memory_space<vmem_shared>>
      tpu.wait_dma2 semaphore(%run_scoped3A : memref<!tpu.dma_semaphore, #tpu.memory_space<semaphore_mem>>) src(%dma_wait3A_36 : memref<640x128xf32, #tpu.memory_space<vmem_shared>>) dst(%dma_wait3A_34 : memref<640x128xf32, #tpu.memory_space<hbm>>)
      tpu.yield
    }) : () -> ()
    return
  }
}

#map = affine_map<(d0, d1) -> (0, 0)>
#map1 = affine_map<(d0, d1) -> (0)>
module attributes {stable_mosaic.version = 14 : i64} {
  func.func @body(%arg0: i32, %arg1: i32, %arg2: memref<10240x128xf32, #tpu.memory_space<hbm>>, %arg3: memref<128xi32, #tpu.memory_space<hbm>>, %arg4: memref<128x128xf32, #tpu.memory_space<hbm>>, %arg5: memref<128xi32, #tpu.memory_space<vmem>>, %arg6: memref<128x128xf32, #tpu.memory_space<vmem>>, %arg7: memref<!tpu.dma_semaphore, #tpu.memory_space<semaphore_mem>>) attributes {dimension_semantics = [#tpu.dimension_semantics<core_parallel>, #tpu.dimension_semantics<subcore_parallel>], iteration_bounds = array<i64: 2, 16>, scalar_prefetch = 0 : i64, scratch_operands = 3 : i64, tpu.core_type = #tpu.core_type<sc_vector_subcore>, window_params = [{transform_indices = #map}, {transform_indices = #map1}, {transform_indices = #map}]} {
    %eq3A = arith.constant 0 : i32
    %eq3A_0 = arith.cmpi eq, %arg0, %eq3A : i32
    %eq3A_1 = arith.constant 0 : i32
    %eq3A_2 = arith.cmpi eq, %arg1, %eq3A_1 : i32
    %and3A = arith.andi %eq3A_0, %eq3A_2 : i1
    %convert_element_type3A = arith.extui %and3A : i1 to i32
    %cond3A = arith.constant 0 : i32
    %cond3A_3 = arith.cmpi ne, %convert_element_type3A, %cond3A : i32
    scf.if %cond3A_3 {
      "tpu.region"() ({
        %run_scoped3A = tpu.sem_alloc : memref<!tpu.dma_semaphore, #tpu.memory_space<semaphore_mem>>
        tpu.enqueue_dma source(%arg3 : memref<128xi32, #tpu.memory_space<hbm>>) target(%arg5 : memref<128xi32, #tpu.memory_space<vmem>>) target_semaphore(%run_scoped3A : memref<!tpu.dma_semaphore, #tpu.memory_space<semaphore_mem>>)
        tpu.wait_dma2 semaphore(%run_scoped3A : memref<!tpu.dma_semaphore, #tpu.memory_space<semaphore_mem>>) src(%arg3 : memref<128xi32, #tpu.memory_space<hbm>>) dst(%arg5 : memref<128xi32, #tpu.memory_space<vmem>>)
        tpu.yield
      }) : () -> ()
      %dma_start3A = arith.constant 0 : i32
      %dma_start3A_4 = arith.constant 0 : i32
      %dma_start3A_5 = tpu.memref_slice %arg2[%dma_start3A, %dma_start3A_4] : memref<10240x128xf32, #tpu.memory_space<hbm>> -> memref<10240x128xf32, #tpu.memory_space<hbm>>
      tpu.enqueue_indirect_dma source(%dma_start3A_5 : memref<10240x128xf32, #tpu.memory_space<hbm>>) target(%arg6 : memref<128x128xf32, #tpu.memory_space<vmem>>) offsets(%arg5 : memref<128xi32, #tpu.memory_space<vmem>>) semaphore(%arg7 : memref<!tpu.dma_semaphore, #tpu.memory_space<semaphore_mem>>)
      %dma_wait3A = arith.constant 0 : i32
      %dma_wait3A_6 = arith.constant 0 : i32
      %dma_wait3A_7 = tpu.memref_slice %arg2[%dma_wait3A, %dma_wait3A_6] : memref<10240x128xf32, #tpu.memory_space<hbm>> -> memref<10240x128xf32, #tpu.memory_space<hbm>>
      tpu.wait_indirect_dma semaphore(%arg7 : memref<!tpu.dma_semaphore, #tpu.memory_space<semaphore_mem>>) src(%dma_wait3A_7 : memref<10240x128xf32, #tpu.memory_space<hbm>>) dst(%arg6 : memref<128x128xf32, #tpu.memory_space<vmem>>)
      "tpu.region"() ({
        %run_scoped3A = tpu.sem_alloc : memref<!tpu.dma_semaphore, #tpu.memory_space<semaphore_mem>>
        tpu.enqueue_dma source(%arg6 : memref<128x128xf32, #tpu.memory_space<vmem>>) target(%arg4 : memref<128x128xf32, #tpu.memory_space<hbm>>) target_semaphore(%run_scoped3A : memref<!tpu.dma_semaphore, #tpu.memory_space<semaphore_mem>>)
        tpu.wait_dma2 semaphore(%run_scoped3A : memref<!tpu.dma_semaphore, #tpu.memory_space<semaphore_mem>>) src(%arg6 : memref<128x128xf32, #tpu.memory_space<vmem>>) dst(%arg4 : memref<128x128xf32, #tpu.memory_space<hbm>>)
        tpu.yield
      }) : () -> ()
    } else {
    }
    return
  }
}

module attributes {stable_mosaic.version = 14 : i64} {
  func.func @_foot_body(%arg0: i32, %arg1: memref<128x128xf32, #tpu.memory_space<vmem>>, %arg2: memref<1x1x128xf32, #tpu.memory_space<vmem>>, %arg3: memref<1x1x128xf32, #tpu.memory_space<vmem>>, %arg4: memref<128x128xf32, #tpu.memory_space<vmem>>, %arg5: memref<1x128xf32, #tpu.memory_space<vmem>>, %arg6: memref<128x128xf32, #tpu.memory_space<vmem>>, %arg7: memref<128x128xf32, #tpu.memory_space<vmem>>, %arg8: memref<128x128xf32, #tpu.memory_space<vmem>>, %arg9: memref<1x1x128xf32, #tpu.memory_space<vmem>>) attributes {dimension_semantics = [#tpu.dimension_semantics<arbitrary>], iteration_bounds = array<i64: 80>, scalar_prefetch = 0 : i64, scratch_operands = 0 : i64, tpu.core_type = #tpu.core_type<tc>, window_params = [{transform_indices = @transform_0, window_bounds = array<i64: 128, 128>}, {transform_indices = @transform_1, window_bounds = array<i64: 1, 1, 128>}, {transform_indices = @transform_2, window_bounds = array<i64: 1, 1, 128>}, {pipeline_mode = #tpu.pipeline_mode<synchronous>, transform_indices = @transform_3, window_bounds = array<i64: 128, 128>}, {pipeline_mode = #tpu.pipeline_mode<synchronous>, transform_indices = @transform_4, window_bounds = array<i64: 1, 128>}, {pipeline_mode = #tpu.pipeline_mode<synchronous>, transform_indices = @transform_5, window_bounds = array<i64: 128, 128>}, {transform_indices = @transform_6, window_bounds = array<i64: 128, 128>}, {transform_indices = @transform_7, window_bounds = array<i64: 128, 128>}, {transform_indices = @transform_8, window_bounds = array<i64: 1, 1, 128>}]} {
    %get3A = arith.constant 0 : index
    %get3A_0 = arith.constant 0 : index
    %get3A_1 = arith.constant 0 : index
    %get3A_2 = vector.load %arg2[%get3A, %get3A_0, %get3A_1] : memref<1x1x128xf32, #tpu.memory_space<vmem>>, vector<1x1x128xf32>
    %get3A_3 = vector.shape_cast %get3A_2 : vector<1x1x128xf32> to vector<1x128xf32>
    %get3A_4 = arith.constant 0 : index
    %get3A_5 = arith.constant 0 : index
    %get3A_6 = arith.constant 0 : index
    %get3A_7 = vector.load %arg3[%get3A_4, %get3A_5, %get3A_6] : memref<1x1x128xf32, #tpu.memory_space<vmem>>, vector<1x1x128xf32>
    %get3A_8 = vector.shape_cast %get3A_7 : vector<1x1x128xf32> to vector<1x128xf32>
    %add3A = arith.addf %get3A_3, %get3A_8 : vector<1x128xf32>
    %add3A_9 = arith.constant 1.000000e+00 : f32
    %add3A_10 = vector.broadcast %add3A_9 : f32 to vector<1x128xf32>
    %add3A_11 = arith.addf %add3A, %add3A_10 : vector<1x128xf32>
    %iota3A = tpu.iota {dimensions = array<i32: 1>} : vector<1x128xi32>
    %mul3A = arith.constant 128 : i32
    %mul3A_12 = arith.muli %arg0, %mul3A : i32
    %add3A_13 = vector.broadcast %mul3A_12 : i32 to vector<1x128xi32>
    %add3A_14 = arith.addi %add3A_13, %iota3A : vector<1x128xi32>
    %lt3A = arith.constant 10000 : i32
    %lt3A_15 = vector.broadcast %lt3A : i32 to vector<1x128xi32>
    %lt3A_16 = arith.cmpi slt, %add3A_14, %lt3A_15 : vector<1x128xi32>
    %rsqrt3A = math.rsqrt %add3A_11 : vector<1x128xf32>
    %jit3A = arith.constant 0.000000e+00 : f32
    %broadcast_in_dim3A = vector.broadcast %jit3A : f32 to vector<1x128xf32>
    %select_n3A = arith.select %lt3A_16, %rsqrt3A, %broadcast_in_dim3A : vector<1x128xi1>, vector<1x128xf32>
    %iota3A_17 = tpu.iota {dimensions = array<i32: 0>} : vector<128x1xi32>
    %mul3A_18 = arith.constant 128 : i32
    %mul3A_19 = arith.muli %arg0, %mul3A_18 : i32
    %add3A_20 = vector.broadcast %mul3A_19 : i32 to vector<128x1xi32>
    %add3A_21 = arith.addi %add3A_20, %iota3A_17 : vector<128x1xi32>
    %lt3A_22 = arith.constant 10000 : i32
    %lt3A_23 = vector.broadcast %lt3A_22 : i32 to vector<128x1xi32>
    %lt3A_24 = arith.cmpi slt, %add3A_21, %lt3A_23 : vector<128x1xi32>
    %get3A_25 = arith.constant 0 : index
    %get3A_26 = arith.constant 0 : index
    %get3A_27 = vector.load %arg1[%get3A_25, %get3A_26] : memref<128x128xf32, #tpu.memory_space<vmem>>, vector<128x128xf32>
    %get3A_28 = arith.constant 0 : index
    %get3A_29 = arith.constant 0 : index
    %get3A_30 = vector.load %arg4[%get3A_28, %get3A_29] : memref<128x128xf32, #tpu.memory_space<vmem>>, vector<128x128xf32>
    %dot_general3A = arith.constant dense<0.000000e+00> : vector<128x128xf32>
    %dot_general3A_31 = tpu.matmul %get3A_27, %get3A_30, %dot_general3A {dimension_numbers = #tpu.dot_dimension_numbers<[1], [1], [0], [0], [0, 0, 1, 0], [], []>, transpose_lhs_hint = false} : vector<128x128xf32>, vector<128x128xf32>, vector<128x128xf32> -> vector<128x128xf32>
    %get3A_32 = arith.constant 0 : index
    %get3A_33 = arith.constant 0 : index
    %get3A_34 = vector.load %arg5[%get3A_32, %get3A_33] : memref<1x128xf32, #tpu.memory_space<vmem>>, vector<1x128xf32>
    %add3A_35 = vector.broadcast %get3A_34 : vector<1x128xf32> to vector<128x128xf32>
    %add3A_36 = arith.addf %dot_general3A_31, %add3A_35 : vector<128x128xf32>
    %mul3A_37 = arith.constant 5.000000e-01 : f32
    %mul3A_38 = vector.broadcast %mul3A_37 : f32 to vector<128x128xf32>
    %mul3A_39 = arith.mulf %mul3A_38, %add3A_36 : vector<128x128xf32>
    %mul3A_40 = arith.constant 0.707106769 : f32
    %mul3A_41 = vector.broadcast %mul3A_40 : f32 to vector<128x128xf32>
    %mul3A_42 = arith.mulf %add3A_36, %mul3A_41 : vector<128x128xf32>
    %erf3A = math.erf %mul3A_42 : vector<128x128xf32>
    %add3A_43 = arith.constant 1.000000e+00 : f32
    %add3A_44 = vector.broadcast %add3A_43 : f32 to vector<128x128xf32>
    %add3A_45 = arith.addf %add3A_44, %erf3A : vector<128x128xf32>
    %mul3A_46 = arith.mulf %mul3A_39, %add3A_45 : vector<128x128xf32>
    %jit3A_47 = arith.constant 0.000000e+00 : f32
    %broadcast_in_dim3A_48 = vector.shape_cast %lt3A_24 : vector<128x1xi1> to vector<128x1xi1>
    %broadcast_in_dim3A_49 = vector.broadcast %broadcast_in_dim3A_48 : vector<128x1xi1> to vector<128x128xi1>
    %broadcast_in_dim3A_50 = vector.broadcast %jit3A_47 : f32 to vector<128x128xf32>
    %select_n3A_51 = arith.select %broadcast_in_dim3A_49, %mul3A_46, %broadcast_in_dim3A_50 : vector<128x128xi1>, vector<128x128xf32>
    %swap3A = arith.constant 0 : index
    %swap3A_52 = arith.constant 0 : index
    %swap3A_53 = vector.load %arg7[%swap3A, %swap3A_52] : memref<128x128xf32, #tpu.memory_space<vmem>>, vector<128x128xf32>
    tpu.vector_store %arg7[%swap3A, %swap3A_52], %select_n3A_51 {strides = array<i32>} : memref<128x128xf32, #tpu.memory_space<vmem>>, vector<128x128xf32>,
    %broadcast_in_dim3A_54 = arith.constant 1.000000e+00 : f32
    %broadcast_in_dim3A_55 = vector.broadcast %broadcast_in_dim3A_54 : f32 to vector<128x1xf32>
    %dot_general3A_56 = arith.constant dense<0.000000e+00> : vector<128x128xf32>
    %dot_general3A_57 = tpu.matmul %broadcast_in_dim3A_55, %select_n3A, %dot_general3A_56 {dimension_numbers = #tpu.dot_dimension_numbers<[1], [0], [0], [1], [0, 0, 1, 1], [], []>, transpose_lhs_hint = false} : vector<128x1xf32>, vector<1x128xf32>, vector<128x128xf32> -> vector<128x128xf32>
    %iota3A_58 = tpu.iota {dimensions = array<i32: 0>} : vector<128x128xi32>
    %iota3A_59 = tpu.iota {dimensions = array<i32: 1>} : vector<128x128xi32>
    %eq3A = arith.cmpi eq, %iota3A_58, %iota3A_59 : vector<128x128xi32>
    %jit3A_60 = arith.constant 0.000000e+00 : f32
    %broadcast_in_dim3A_61 = vector.broadcast %jit3A_60 : f32 to vector<128x128xf32>
    %select_n3A_62 = arith.select %eq3A, %dot_general3A_57, %broadcast_in_dim3A_61 : vector<128x128xi1>, vector<128x128xf32>
    %get3A_63 = arith.constant 0 : index
    %get3A_64 = arith.constant 0 : index
    %get3A_65 = vector.load %arg6[%get3A_63, %get3A_64] : memref<128x128xf32, #tpu.memory_space<vmem>>, vector<128x128xf32>
    %dot_general3A_66 = arith.constant dense<0.000000e+00> : vector<128x128xf32>
    %dot_general3A_67 = tpu.matmul %select_n3A_51, %get3A_65, %dot_general3A_66 {dimension_numbers = #tpu.dot_dimension_numbers<[1], [1], [0], [0], [0, 0, 1, 0], [], []>, transpose_lhs_hint = false} : vector<128x128xf32>, vector<128x128xf32>, vector<128x128xf32> -> vector<128x128xf32>
    %dot_general3A_68 = arith.constant dense<0.000000e+00> : vector<128x128xf32>
    %dot_general3A_69 = tpu.matmul %select_n3A_62, %dot_general3A_67, %dot_general3A_68 {dimension_numbers = #tpu.dot_dimension_numbers<[1], [0], [0], [1], [0, 0, 1, 1], [], []>, transpose_lhs_hint = false} : vector<128x128xf32>, vector<128x128xf32>, vector<128x128xf32> -> vector<128x128xf32>
    %swap3A_70 = arith.constant 0 : index
    %swap3A_71 = arith.constant 0 : index
    %swap3A_72 = vector.load %arg8[%swap3A_70, %swap3A_71] : memref<128x128xf32, #tpu.memory_space<vmem>>, vector<128x128xf32>
    tpu.vector_store %arg8[%swap3A_70, %swap3A_71], %dot_general3A_69 {strides = array<i32>} : memref<128x128xf32, #tpu.memory_space<vmem>>, vector<128x128xf32>,
    %swap3A_73 = arith.constant 0 : index
    %swap3A_74 = arith.constant 0 : index
    %swap3A_75 = arith.constant 0 : index
    %swap3A_76 = vector.load %arg9[%swap3A_73, %swap3A_74, %swap3A_75] : memref<1x1x128xf32, #tpu.memory_space<vmem>>, vector<1x1x128xf32>
    %swap3A_77 = vector.shape_cast %swap3A_76 : vector<1x1x128xf32> to vector<1x128xf32>
    %swap3A_78 = vector.shape_cast %select_n3A : vector<1x128xf32> to vector<1x1x128xf32>
    tpu.vector_store %arg9[%swap3A_73, %swap3A_74, %swap3A_75], %swap3A_78 {strides = array<i32>} : memref<1x1x128xf32, #tpu.memory_space<vmem>>, vector<1x1x128xf32>,
    return
  }
  func.func @transform_0(%arg0: i32) -> (i32, i32) {
    %c0_i32 = arith.constant 0 : i32
    %c0_i32_0 = arith.constant 0 : i32
    return %arg0, %c0_i32 : i32, i32
  }
  func.func @transform_1(%arg0: i32) -> (i32, i32, i32) {
    %c0_i32 = arith.constant 0 : i32
    %c0_i32_0 = arith.constant 0 : i32
    %c0_i32_1 = arith.constant 0 : i32
    return %arg0, %c0_i32, %c0_i32_0 : i32, i32, i32
  }
  func.func @transform_2(%arg0: i32) -> (i32, i32, i32) {
    %c0_i32 = arith.constant 0 : i32
    %c0_i32_0 = arith.constant 0 : i32
    %c0_i32_1 = arith.constant 0 : i32
    return %arg0, %c0_i32, %c0_i32_0 : i32, i32, i32
  }
  func.func @transform_3(%arg0: i32) -> (i32, i32) {
    %c0_i32 = arith.constant 0 : i32
    %c0_i32_0 = arith.constant 0 : i32
    %c0_i32_1 = arith.constant 0 : i32
    return %c0_i32, %c0_i32_0 : i32, i32
  }
  func.func @transform_4(%arg0: i32) -> (i32, i32) {
    %c0_i32 = arith.constant 0 : i32
    %c0_i32_0 = arith.constant 0 : i32
    %c0_i32_1 = arith.constant 0 : i32
    return %c0_i32, %c0_i32_0 : i32, i32
  }
  func.func @transform_5(%arg0: i32) -> (i32, i32) {
    %c0_i32 = arith.constant 0 : i32
    %c0_i32_0 = arith.constant 0 : i32
    %c0_i32_1 = arith.constant 0 : i32
    return %c0_i32, %c0_i32_0 : i32, i32
  }
  func.func @transform_6(%arg0: i32) -> (i32, i32) {
    %c0_i32 = arith.constant 0 : i32
    %c0_i32_0 = arith.constant 0 : i32
    return %arg0, %c0_i32 : i32, i32
  }
  func.func @transform_7(%arg0: i32) -> (i32, i32) {
    %c0_i32 = arith.constant 0 : i32
    %c0_i32_0 = arith.constant 0 : i32
    return %arg0, %c0_i32 : i32, i32
  }
  func.func @transform_8(%arg0: i32) -> (i32, i32, i32) {
    %c0_i32 = arith.constant 0 : i32
    %c0_i32_0 = arith.constant 0 : i32
    %c0_i32_1 = arith.constant 0 : i32
    return %arg0, %c0_i32, %c0_i32_0 : i32, i32, i32
  }
}

module attributes {stable_mosaic.version = 14 : i64} {
  func.func @_update_body(%arg0: i32, %arg1: memref<128x128xf32, #tpu.memory_space<vmem>>, %arg2: memref<128x128xf32, #tpu.memory_space<vmem>>, %arg3: memref<128x128xf32, #tpu.memory_space<vmem>>, %arg4: memref<128x128xf32, #tpu.memory_space<vmem>>, %arg5: memref<1x1x128xf32, #tpu.memory_space<vmem>>, %arg6: memref<1x128xf32, #tpu.memory_space<vmem>>, %arg7: memref<128x128xf32, #tpu.memory_space<vmem>>, %arg8: memref<128x128xf32, #tpu.memory_space<vmem>>, %arg9: memref<128x128xf32, #tpu.memory_space<vmem>>) attributes {dimension_semantics = [#tpu.dimension_semantics<arbitrary>], iteration_bounds = array<i64: 80>, scalar_prefetch = 0 : i64, scratch_operands = 0 : i64, tpu.core_type = #tpu.core_type<tc>, window_params = [{transform_indices = @transform_0, window_bounds = array<i64: 128, 128>}, {transform_indices = @transform_1, window_bounds = array<i64: 128, 128>}, {transform_indices = @transform_2, window_bounds = array<i64: 128, 128>}, {transform_indices = @transform_3, window_bounds = array<i64: 128, 128>}, {transform_indices = @transform_4, window_bounds = array<i64: 1, 1, 128>}, {pipeline_mode = #tpu.pipeline_mode<synchronous>, transform_indices = @transform_5, window_bounds = array<i64: 1, 128>}, {pipeline_mode = #tpu.pipeline_mode<synchronous>, transform_indices = @transform_6, window_bounds = array<i64: 128, 128>}, {transform_indices = @transform_7, window_bounds = array<i64: 128, 128>}, {transform_indices = @transform_8, window_bounds = array<i64: 128, 128>}]} {
    %get3A = arith.constant 0 : index
    %get3A_0 = arith.constant 0 : index
    %get3A_1 = arith.constant 0 : index
    %get3A_2 = vector.load %arg5[%get3A, %get3A_0, %get3A_1] : memref<1x1x128xf32, #tpu.memory_space<vmem>>, vector<1x1x128xf32>
    %get3A_3 = vector.shape_cast %get3A_2 : vector<1x1x128xf32> to vector<1x128xf32>
    %broadcast_in_dim3A = arith.constant 1.000000e+00 : f32
    %broadcast_in_dim3A_4 = vector.broadcast %broadcast_in_dim3A : f32 to vector<128x1xf32>
    %dot_general3A = arith.constant dense<0.000000e+00> : vector<128x128xf32>
    %dot_general3A_5 = tpu.matmul %broadcast_in_dim3A_4, %get3A_3, %dot_general3A {dimension_numbers = #tpu.dot_dimension_numbers<[1], [0], [0], [1], [0, 0, 1, 1], [], []>, transpose_lhs_hint = false} : vector<128x1xf32>, vector<1x128xf32>, vector<128x128xf32> -> vector<128x128xf32>
    %iota3A = tpu.iota {dimensions = array<i32: 0>} : vector<128x128xi32>
    %iota3A_6 = tpu.iota {dimensions = array<i32: 1>} : vector<128x128xi32>
    %eq3A = arith.cmpi eq, %iota3A, %iota3A_6 : vector<128x128xi32>
    %jit3A = arith.constant 0.000000e+00 : f32
    %broadcast_in_dim3A_7 = vector.broadcast %jit3A : f32 to vector<128x128xf32>
    %select_n3A = arith.select %eq3A, %dot_general3A_5, %broadcast_in_dim3A_7 : vector<128x128xi1>, vector<128x128xf32>
    %get3A_8 = arith.constant 0 : index
    %get3A_9 = arith.constant 0 : index
    %get3A_10 = vector.load %arg3[%get3A_8, %get3A_9] : memref<128x128xf32, #tpu.memory_space<vmem>>, vector<128x128xf32>
    %get3A_11 = arith.constant 0 : index
    %get3A_12 = arith.constant 0 : index
    %get3A_13 = vector.load %arg4[%get3A_11, %get3A_12] : memref<128x128xf32, #tpu.memory_space<vmem>>, vector<128x128xf32>
    %add3A = arith.addf %get3A_10, %get3A_13 : vector<128x128xf32>
    %get3A_14 = arith.constant 0 : index
    %get3A_15 = arith.constant 0 : index
    %get3A_16 = vector.load %arg2[%get3A_14, %get3A_15] : memref<128x128xf32, #tpu.memory_space<vmem>>, vector<128x128xf32>
    %add3A_17 = arith.addf %add3A, %get3A_16 : vector<128x128xf32>
    %get3A_18 = arith.constant 0 : index
    %get3A_19 = arith.constant 0 : index
    %get3A_20 = vector.load %arg1[%get3A_18, %get3A_19] : memref<128x128xf32, #tpu.memory_space<vmem>>, vector<128x128xf32>
    %dot_general3A_21 = arith.constant dense<0.000000e+00> : vector<128x128xf32>
    %dot_general3A_22 = tpu.matmul %select_n3A, %add3A_17, %dot_general3A_21 {dimension_numbers = #tpu.dot_dimension_numbers<[1], [0], [0], [1], [0, 0, 1, 1], [], []>, transpose_lhs_hint = false} : vector<128x128xf32>, vector<128x128xf32>, vector<128x128xf32> -> vector<128x128xf32>
    %add3A_23 = arith.addf %get3A_20, %dot_general3A_22 : vector<128x128xf32>
    %get3A_24 = arith.constant 0 : index
    %get3A_25 = arith.constant 0 : index
    %get3A_26 = vector.load %arg6[%get3A_24, %get3A_25] : memref<1x128xf32, #tpu.memory_space<vmem>>, vector<1x128xf32>
    %add3A_27 = vector.broadcast %get3A_26 : vector<1x128xf32> to vector<128x128xf32>
    %add3A_28 = arith.addf %add3A_23, %add3A_27 : vector<128x128xf32>
    %iota3A_29 = tpu.iota {dimensions = array<i32: 0>} : vector<128x1xi32>
    %mul3A = arith.constant 128 : i32
    %mul3A_30 = arith.muli %arg0, %mul3A : i32
    %add3A_31 = vector.broadcast %mul3A_30 : i32 to vector<128x1xi32>
    %add3A_32 = arith.addi %add3A_31, %iota3A_29 : vector<128x1xi32>
    %lt3A = arith.constant 10000 : i32
    %lt3A_33 = vector.broadcast %lt3A : i32 to vector<128x1xi32>
    %lt3A_34 = arith.cmpi slt, %add3A_32, %lt3A_33 : vector<128x1xi32>
    %jit3A_35 = arith.constant 0.000000e+00 : f32
    %broadcast_in_dim3A_36 = vector.shape_cast %lt3A_34 : vector<128x1xi1> to vector<128x1xi1>
    %broadcast_in_dim3A_37 = vector.broadcast %broadcast_in_dim3A_36 : vector<128x1xi1> to vector<128x128xi1>
    %broadcast_in_dim3A_38 = vector.broadcast %jit3A_35 : f32 to vector<128x128xf32>
    %select_n3A_39 = arith.select %broadcast_in_dim3A_37, %add3A_28, %broadcast_in_dim3A_38 : vector<128x128xi1>, vector<128x128xf32>
    %swap3A = arith.constant 0 : index
    %swap3A_40 = arith.constant 0 : index
    %swap3A_41 = vector.load %arg8[%swap3A, %swap3A_40] : memref<128x128xf32, #tpu.memory_space<vmem>>, vector<128x128xf32>
    tpu.vector_store %arg8[%swap3A, %swap3A_40], %select_n3A_39 {strides = array<i32>} : memref<128x128xf32, #tpu.memory_space<vmem>>, vector<128x128xf32>,
    %get3A_42 = arith.constant 0 : index
    %get3A_43 = arith.constant 0 : index
    %get3A_44 = vector.load %arg7[%get3A_42, %get3A_43] : memref<128x128xf32, #tpu.memory_space<vmem>>, vector<128x128xf32>
    %dot_general3A_45 = arith.constant dense<0.000000e+00> : vector<128x128xf32>
    %dot_general3A_46 = tpu.matmul %select_n3A_39, %get3A_44, %dot_general3A_45 {dimension_numbers = #tpu.dot_dimension_numbers<[1], [1], [0], [0], [0, 0, 1, 0], [], []>, transpose_lhs_hint = false} : vector<128x128xf32>, vector<128x128xf32>, vector<128x128xf32> -> vector<128x128xf32>
    %dot_general3A_47 = arith.constant dense<0.000000e+00> : vector<128x128xf32>
    %dot_general3A_48 = tpu.matmul %select_n3A, %dot_general3A_46, %dot_general3A_47 {dimension_numbers = #tpu.dot_dimension_numbers<[1], [0], [0], [1], [0, 0, 1, 1], [], []>, transpose_lhs_hint = false} : vector<128x128xf32>, vector<128x128xf32>, vector<128x128xf32> -> vector<128x128xf32>
    %swap3A_49 = arith.constant 0 : index
    %swap3A_50 = arith.constant 0 : index
    %swap3A_51 = vector.load %arg9[%swap3A_49, %swap3A_50] : memref<128x128xf32, #tpu.memory_space<vmem>>, vector<128x128xf32>
    tpu.vector_store %arg9[%swap3A_49, %swap3A_50], %dot_general3A_48 {strides = array<i32>} : memref<128x128xf32, #tpu.memory_space<vmem>>, vector<128x128xf32>,
    return
  }
  func.func @transform_0(%arg0: i32) -> (i32, i32) {
    %c0_i32 = arith.constant 0 : i32
    %c0_i32_0 = arith.constant 0 : i32
    return %arg0, %c0_i32 : i32, i32
  }
  func.func @transform_1(%arg0: i32) -> (i32, i32) {
    %c0_i32 = arith.constant 0 : i32
    %c0_i32_0 = arith.constant 0 : i32
    return %arg0, %c0_i32 : i32, i32
  }
  func.func @transform_2(%arg0: i32) -> (i32, i32) {
    %c0_i32 = arith.constant 0 : i32
    %c0_i32_0 = arith.constant 0 : i32
    return %arg0, %c0_i32 : i32, i32
  }
  func.func @transform_3(%arg0: i32) -> (i32, i32) {
    %add3A = arith.constant 80 : i32
    %add3A_0 = arith.addi %arg0, %add3A : i32
    %c0_i32 = arith.constant 0 : i32
    %c0_i32_1 = arith.constant 0 : i32
    return %add3A_0, %c0_i32 : i32, i32
  }
  func.func @transform_4(%arg0: i32) -> (i32, i32, i32) {
    %c0_i32 = arith.constant 0 : i32
    %c0_i32_0 = arith.constant 0 : i32
    %c0_i32_1 = arith.constant 0 : i32
    return %arg0, %c0_i32, %c0_i32_0 : i32, i32, i32
  }
  func.func @transform_5(%arg0: i32) -> (i32, i32) {
    %c0_i32 = arith.constant 0 : i32
    %c0_i32_0 = arith.constant 0 : i32
    %c0_i32_1 = arith.constant 0 : i32
    return %c0_i32, %c0_i32_0 : i32, i32
  }
  func.func @transform_6(%arg0: i32) -> (i32, i32) {
    %c0_i32 = arith.constant 0 : i32
    %c0_i32_0 = arith.constant 0 : i32
    %c0_i32_1 = arith.constant 0 : i32
    return %c0_i32, %c0_i32_0 : i32, i32
  }
  func.func @transform_7(%arg0: i32) -> (i32, i32) {
    %c0_i32 = arith.constant 0 : i32
    %c0_i32_0 = arith.constant 0 : i32
    return %arg0, %c0_i32 : i32, i32
  }
  func.func @transform_8(%arg0: i32) -> (i32, i32) {
    %c0_i32 = arith.constant 0 : i32
    %c0_i32_0 = arith.constant 0 : i32
    return %arg0, %c0_i32 : i32, i32
  }
}

module attributes {stable_mosaic.version = 14 : i64} {
  func.func @_update_body(%arg0: i32, %arg1: memref<128x128xf32, #tpu.memory_space<vmem>>, %arg2: memref<128x128xf32, #tpu.memory_space<vmem>>, %arg3: memref<128x128xf32, #tpu.memory_space<vmem>>, %arg4: memref<128x128xf32, #tpu.memory_space<vmem>>, %arg5: memref<1x1x128xf32, #tpu.memory_space<vmem>>, %arg6: memref<1x128xf32, #tpu.memory_space<vmem>>, %arg7: memref<128x128xf32, #tpu.memory_space<vmem>>, %arg8: memref<128x128xf32, #tpu.memory_space<vmem>>, %arg9: memref<128x128xf32, #tpu.memory_space<vmem>>) attributes {dimension_semantics = [#tpu.dimension_semantics<arbitrary>], iteration_bounds = array<i64: 80>, scalar_prefetch = 0 : i64, scratch_operands = 0 : i64, tpu.core_type = #tpu.core_type<tc>, window_params = [{transform_indices = @transform_0, window_bounds = array<i64: 128, 128>}, {transform_indices = @transform_1, window_bounds = array<i64: 128, 128>}, {transform_indices = @transform_2, window_bounds = array<i64: 128, 128>}, {transform_indices = @transform_3, window_bounds = array<i64: 128, 128>}, {transform_indices = @transform_4, window_bounds = array<i64: 1, 1, 128>}, {pipeline_mode = #tpu.pipeline_mode<synchronous>, transform_indices = @transform_5, window_bounds = array<i64: 1, 128>}, {pipeline_mode = #tpu.pipeline_mode<synchronous>, transform_indices = @transform_6, window_bounds = array<i64: 128, 128>}, {transform_indices = @transform_7, window_bounds = array<i64: 128, 128>}, {transform_indices = @transform_8, window_bounds = array<i64: 128, 128>}]} {
    %get3A = arith.constant 0 : index
    %get3A_0 = arith.constant 0 : index
    %get3A_1 = arith.constant 0 : index
    %get3A_2 = vector.load %arg5[%get3A, %get3A_0, %get3A_1] : memref<1x1x128xf32, #tpu.memory_space<vmem>>, vector<1x1x128xf32>
    %get3A_3 = vector.shape_cast %get3A_2 : vector<1x1x128xf32> to vector<1x128xf32>
    %broadcast_in_dim3A = arith.constant 1.000000e+00 : f32
    %broadcast_in_dim3A_4 = vector.broadcast %broadcast_in_dim3A : f32 to vector<128x1xf32>
    %dot_general3A = arith.constant dense<0.000000e+00> : vector<128x128xf32>
    %dot_general3A_5 = tpu.matmul %broadcast_in_dim3A_4, %get3A_3, %dot_general3A {dimension_numbers = #tpu.dot_dimension_numbers<[1], [0], [0], [1], [0, 0, 1, 1], [], []>, transpose_lhs_hint = false} : vector<128x1xf32>, vector<1x128xf32>, vector<128x128xf32> -> vector<128x128xf32>
    %iota3A = tpu.iota {dimensions = array<i32: 0>} : vector<128x128xi32>
    %iota3A_6 = tpu.iota {dimensions = array<i32: 1>} : vector<128x128xi32>
    %eq3A = arith.cmpi eq, %iota3A, %iota3A_6 : vector<128x128xi32>
    %jit3A = arith.constant 0.000000e+00 : f32
    %broadcast_in_dim3A_7 = vector.broadcast %jit3A : f32 to vector<128x128xf32>
    %select_n3A = arith.select %eq3A, %dot_general3A_5, %broadcast_in_dim3A_7 : vector<128x128xi1>, vector<128x128xf32>
    %get3A_8 = arith.constant 0 : index
    %get3A_9 = arith.constant 0 : index
    %get3A_10 = vector.load %arg3[%get3A_8, %get3A_9] : memref<128x128xf32, #tpu.memory_space<vmem>>, vector<128x128xf32>
    %get3A_11 = arith.constant 0 : index
    %get3A_12 = arith.constant 0 : index
    %get3A_13 = vector.load %arg4[%get3A_11, %get3A_12] : memref<128x128xf32, #tpu.memory_space<vmem>>, vector<128x128xf32>
    %add3A = arith.addf %get3A_10, %get3A_13 : vector<128x128xf32>
    %get3A_14 = arith.constant 0 : index
    %get3A_15 = arith.constant 0 : index
    %get3A_16 = vector.load %arg2[%get3A_14, %get3A_15] : memref<128x128xf32, #tpu.memory_space<vmem>>, vector<128x128xf32>
    %add3A_17 = arith.addf %add3A, %get3A_16 : vector<128x128xf32>
    %get3A_18 = arith.constant 0 : index
    %get3A_19 = arith.constant 0 : index
    %get3A_20 = vector.load %arg1[%get3A_18, %get3A_19] : memref<128x128xf32, #tpu.memory_space<vmem>>, vector<128x128xf32>
    %dot_general3A_21 = arith.constant dense<0.000000e+00> : vector<128x128xf32>
    %dot_general3A_22 = tpu.matmul %select_n3A, %add3A_17, %dot_general3A_21 {dimension_numbers = #tpu.dot_dimension_numbers<[1], [0], [0], [1], [0, 0, 1, 1], [], []>, transpose_lhs_hint = false} : vector<128x128xf32>, vector<128x128xf32>, vector<128x128xf32> -> vector<128x128xf32>
    %add3A_23 = arith.addf %get3A_20, %dot_general3A_22 : vector<128x128xf32>
    %get3A_24 = arith.constant 0 : index
    %get3A_25 = arith.constant 0 : index
    %get3A_26 = vector.load %arg6[%get3A_24, %get3A_25] : memref<1x128xf32, #tpu.memory_space<vmem>>, vector<1x128xf32>
    %add3A_27 = vector.broadcast %get3A_26 : vector<1x128xf32> to vector<128x128xf32>
    %add3A_28 = arith.addf %add3A_23, %add3A_27 : vector<128x128xf32>
    %iota3A_29 = tpu.iota {dimensions = array<i32: 0>} : vector<128x1xi32>
    %mul3A = arith.constant 128 : i32
    %mul3A_30 = arith.muli %arg0, %mul3A : i32
    %add3A_31 = vector.broadcast %mul3A_30 : i32 to vector<128x1xi32>
    %add3A_32 = arith.addi %add3A_31, %iota3A_29 : vector<128x1xi32>
    %lt3A = arith.constant 10000 : i32
    %lt3A_33 = vector.broadcast %lt3A : i32 to vector<128x1xi32>
    %lt3A_34 = arith.cmpi slt, %add3A_32, %lt3A_33 : vector<128x1xi32>
    %jit3A_35 = arith.constant 0.000000e+00 : f32
    %broadcast_in_dim3A_36 = vector.shape_cast %lt3A_34 : vector<128x1xi1> to vector<128x1xi1>
    %broadcast_in_dim3A_37 = vector.broadcast %broadcast_in_dim3A_36 : vector<128x1xi1> to vector<128x128xi1>
    %broadcast_in_dim3A_38 = vector.broadcast %jit3A_35 : f32 to vector<128x128xf32>
    %select_n3A_39 = arith.select %broadcast_in_dim3A_37, %add3A_28, %broadcast_in_dim3A_38 : vector<128x128xi1>, vector<128x128xf32>
    %swap3A = arith.constant 0 : index
    %swap3A_40 = arith.constant 0 : index
    %swap3A_41 = vector.load %arg8[%swap3A, %swap3A_40] : memref<128x128xf32, #tpu.memory_space<vmem>>, vector<128x128xf32>
    tpu.vector_store %arg8[%swap3A, %swap3A_40], %select_n3A_39 {strides = array<i32>} : memref<128x128xf32, #tpu.memory_space<vmem>>, vector<128x128xf32>,
    %get3A_42 = arith.constant 0 : index
    %get3A_43 = arith.constant 0 : index
    %get3A_44 = vector.load %arg7[%get3A_42, %get3A_43] : memref<128x128xf32, #tpu.memory_space<vmem>>, vector<128x128xf32>
    %dot_general3A_45 = arith.constant dense<0.000000e+00> : vector<128x128xf32>
    %dot_general3A_46 = tpu.matmul %select_n3A_39, %get3A_44, %dot_general3A_45 {dimension_numbers = #tpu.dot_dimension_numbers<[1], [1], [0], [0], [0, 0, 1, 0], [], []>, transpose_lhs_hint = false} : vector<128x128xf32>, vector<128x128xf32>, vector<128x128xf32> -> vector<128x128xf32>
    %dot_general3A_47 = arith.constant dense<0.000000e+00> : vector<128x128xf32>
    %dot_general3A_48 = tpu.matmul %select_n3A, %dot_general3A_46, %dot_general3A_47 {dimension_numbers = #tpu.dot_dimension_numbers<[1], [0], [0], [1], [0, 0, 1, 1], [], []>, transpose_lhs_hint = false} : vector<128x128xf32>, vector<128x128xf32>, vector<128x128xf32> -> vector<128x128xf32>
    %swap3A_49 = arith.constant 0 : index
    %swap3A_50 = arith.constant 0 : index
    %swap3A_51 = vector.load %arg9[%swap3A_49, %swap3A_50] : memref<128x128xf32, #tpu.memory_space<vmem>>, vector<128x128xf32>
    tpu.vector_store %arg9[%swap3A_49, %swap3A_50], %dot_general3A_48 {strides = array<i32>} : memref<128x128xf32, #tpu.memory_space<vmem>>, vector<128x128xf32>,
    return
  }
  func.func @transform_0(%arg0: i32) -> (i32, i32) {
    %c0_i32 = arith.constant 0 : i32
    %c0_i32_0 = arith.constant 0 : i32
    return %arg0, %c0_i32 : i32, i32
  }
  func.func @transform_1(%arg0: i32) -> (i32, i32) {
    %c0_i32 = arith.constant 0 : i32
    %c0_i32_0 = arith.constant 0 : i32
    return %arg0, %c0_i32 : i32, i32
  }
  func.func @transform_2(%arg0: i32) -> (i32, i32) {
    %c0_i32 = arith.constant 0 : i32
    %c0_i32_0 = arith.constant 0 : i32
    return %arg0, %c0_i32 : i32, i32
  }
  func.func @transform_3(%arg0: i32) -> (i32, i32) {
    %add3A = arith.constant 80 : i32
    %add3A_0 = arith.addi %arg0, %add3A : i32
    %c0_i32 = arith.constant 0 : i32
    %c0_i32_1 = arith.constant 0 : i32
    return %add3A_0, %c0_i32 : i32, i32
  }
  func.func @transform_4(%arg0: i32) -> (i32, i32, i32) {
    %c0_i32 = arith.constant 0 : i32
    %c0_i32_0 = arith.constant 0 : i32
    %c0_i32_1 = arith.constant 0 : i32
    return %arg0, %c0_i32, %c0_i32_0 : i32, i32, i32
  }
  func.func @transform_5(%arg0: i32) -> (i32, i32) {
    %c0_i32 = arith.constant 0 : i32
    %c0_i32_0 = arith.constant 0 : i32
    %c0_i32_1 = arith.constant 0 : i32
    return %c0_i32, %c0_i32_0 : i32, i32
  }
  func.func @transform_6(%arg0: i32) -> (i32, i32) {
    %c0_i32 = arith.constant 0 : i32
    %c0_i32_0 = arith.constant 0 : i32
    %c0_i32_1 = arith.constant 0 : i32
    return %c0_i32, %c0_i32_0 : i32, i32
  }
  func.func @transform_7(%arg0: i32) -> (i32, i32) {
    %c0_i32 = arith.constant 0 : i32
    %c0_i32_0 = arith.constant 0 : i32
    return %arg0, %c0_i32 : i32, i32
  }
  func.func @transform_8(%arg0: i32) -> (i32, i32) {
    %c0_i32 = arith.constant 0 : i32
    %c0_i32_0 = arith.constant 0 : i32
    return %arg0, %c0_i32 : i32, i32
  }
}

module attributes {stable_mosaic.version = 14 : i64} {
  func.func @_head_body(%arg0: memref<128x128xf32, #tpu.memory_space<vmem>>, %arg1: memref<128x128xf32, #tpu.memory_space<vmem>>, %arg2: memref<1x128xf32, #tpu.memory_space<vmem>>, %arg3: memref<128x128xf32, #tpu.memory_space<vmem>>) attributes {dimension_semantics = [], scalar_prefetch = 0 : i64, scratch_operands = 0 : i64, tpu.core_type = #tpu.core_type<tc>} {
    %get3A = arith.constant 0 : index
    %get3A_0 = arith.constant 0 : index
    %get3A_1 = vector.load %arg0[%get3A, %get3A_0] : memref<128x128xf32, #tpu.memory_space<vmem>>, vector<128x128xf32>
    %mul3A = arith.constant 5.000000e-01 : f32
    %mul3A_2 = vector.broadcast %mul3A : f32 to vector<128x128xf32>
    %mul3A_3 = arith.mulf %mul3A_2, %get3A_1 : vector<128x128xf32>
    %mul3A_4 = arith.constant 0.707106769 : f32
    %mul3A_5 = vector.broadcast %mul3A_4 : f32 to vector<128x128xf32>
    %mul3A_6 = arith.mulf %get3A_1, %mul3A_5 : vector<128x128xf32>
    %erf3A = math.erf %mul3A_6 : vector<128x128xf32>
    %add3A = arith.constant 1.000000e+00 : f32
    %add3A_7 = vector.broadcast %add3A : f32 to vector<128x128xf32>
    %add3A_8 = arith.addf %add3A_7, %erf3A : vector<128x128xf32>
    %mul3A_9 = arith.mulf %mul3A_3, %add3A_8 : vector<128x128xf32>
    %get3A_10 = arith.constant 0 : index
    %get3A_11 = arith.constant 0 : index
    %get3A_12 = vector.load %arg1[%get3A_10, %get3A_11] : memref<128x128xf32, #tpu.memory_space<vmem>>, vector<128x128xf32>
    %dot_general3A = arith.constant dense<0.000000e+00> : vector<128x128xf32>
    %dot_general3A_13 = tpu.matmul %mul3A_9, %get3A_12, %dot_general3A {dimension_numbers = #tpu.dot_dimension_numbers<[1], [1], [0], [0], [0, 0, 1, 0], [], []>, transpose_lhs_hint = false} : vector<128x128xf32>, vector<128x128xf32>, vector<128x128xf32> -> vector<128x128xf32>
    %get3A_14 = arith.constant 0 : index
    %get3A_15 = arith.constant 0 : index
    %get3A_16 = vector.load %arg2[%get3A_14, %get3A_15] : memref<1x128xf32, #tpu.memory_space<vmem>>, vector<1x128xf32>
    %add3A_17 = vector.broadcast %get3A_16 : vector<1x128xf32> to vector<128x128xf32>
    %add3A_18 = arith.addf %dot_general3A_13, %add3A_17 : vector<128x128xf32>
    %swap3A = arith.constant 0 : index
    %swap3A_19 = arith.constant 0 : index
    %swap3A_20 = vector.load %arg3[%swap3A, %swap3A_19] : memref<128x128xf32, #tpu.memory_space<vmem>>, vector<128x128xf32>
    tpu.vector_store %arg3[%swap3A, %swap3A_19], %add3A_18 {strides = array<i32>} : memref<128x128xf32, #tpu.memory_space<vmem>>, vector<128x128xf32>,
    return
  }
}

</mosaic_0001>

<sc_bundles>
// kernel: kernel.16.cloned.1.call-start
scs
__scs_entry_jumppad:
0x0: {  	(pc) =	sbr.rel $0x88, $3  }
0x1: {  	(tag) =	ssettag $0x0;
	lr =	simm.s32 $0x1  }
0x2: {  	[smem:$0x3F97] =	sst lr;
	_ =	strace $0xD0000000  }
0x3: {  	_ = 	snop  }
0x4: {  	_ = 	snop  }
0x5: {  	_ = 	snop  }
0x6: {  	_ = 	snop  }
0x7: {  	_ = 	snop  }
__scs_overlays_trampoline_lowered:
0x8: {  	[smem:$0x3FA6] =	sst s0  }
0x9: {  	[smem:$0x3FA7] =	sst s1  }
0xa: {  	[smem:$0x3FA8] =	sst s2  }
0xb: {  	[smem:$0x3FA9] =	sst s3  }
0xc: {  	[smem:$0x3FAA] =	sst s4  }
0xd: {  	[smem:$0x3FAB] =	sst s5  }
0xe: {  	[smem:$0x3FAC] =	sst s6  }
0xf: {  	[smem:$0x3FAD] =	sst s7  }
0x10: {  	[smem:$0x3FAE] =	sst s8  }
0x11: {  	[smem:$0x3FAF] =	sst s9;
	s0 =	simm.s32 @!p0 $0x0  }
0x12: {  	s1 =	sld [smem:$0x3F95];
	s0 =	simm.s32 @p0 $0x1  }
0x13: {  	[smem:$0x3FB0] =	sst s0;
	s0 =	simm.s32 @!p1 $0x0  }
0x14: {  	s2 =	sld [smem:$0x3F94];
	s0 =	simm.s32 @p1 $0x1  }
0x15: {  	[smem:$0x3FB1] =	sst s0;
	s0 =	simm.s32 @!p2 $0x0  }
0x16: {  	s3 =	sld [smem:$0x3FDB];
	s0 =	simm.s32 @p2 $0x1  }
0x17: {  	s4 =	simm.s32 $0x1BF5;
	[smem:$0x3FB3] =	sst s0  }
0x18: {  	s0 =	sld [smem:$0x3F96];
	_ =	swait.ge [sflag:s4], $0x0  }
0x19: {  	s7 =	sld [smem:$0x3F97]  }
0x1a: {  	s8 =	sadd.s32 $0xFFFFE003, lr  }
0x1b: {  	s9 =	sadd.s32 $0xFFFFFEF7, lr;
	s5 =	simm.s32 $0xFFFFFFFF;
	p2 =	slt.u32 s8, $0xFFFFF086  }
0x1c: {  	p1 =	slt.u32 s9, $0xF7A;
	s5 =	simm.s32 @!p2 $0x0  }
0x1d: {  	s5 =	simm.s32 @p1 $0x1;
	p0 =	seq.s32 s7, s2  }
0x1e: {  	s7 =	smul.u32 @!p0 $0xF7A, s2;
	p2 =	seq.s32 @!p0 s5, $0x0  }
0x1f: {  	s9 =	smul.u32 $0xF7A, s1;
	s8 =	simm.s32 @!p0 $0x1BF5;
	p2 =	por !p2, p0  }
0x20: {  	[sflag:s8] =	ssyncset.s32 @!p0 $0xFFFFF086;
	s6 =	sadd.s32 @!p0 s3, s7;
	s7 =	simm.s32 @!p0 $0x108  }
0x21: {  	s3 =	sadd.s32 s3, s9;
	s6 =	sadd.s32 @!p0 $0x88, s6;
	s7 =	simm.s32 @p2 $0x1082  }
0x22: {  	[simem:s7], [sflag:s8] =	dma.local @!p0 [hbm:s6], $0xF7A  }
0x23: {  	s9 =	sor.u32 $0xD0000000, s2;
	s6 =	simm.s32 $0x108;
	_ =	swait.ge @!p0 [sflag:s8], $0x0  }
0x24: {  	s3 =	sadd.s32 $0x88, s3;
	s6 =	simm.s32 @!p1 $0x1082;
	[sflag:s4] =	ssyncset.s32 $0xFFFFF086  }
0x25: {  	[simem:s6], [sflag:s4] =	dma.local [hbm:s3], $0xF7A  }
0x26: {  	[smem:$0x3F97] =	sst s1;
	(tag) =	ssettag s2;
	_ =	strace s9  }
0x27: {  	s1 =	sld [smem:$0x3FA7]  }
0x28: {  	s2 =	sld [smem:$0x3FA8]  }
0x29: {  	s4 =	sld [smem:$0x3FAA]  }
0x2a: {  	p0 =	seq.s32 s5, $0x0;
	s5 =	sld [smem:$0x3FAB]  }
0x2b: {  	s6 =	sld [smem:$0x3FAC]  }
0x2c: {  	s7 =	sld [smem:$0x3FAD]  }
0x2d: {  	s3 =	simm.s32 $0x108;
	s8 =	sld [smem:$0x3FAE]  }
0x2e: {  	s3 =	simm.s32 @!p0 $0x1082;
	s9 =	sld [smem:$0x3FAF]  }
0x2f: {  	lr =	sadd.s32 s0, s3;
	s0 =	sld [smem:$0x3FA6]  }
0x30: {  	s3 =	sld [smem:$0x3FA9]  }
0x31: {  	[smem:$0x3FB2] =	sst s10  }
0x32: {  	s10 =	sld [smem:$0x3FB0];
	_ =	sdelay $0x3  }
0x33: {  	p0 =	seq.s32 s10, $0x1;
	s10 =	sld [smem:$0x3FB2];
	_ =	sdelay $0x3  }
0x34: {  	[smem:$0x3FB2] =	sst s10  }
0x35: {  	s10 =	sld [smem:$0x3FB1];
	_ =	sdelay $0x3  }
0x36: {  	p1 =	seq.s32 s10, $0x1;
	s10 =	sld [smem:$0x3FB2];
	_ =	sdelay $0x3  }
0x37: {  	[smem:$0x3FB2] =	sst s10  }
0x38: {  	s10 =	sld [smem:$0x3FB3]  }
0x39: {  	_ = 	snop;
	(pc) =	sbr.ind lr, $3  }
0x3a: {  	_ = 	snop  }
0x3b: {  	_ = 	snop  }
0x3c: {  	p2 =	seq.s32 s10, $0x1;
	s10 =	sld [smem:$0x3FB2]  }
0x3d: {  	_ =	shalt  }
0x3e: {  	_ =	shalt  }
0x3f: {  	_ =	shalt  }
0x40: {  	_ =	shalt  }
0x41: {  	_ =	shalt  }
0x42: {  	_ =	shalt  }
0x43: {  	_ =	shalt  }
0x44: {  	_ =	shalt  }
0x45: {  	_ =	shalt  }
0x46: {  	_ =	shalt  }
0x47: {  	_ =	shalt  }
0x48: {  	_ =	shalt  }
0x49: {  	_ =	shalt  }
0x4a: {  	_ =	shalt  }
0x4b: {  	_ =	shalt  }
0x4c: {  	_ =	shalt  }
0x4d: {  	_ =	shalt  }
0x4e: {  	_ =	shalt  }
0x4f: {  	_ =	shalt  }
0x50: {  	_ =	shalt  }
0x51: {  	_ =	shalt  }
0x52: {  	_ =	shalt  }
0x53: {  	_ =	shalt  }
0x54: {  	_ =	shalt  }
0x55: {  	_ =	shalt  }
0x56: {  	_ =	shalt  }
0x57: {  	_ =	shalt  }
0x58: {  	_ =	shalt  }
0x59: {  	_ =	shalt  }
0x5a: {  	_ =	shalt  }
0x5b: {  	_ =	shalt  }
0x5c: {  	_ =	shalt  }
0x5d: {  	_ =	shalt  }
0x5e: {  	_ =	shalt  }
0x5f: {  	_ =	shalt  }
0x60: {  	_ =	shalt  }
0x61: {  	_ =	shalt  }
0x62: {  	_ =	shalt  }
0x63: {  	_ =	shalt  }
0x64: {  	_ =	shalt  }
0x65: {  	_ =	shalt  }
0x66: {  	_ =	shalt  }
0x67: {  	_ =	shalt  }
0x68: {  	_ =	shalt  }
0x69: {  	_ =	shalt  }
0x6a: {  	_ =	shalt  }
0x6b: {  	_ =	shalt  }
0x6c: {  	_ =	shalt  }
0x6d: {  	_ =	shalt  }
0x6e: {  	_ =	shalt  }
0x6f: {  	_ =	shalt  }
0x70: {  	_ =	shalt  }
0x71: {  	_ =	shalt  }
0x72: {  	_ =	shalt  }
0x73: {  	_ =	shalt  }
0x74: {  	_ =	shalt  }
0x75: {  	_ =	shalt  }
0x76: {  	_ =	shalt  }
0x77: {  	_ =	shalt  }
0x78: {  	_ =	shalt  }
0x79: {  	_ =	shalt  }
0x7a: {  	_ =	shalt  }
0x7b: {  	_ =	shalt  }
0x7c: {  	_ =	shalt  }
0x7d: {  	_ =	shalt  }
0x7e: {  	_ =	shalt  }
0x7f: {  	_ =	shalt  }
0x80: {  	_ =	shalt  }
0x81: {  	_ =	shalt  }
0x82: {  	_ =	shalt  }
0x83: {  	_ =	shalt  }
0x84: {  	_ =	shalt  }
0x85: {  	_ =	shalt  }
0x86: {  	_ =	shalt  }
0x87: {  	_ =	shalt  }
.Lfunc_end0:
.L_simem_size_0:
called_computation_lowered:
.L_overlay_start_0:
0x88: {  	s2 =	sld [smem:$0x3FD9]  }
0x89: {  	s3 =	sld [smem:$0x3FFE];
	_ =	sdelay $0x1  }
0x8a: {  	s1 =	srdreg.scid  }
0x8b: {  	s0 =	sand.u32 $0x1, s1  }
0x8c: {  	s16 =	sshll.u32 s0, $0xA;
	s2 =	sadd.s32 s3, s2  }
0x8d: {  	s2 =	sadd.s32 s2, s16  }
0x8e: {  	[smem:$0x3FBE] =	sst s2  }
0x8f: {  	_ = 	snop  }
0x90: {  	(tm) =	ssettm $0x1  }
0x91: {  	s17 =	sld [smem:$0x3FFB];
	_ =	sdelay $0x3  }
0x92: {  	_ =	strace s17  }
0x93: {  	s2 =	sld [smem:$0x3FFC];
	_ =	sdelay $0x3  }
0x94: {  	_ =	strace s2  }
0x95: {  	s2 =	sld [smem:$0x3FFD];
	_ =	sdelay $0x3  }
0x96: {  	_ =	strace s2  }
0x97: {  	_ =	strace $0x8FFFFFFF  }
0x98: {  	s18 =	sld [smem:$0x3FDB];
	_ =	sdelay $0x1  }
0x99: {  	s19 =	simm.s32 $_scs_section_size  }
0x9a: {  	s4 =	simm.s32 $_size__tile_overlayer_lowered;
	s5 =	simm.s32 $_tile_overlayer_lowered  }
0x9b: {  	s22 =	simm.s32 $0x1BFF;
	s21 =	sshll.u32 s5, $0x1;
	s2 =	sadd.s32 s19, s18  }
0x9c: {  	s6 =	simm.s32 $0x0;
	s20 =	sshll.u32 s4, $0x1;
	s4 =	sadd.s32 s21, s2  }
0x9d: {  	[timem:s6], [sflag:s22] =	dma.local [hbm:s4], s20  }
0x9e: {  	_ =	swait.ge [sflag:s22], s20  }
0x9f: {  	s3 =	ssub.s32 $0x0, s20;
	[sflag:s22] =	ssyncset.done $0x0  }
0xa0: {  	[sflag:s22] =	ssyncadd.s32 s3;
	_ =	sdelay $0x1  }
0xa1: {  	s23 =	simm.s32 $0x1B8B  }
0xa2: {  	_ =	swait.ge [sflag:s23], $0x1  }
0xa3: {  	[sflag:s23] =	ssyncset.done $0x0  }
0xa4: {  	s25 =	simm.s32 $0x1B8E;
	s24 =	sld [smem:$0x3FFE];
	[sflag:s23] =	ssyncadd.s32 $0xFFFFFFFF  }
0xa5: {  	s26 =	simm.s32 $execute0_lowered;
	[smem:$0x3FD2] =	sst s25  }
0xa6: {  	s4 =	sshll.u32 s26, $0x1;
	_ =	strace $0x80000046;
	[dreg:$0x1] =	wrdreg $0xFFFFFFFF  }
0xa7: {  	s28 =	simm.s32 $_size_execute0_lowered;
	s2 =	sadd.s32 s2, s4;
	[dreg:$0x0] =	wrdreg $0x0  }
0xa8: {  	s4 =	sshll.u32 s28, $0x1;
	[dreg:$0x2] =	wrdreg s2  }
0xa9: {  	[dreg:$0x3] =	wrdreg s4  }
0xaa: {  	[dreg:$0x4] =	wrdreg $0xC0  }
0xab: {  	_ =	task [dreg:s6], $0x5FFFF  }
0xac: {  	[dreg:$0x1] =	wrdreg $0xFFFFFFFF  }
0xad: {  	[dreg:$0x0] =	wrdreg $0x60  }
0xae: {  	[dreg:$0x2] =	wrdreg s24  }
0xaf: {  	[dreg:$0x3] =	wrdreg $0xD000  }
0xb0: {  	[dreg:$0x4] =	wrdreg $0x9  }
0xb1: {  	_ =	task.clear_ibuf [dreg:s6], $0x5FFFF;
	_ =	strace $0x90000046  }
0xb2: {  	s29 =	simm.s32 $0x9;
	_ =	strace $0x80000048  }
0xb3: {  	_ =	swait.ge [sflag:s29], $0x1  }
0xb4: {  	[sflag:s29] =	ssyncadd.s32 $0xFFFFFFFF  }
0xb5: {  	_ =	strace $0x90000048  }
0xb6: {  	_ =	sfence  }
0xb7: {  	s30 =	sld [smem:$0x0];
	_ =	sdelay $0x2  }
0xb8: {  	s31 =	sshll.u32 s1, $0xD;
	s1 =	sshrl.u32 s1, $0x2  }
0xb9: {  	s3 =	sand.u32 $0x4000, s31;
	s1 =	sadd.s32 s1, s30  }
0xba: {  	s0 =	sor.u32 s3, s0;
	s1 =	sshll.u32 s1, $0x11  }
0xbb: {  	s0 =	sor.u32 s1, s0  }
0xbc: {  	s0 =	sadd.s32 $0x8F2B, s0  }
0xbd: {  	[sflag:s0] =	ssyncadd.remote.s32 $0x1  }
0xbe: {  	_ =	sfence.sel $0xFFFF  }
0xbf: {  	[dreg:$0x0] =	wrdreg $0xFFFFFFFF;
	(pc) =	sbr.abs _section_cstart, $3  }
0xc0: {  	[dreg:$0x1] =	wrdreg $0xFFFFFFFF  }
0xc1: {  	_ =	task.clear_ibuf [dreg:s6], $0x2FFFF;
	_ =	strace $0x9FFFFFFF  }
0xc2: {  	(tm) =	ssettm $0x7FFFFFFF  }
0xc3: {  	_ =	shalt  }
tec
execute0_lowered:
.L_overlay_start_1:
0x0: {  	(tag) =	ssettag $0x1  }
0x1: {  	s5 =	rddreg [dreg:$0x0];
	s1 =	srdreg.scid  }
0x2: {  	s0 =	stileid.u32;
	s2 =	rddreg [dreg:$0x1];
	s3 =	simm.s32 $0x0  }
0x3: {  	s19 =	simm.s32 $0x900;
	s20 =	simm.s32 $0x2;
	s4 =	smul.u32 $0x4F00, s0  }
0x4: {  	s21 =	simm.s32 $0x80;
	s22 =	simm.s32 $0x100;
	s9 =	smul.u32 $0x500, s0  }
0x5: {  	s23 =	simm.s32 $0x1;
	s6 =	sand.u32 $0x1, s1;
	s10 =	smul.u32 $0xA000, s0  }
0x6: {  	s24 =	simm.s32 $0x0;
	s1 =	rddreg [dreg:$0x2];
	s7 =	smul.u32 $0x2780, s6  }
0x7: {  	[smem:$0x7FF] =	sst s3;
	s8 =	smul.u32 $0x5000, s6;
	s6 =	ssub.s32 $0x2, s6  }
0x8: {  	_ =	strace $0x80000047;
	s29 =	sshrl.u32 s6, $0x1;
	s7 =	sadd.s32 s7, s4  }
0x9: {  	s30 =	sshrl.u32 s10, $0x2;
	s28 =	sadd.s32 s9, s8;
	s7 =	sshrl.u32 s7, $0x3  }
0xa: {  	s4 =	sadd.s32 $0x18000, s5;
	s18 =	sadd.s32 s7, s5;
	s7 =	sadd.s32 s28, s5  }
0xb: {  	s31 =	ssub.s32 s6, s29;
	s5 =	sadd.s32 s30, s2;
	s6 =	sadd.s32 $0x1D000, s7  }
0xc: {  	s7 =	smax.u32 s31, $0x1;
	s8 =	sadd.s32 $0x400, s5;
	s9 =	sadd.s32 $0x800, s5  }
0xd: {  	s10 =	sadd.s32 $0xC00, s5;
	s11 =	sadd.s32 $0x1000, s5;
	s12 =	sadd.s32 $0x1400, s5  }
0xe: {  	s13 =	sadd.s32 $0x1800, s5;
	s14 =	sadd.s32 $0x1C00, s5;
	s15 =	sadd.s32 $0x2000, s5  }
0xf: {  	v0 =	vimm.f32 $0.0e+00;
	s16 =	sadd.s32 $0x2400, s5;
	s17 =	sadd.s32 $0x4400, s18;
	s18 =	sadd.s32 $0xE200, s18  }
.LBB2_1:
0x10: {  	s25 =	simm.s32 $0x40;
	s26 =	simm.s32 $0x0  }
.LBB2_2:
0x11: {  	p0 =	sne.s32 s25, $0xFC0;
	[tilespmem:s26+$0x900] =	vst v0;
	s26 =	smov.u32 s25;
	s25 =	sadd.s32 $0x40, s25  }
.Ltmp0:
0x12: {  	(pc) =	sbr.rel @p0 .LBB2_2-.Ltmp0, $2  }
0x13: {  	_ =	sdelay $0x2  }
0x14: {  	s26 =	sshra.s32 s26, $0x2  }
0x15: {  	[tilespmem:s26+$0x900] =	vst v0  }
0x16: {  	[spmem:s5] =	stream.linear.scatter [tilespmem:s19], [sflag:$0x2], $0x400, $0x38;
	[tilespmem:$0x3500] =	vst v63  }
0x17: {  	_ =	swait.ge [sflag:s20], $0x400  }
0x18: {  	[sflag:s20] =	ssyncset.done $0x0  }
0x19: {  	[sflag:s20] =	ssyncadd.s32 $0xFFFFFC00  }
0x1a: {  	[spmem:s8] =	stream.linear.scatter [tilespmem:s19], [sflag:$0x2], $0x400, $0x38;
	[tilespmem:$0x3500] =	vst v63  }
0x1b: {  	_ =	swait.ge [sflag:s20], $0x400  }
0x1c: {  	[sflag:s20] =	ssyncset.done $0x0  }
0x1d: {  	[sflag:s20] =	ssyncadd.s32 $0xFFFFFC00  }
0x1e: {  	[spmem:s9] =	stream.linear.scatter [tilespmem:s19], [sflag:$0x2], $0x400, $0x38;
	[tilespmem:$0x3500] =	vst v63  }
0x1f: {  	_ =	swait.ge [sflag:s20], $0x400  }
0x20: {  	[sflag:s20] =	ssyncset.done $0x0  }
0x21: {  	[sflag:s20] =	ssyncadd.s32 $0xFFFFFC00  }
0x22: {  	[spmem:s10] =	stream.linear.scatter [tilespmem:s19], [sflag:$0x2], $0x400, $0x38;
	[tilespmem:$0x3500] =	vst v63  }
0x23: {  	_ =	swait.ge [sflag:s20], $0x400  }
0x24: {  	[sflag:s20] =	ssyncset.done $0x0  }
0x25: {  	[sflag:s20] =	ssyncadd.s32 $0xFFFFFC00  }
0x26: {  	[spmem:s11] =	stream.linear.scatter [tilespmem:s19], [sflag:$0x2], $0x400, $0x38;
	[tilespmem:$0x3500] =	vst v63  }
0x27: {  	_ =	swait.ge [sflag:s20], $0x400  }
0x28: {  	[sflag:s20] =	ssyncset.done $0x0  }
0x29: {  	[sflag:s20] =	ssyncadd.s32 $0xFFFFFC00  }
0x2a: {  	[spmem:s12] =	stream.linear.scatter [tilespmem:s19], [sflag:$0x2], $0x400, $0x38;
	[tilespmem:$0x3500] =	vst v63  }
0x2b: {  	_ =	swait.ge [sflag:s20], $0x400  }
0x2c: {  	[sflag:s20] =	ssyncset.done $0x0  }
0x2d: {  	[sflag:s20] =	ssyncadd.s32 $0xFFFFFC00  }
0x2e: {  	[spmem:s13] =	stream.linear.scatter [tilespmem:s19], [sflag:$0x2], $0x400, $0x38;
	[tilespmem:$0x3500] =	vst v63  }
0x2f: {  	_ =	swait.ge [sflag:s20], $0x400  }
0x30: {  	[sflag:s20] =	ssyncset.done $0x0  }
0x31: {  	[sflag:s20] =	ssyncadd.s32 $0xFFFFFC00  }
0x32: {  	[spmem:s14] =	stream.linear.scatter [tilespmem:s19], [sflag:$0x2], $0x400, $0x38;
	[tilespmem:$0x3500] =	vst v63  }
0x33: {  	_ =	swait.ge [sflag:s20], $0x400  }
0x34: {  	[sflag:s20] =	ssyncset.done $0x0  }
0x35: {  	[sflag:s20] =	ssyncadd.s32 $0xFFFFFC00  }
0x36: {  	[spmem:s15] =	stream.linear.scatter [tilespmem:s19], [sflag:$0x2], $0x400, $0x38;
	[tilespmem:$0x3500] =	vst v63  }
0x37: {  	_ =	swait.ge [sflag:s20], $0x400  }
0x38: {  	[sflag:s20] =	ssyncset.done $0x0  }
0x39: {  	[sflag:s20] =	ssyncadd.s32 $0xFFFFFC00  }
0x3a: {  	[spmem:s16] =	stream.linear.scatter [tilespmem:s19], [sflag:$0x2], $0x400, $0x38;
	[tilespmem:$0x3500] =	vst v63  }
0x3b: {  	_ =	swait.ge [sflag:s20], $0x400  }
0x3c: {  	[sflag:s20] =	ssyncset.done $0x0  }
0x3d: {  	[sflag:s20] =	ssyncadd.s32 $0xFFFFFC00  }
0x3e: {  	s25 =	sadd.s32 $0x0, s18;
	[bflag:$0x0] =	sbarrier.arrive $0xFFFF  }
0x3f: {  	[tilespmem:s3], [sflag:$0x2] =	stream.linear.gather [hbm4b:s25+s3], $0x80, $0x38;
	[tilespmem:$0x3500] =	vst v63  }
0x40: {  	_ =	swait.ge [sflag:s20], $0x80  }
0x41: {  	[sflag:s20] =	ssyncset.done $0x0  }
0x42: {  	s31 =	sadd.s32 $0x0, s17;
	[sflag:s20] =	ssyncadd.s32 $0xFFFFFF80  }
0x43: {  	[tilespmem:s21], [sflag:$0x2] =	stream.linear.gather [hbm4b:s31+s3], $0x80, $0x38;
	[tilespmem:$0x3500] =	vst v63  }
0x44: {  	_ =	swait.ge [sflag:s20], $0x80  }
0x45: {  	[sflag:s20] =	ssyncset.done $0x0  }
0x46: {  	[sflag:s20] =	ssyncadd.s32 $0xFFFFFF80  }
0x47: {  	[tilespmem:s22], [sflag:$0x1] =	stream.indirect.gather [hbm4b:s4+s21], $0x10, s3, s21, $0xb8;
	[tilespmem:$0x3500] =	vst v63  }
0x48: {  	_ =	swait.ge [sflag:s23], $0x800  }
0x49: {  	[sflag:s23] =	ssyncset.done $0x0  }
0x4a: {  	[sflag:s23] =	ssyncadd.s32 $0xFFFFF800  }
0x4b: {  	[spmem:s2] =	stream.indirect.scatter.add.f32 [tilespmem:s22], [sflag:$0x2], $0x10, s21, s21, $0xb8;
	[tilespmem:$0x3500] =	vst v63  }
0x4c: {  	_ =	swait.ge [sflag:s20], $0x800  }
0x4d: {  	s26 =	simm.s32 $0x20;
	s25 =	simm.s32 $0x10;
	[sflag:s20] =	ssyncset.done $0x0  }
.LBB2_4:
0x4e: {  	s28 =	sadd.s32 s25, s18  }
0x4f: {  	[sflag:s20] =	ssyncadd.s32 $0xFFFFF800;
	s29 =	smov.u32 s26;
	s30 =	sadd.s32 $0x10, s26  }
0x50: {  	[tilespmem:s3], [sflag:$0x2] =	stream.linear.gather [hbm4b:s28+s3], $0x80, $0x38;
	[tilespmem:$0x3500] =	vst v63  }
0x51: {  	p0 =	sne.s32 s26, $0x4E0;
	_ =	swait.ge [sflag:s20], $0x80  }
0x52: {  	[sflag:s20] =	ssyncset.done $0x0  }
0x53: {  	s26 =	sadd.s32 s25, s17;
	s25 =	smov.u32 s29;
	[sflag:s20] =	ssyncadd.s32 $0xFFFFFF80  }
0x54: {  	[tilespmem:s21], [sflag:$0x2] =	stream.linear.gather [hbm4b:s26+s3], $0x80, $0x38;
	[tilespmem:$0x3500] =	vst v63  }
0x55: {  	_ =	swait.ge [sflag:s20], $0x80  }
0x56: {  	[sflag:s20] =	ssyncset.done $0x0  }
0x57: {  	[sflag:s20] =	ssyncadd.s32 $0xFFFFFF80  }
0x58: {  	[tilespmem:s22], [sflag:$0x1] =	stream.indirect.gather [hbm4b:s4+s21], $0x10, s3, s21, $0xb8;
	[tilespmem:$0x3500] =	vst v63  }
0x59: {  	_ =	swait.ge [sflag:s23], $0x800  }
.Ltmp1:
0x5a: {  	[sflag:s23] =	ssyncset.done $0x0;
	(pc) =	sbr.rel @p0 .LBB2_4-.Ltmp1, $4  }
0x5b: {  	[sflag:s23] =	ssyncadd.s32 $0xFFFFF800  }
0x5c: {  	[spmem:s2] =	stream.indirect.scatter.add.f32 [tilespmem:s22], [sflag:$0x2], $0x10, s21, s21, $0xb8;
	[tilespmem:$0x3500] =	vst v63  }
0x5d: {  	_ =	swait.ge [sflag:s20], $0x800  }
0x5e: {  	s26 =	smov.u32 s30;
	[sflag:s20] =	ssyncset.done $0x0  }
0x5f: {  	s26 =	sadd.s32 s25, s18;
	[sflag:s20] =	ssyncadd.s32 $0xFFFFF800  }
0x60: {  	[tilespmem:s3], [sflag:$0x2] =	stream.linear.gather [hbm4b:s26+s3], $0x80, $0x38;
	[tilespmem:$0x3500] =	vst v63  }
0x61: {  	_ =	swait.ge [sflag:s20], $0x80  }
0x62: {  	[sflag:s20] =	ssyncset.done $0x0  }
0x63: {  	s29 =	sadd.s32 s25, s17;
	[sflag:s20] =	ssyncadd.s32 $0xFFFFFF80  }
0x64: {  	[tilespmem:s21], [sflag:$0x2] =	stream.linear.gather [hbm4b:s29+s3], $0x80, $0x38;
	[tilespmem:$0x3500] =	vst v63  }
0x65: {  	_ =	swait.ge [sflag:s20], $0x80  }
0x66: {  	[sflag:s20] =	ssyncset.done $0x0  }
0x67: {  	[sflag:s20] =	ssyncadd.s32 $0xFFFFFF80  }
0x68: {  	[tilespmem:s22], [sflag:$0x1] =	stream.indirect.gather [hbm4b:s4+s21], $0x10, s3, s21, $0xb8;
	[tilespmem:$0x3500] =	vst v63  }
0x69: {  	_ =	swait.ge [sflag:s23], $0x800  }
0x6a: {  	[sflag:s23] =	ssyncset.done $0x0  }
0x6b: {  	[sflag:s23] =	ssyncadd.s32 $0xFFFFF800  }
0x6c: {  	[spmem:s2] =	stream.indirect.scatter.add.f32 [tilespmem:s22], [sflag:$0x2], $0x10, s21, s21, $0xb8;
	[tilespmem:$0x3500] =	vst v63  }
0x6d: {  	_ =	swait.ge [sflag:s20], $0x800  }
0x6e: {  	s30 =	sshll.u32 s0, $0x6;
	s24 =	sadd.s32 $0x1, s24;
	[sflag:s20] =	ssyncset.done $0x0  }
0x6f: {  	s31 =	sshrl.u32 s5, $0x3;
	p0 =	sne.s32 s24, s7;
	[sflag:s20] =	ssyncadd.s32 $0xFFFFF800  }
.Ltmp2:
0x70: {  	s25 =	sor.u32 $0x1C02, s30;
	[bflag:$0x0] =	sbarrier.arrive $0xFFFF;
	(pc) =	sbr.rel @p0 .LBB2_1-.Ltmp2, $4  }
0x71: {  	[hbm:s6], [sflag:s25] =	dma.local [spmem:s31], $0x500  }
0x72: {  	_ =	swait.ge [sflag:s20], $0x500  }
0x73: {  	[sflag:s20] =	ssyncset.done $0x0  }
0x74: {  	[sflag:s20] =	ssyncadd.s32 $0xFFFFFB00  }
0x75: {  	_ =	sfence.sel $0x180000  }
0x76: {  	[bflag:$0x0] =	sbarrier.arrive $0xFFFF  }
0x77: {  	p0 =	sne.s32 s0, $0x0;
	_ =	strace $0x90000047  }
0x78: {  	s0 =	sadd.s32 @!p0 $0x100000, s1;
	[bflag:$0x2] =	sbarrier.arrive $0xFFFF  }
0x79: {  	[sflag:s0] =	ssyncadd.tile.s32 @!p0 $0x1;
	_ =	shalt  }
.Lfunc_end2:
_tile_overlayer_lowered:
.L_overlay_start_2:
0x7a: {  	(tag) =	ssettag $0x2  }
0x7b: {  	s0 =	rddreg [dreg:$0x0];
	s2 =	stileid.u32  }
0x7c: {  	s1 =	rddreg [dreg:$0x1];
	p0 =	sne.s32 s2, $0x0  }
0x7d: {  	s3 =	rddreg [dreg:$0x2];
	[bflag:$0x3] =	sbarrier.arrive $0xFFFF;
	s2 =	simm.s32 @!p0 $0x1C02  }
0x7e: {  	[timem:s3], [sflag:s2] =	dma.local @!p0 [hbm:s0], s1  }
0x7f: {  	s0 =	simm.s32 @!p0 $0x2  }
0x80: {  	_ =	swait.ge @!p0 [sflag:s0], s1  }
0x81: {  	s1 =	ssub.s32 @!p0 $0x0, s1;
	[sflag:s0] =	ssyncset.done @!p0 $0x0  }
0x82: {  	[sflag:s0] =	ssyncadd.s32 @!p0 s1  }
0x83: {  	[bflag:$0x3] =	sbarrier.arrive $0xFFFF  }
0x84: {  	_ =	shalt  }

// kernel: kernel.19.cloned.1.call-start
scs
__scs_entry_jumppad:
0x0: {  	(pc) =	sbr.rel $0x88, $3  }
0x1: {  	(tag) =	ssettag $0x0;
	lr =	simm.s32 $0x1  }
0x2: {  	[smem:$0x3F97] =	sst lr;
	_ =	strace $0xD0000000  }
0x3: {  	_ = 	snop  }
0x4: {  	_ = 	snop  }
0x5: {  	_ = 	snop  }
0x6: {  	_ = 	snop  }
0x7: {  	_ = 	snop  }
__scs_overlays_trampoline_lowered:
0x8: {  	[smem:$0x3FA6] =	sst s0  }
0x9: {  	[smem:$0x3FA7] =	sst s1  }
0xa: {  	[smem:$0x3FA8] =	sst s2  }
0xb: {  	[smem:$0x3FA9] =	sst s3  }
0xc: {  	[smem:$0x3FAA] =	sst s4  }
0xd: {  	[smem:$0x3FAB] =	sst s5  }
0xe: {  	[smem:$0x3FAC] =	sst s6  }
0xf: {  	[smem:$0x3FAD] =	sst s7  }
0x10: {  	[smem:$0x3FAE] =	sst s8  }
0x11: {  	[smem:$0x3FAF] =	sst s9;
	s0 =	simm.s32 @!p0 $0x0  }
0x12: {  	s1 =	sld [smem:$0x3F95];
	s0 =	simm.s32 @p0 $0x1  }
0x13: {  	[smem:$0x3FB0] =	sst s0;
	s0 =	simm.s32 @!p1 $0x0  }
0x14: {  	s2 =	sld [smem:$0x3F94];
	s0 =	simm.s32 @p1 $0x1  }
0x15: {  	[smem:$0x3FB1] =	sst s0;
	s0 =	simm.s32 @!p2 $0x0  }
0x16: {  	s3 =	sld [smem:$0x3FDB];
	s0 =	simm.s32 @p2 $0x1  }
0x17: {  	s4 =	simm.s32 $0x1BF5;
	[smem:$0x3FB3] =	sst s0  }
0x18: {  	s0 =	sld [smem:$0x3F96];
	_ =	swait.ge [sflag:s4], $0x0  }
0x19: {  	s7 =	sld [smem:$0x3F97]  }
0x1a: {  	s8 =	sadd.s32 $0xFFFFE003, lr  }
0x1b: {  	s9 =	sadd.s32 $0xFFFFFEF7, lr;
	s5 =	simm.s32 $0xFFFFFFFF;
	p2 =	slt.u32 s8, $0xFFFFF086  }
0x1c: {  	p1 =	slt.u32 s9, $0xF7A;
	s5 =	simm.s32 @!p2 $0x0  }
0x1d: {  	s5 =	simm.s32 @p1 $0x1;
	p0 =	seq.s32 s7, s2  }
0x1e: {  	s7 =	smul.u32 @!p0 $0xF7A, s2;
	p2 =	seq.s32 @!p0 s5, $0x0  }
0x1f: {  	s9 =	smul.u32 $0xF7A, s1;
	s8 =	simm.s32 @!p0 $0x1BF5;
	p2 =	por !p2, p0  }
0x20: {  	[sflag:s8] =	ssyncset.s32 @!p0 $0xFFFFF086;
	s6 =	sadd.s32 @!p0 s3, s7;
	s7 =	simm.s32 @!p0 $0x108  }
0x21: {  	s3 =	sadd.s32 s3, s9;
	s6 =	sadd.s32 @!p0 $0x88, s6;
	s7 =	simm.s32 @p2 $0x1082  }
0x22: {  	[simem:s7], [sflag:s8] =	dma.local @!p0 [hbm:s6], $0xF7A  }
0x23: {  	s9 =	sor.u32 $0xD0000000, s2;
	s6 =	simm.s32 $0x108;
	_ =	swait.ge @!p0 [sflag:s8], $0x0  }
0x24: {  	s3 =	sadd.s32 $0x88, s3;
	s6 =	simm.s32 @!p1 $0x1082;
	[sflag:s4] =	ssyncset.s32 $0xFFFFF086  }
0x25: {  	[simem:s6], [sflag:s4] =	dma.local [hbm:s3], $0xF7A  }
0x26: {  	[smem:$0x3F97] =	sst s1;
	(tag) =	ssettag s2;
	_ =	strace s9  }
0x27: {  	s1 =	sld [smem:$0x3FA7]  }
0x28: {  	s2 =	sld [smem:$0x3FA8]  }
0x29: {  	s4 =	sld [smem:$0x3FAA]  }
0x2a: {  	p0 =	seq.s32 s5, $0x0;
	s5 =	sld [smem:$0x3FAB]  }
0x2b: {  	s6 =	sld [smem:$0x3FAC]  }
0x2c: {  	s7 =	sld [smem:$0x3FAD]  }
0x2d: {  	s3 =	simm.s32 $0x108;
	s8 =	sld [smem:$0x3FAE]  }
0x2e: {  	s3 =	simm.s32 @!p0 $0x1082;
	s9 =	sld [smem:$0x3FAF]  }
0x2f: {  	lr =	sadd.s32 s0, s3;
	s0 =	sld [smem:$0x3FA6]  }
0x30: {  	s3 =	sld [smem:$0x3FA9]  }
0x31: {  	[smem:$0x3FB2] =	sst s10  }
0x32: {  	s10 =	sld [smem:$0x3FB0];
	_ =	sdelay $0x3  }
0x33: {  	p0 =	seq.s32 s10, $0x1;
	s10 =	sld [smem:$0x3FB2];
	_ =	sdelay $0x3  }
0x34: {  	[smem:$0x3FB2] =	sst s10  }
0x35: {  	s10 =	sld [smem:$0x3FB1];
	_ =	sdelay $0x3  }
0x36: {  	p1 =	seq.s32 s10, $0x1;
	s10 =	sld [smem:$0x3FB2];
	_ =	sdelay $0x3  }
0x37: {  	[smem:$0x3FB2] =	sst s10  }
0x38: {  	s10 =	sld [smem:$0x3FB3]  }
0x39: {  	_ = 	snop;
	(pc) =	sbr.ind lr, $3  }
0x3a: {  	_ = 	snop  }
0x3b: {  	_ = 	snop  }
0x3c: {  	p2 =	seq.s32 s10, $0x1;
	s10 =	sld [smem:$0x3FB2]  }
0x3d: {  	_ =	shalt  }
0x3e: {  	_ =	shalt  }
0x3f: {  	_ =	shalt  }
0x40: {  	_ =	shalt  }
0x41: {  	_ =	shalt  }
0x42: {  	_ =	shalt  }
0x43: {  	_ =	shalt  }
0x44: {  	_ =	shalt  }
0x45: {  	_ =	shalt  }
0x46: {  	_ =	shalt  }
0x47: {  	_ =	shalt  }
0x48: {  	_ =	shalt  }
0x49: {  	_ =	shalt  }
0x4a: {  	_ =	shalt  }
0x4b: {  	_ =	shalt  }
0x4c: {  	_ =	shalt  }
0x4d: {  	_ =	shalt  }
0x4e: {  	_ =	shalt  }
0x4f: {  	_ =	shalt  }
0x50: {  	_ =	shalt  }
0x51: {  	_ =	shalt  }
0x52: {  	_ =	shalt  }
0x53: {  	_ =	shalt  }
0x54: {  	_ =	shalt  }
0x55: {  	_ =	shalt  }
0x56: {  	_ =	shalt  }
0x57: {  	_ =	shalt  }
0x58: {  	_ =	shalt  }
0x59: {  	_ =	shalt  }
0x5a: {  	_ =	shalt  }
0x5b: {  	_ =	shalt  }
0x5c: {  	_ =	shalt  }
0x5d: {  	_ =	shalt  }
0x5e: {  	_ =	shalt  }
0x5f: {  	_ =	shalt  }
0x60: {  	_ =	shalt  }
0x61: {  	_ =	shalt  }
0x62: {  	_ =	shalt  }
0x63: {  	_ =	shalt  }
0x64: {  	_ =	shalt  }
0x65: {  	_ =	shalt  }
0x66: {  	_ =	shalt  }
0x67: {  	_ =	shalt  }
0x68: {  	_ =	shalt  }
0x69: {  	_ =	shalt  }
0x6a: {  	_ =	shalt  }
0x6b: {  	_ =	shalt  }
0x6c: {  	_ =	shalt  }
0x6d: {  	_ =	shalt  }
0x6e: {  	_ =	shalt  }
0x6f: {  	_ =	shalt  }
0x70: {  	_ =	shalt  }
0x71: {  	_ =	shalt  }
0x72: {  	_ =	shalt  }
0x73: {  	_ =	shalt  }
0x74: {  	_ =	shalt  }
0x75: {  	_ =	shalt  }
0x76: {  	_ =	shalt  }
0x77: {  	_ =	shalt  }
0x78: {  	_ =	shalt  }
0x79: {  	_ =	shalt  }
0x7a: {  	_ =	shalt  }
0x7b: {  	_ =	shalt  }
0x7c: {  	_ =	shalt  }
0x7d: {  	_ =	shalt  }
0x7e: {  	_ =	shalt  }
0x7f: {  	_ =	shalt  }
0x80: {  	_ =	shalt  }
0x81: {  	_ =	shalt  }
0x82: {  	_ =	shalt  }
0x83: {  	_ =	shalt  }
0x84: {  	_ =	shalt  }
0x85: {  	_ =	shalt  }
0x86: {  	_ =	shalt  }
0x87: {  	_ =	shalt  }
.Lfunc_end0:
.L_simem_size_0:
called_computation.1_lowered:
.L_overlay_start_0:
0x88: {  	s2 =	sld [smem:$0x3FD9]  }
0x89: {  	s3 =	sld [smem:$0x3FFE];
	_ =	sdelay $0x1  }
0x8a: {  	s1 =	srdreg.scid  }
0x8b: {  	s0 =	sand.u32 $0x1, s1  }
0x8c: {  	s16 =	sshll.u32 s0, $0xA;
	s2 =	sadd.s32 s3, s2  }
0x8d: {  	s2 =	sadd.s32 s2, s16  }
0x8e: {  	[smem:$0x3FBE] =	sst s2  }
0x8f: {  	_ = 	snop  }
0x90: {  	(tm) =	ssettm $0x1  }
0x91: {  	s17 =	sld [smem:$0x3FFB];
	_ =	sdelay $0x3  }
0x92: {  	_ =	strace s17  }
0x93: {  	s2 =	sld [smem:$0x3FFC];
	_ =	sdelay $0x3  }
0x94: {  	_ =	strace s2  }
0x95: {  	s2 =	sld [smem:$0x3FFD];
	_ =	sdelay $0x3  }
0x96: {  	_ =	strace s2  }
0x97: {  	_ =	strace $0x8FFFFFFF  }
0x98: {  	s18 =	sld [smem:$0x3FDB];
	_ =	sdelay $0x1  }
0x99: {  	s19 =	simm.s32 $_scs_section_size  }
0x9a: {  	s4 =	simm.s32 $_size__tile_overlayer_lowered;
	s5 =	simm.s32 $_tile_overlayer_lowered  }
0x9b: {  	s22 =	simm.s32 $0x1BFF;
	s21 =	sshll.u32 s5, $0x1;
	s2 =	sadd.s32 s19, s18  }
0x9c: {  	s6 =	simm.s32 $0x0;
	s20 =	sshll.u32 s4, $0x1;
	s4 =	sadd.s32 s21, s2  }
0x9d: {  	[timem:s6], [sflag:s22] =	dma.local [hbm:s4], s20  }
0x9e: {  	_ =	swait.ge [sflag:s22], s20  }
0x9f: {  	s3 =	ssub.s32 $0x0, s20;
	[sflag:s22] =	ssyncset.done $0x0  }
0xa0: {  	[sflag:s22] =	ssyncadd.s32 s3;
	_ =	sdelay $0x1  }
0xa1: {  	s23 =	simm.s32 $0x1B8B  }
0xa2: {  	_ =	swait.ge [sflag:s23], $0x1  }
0xa3: {  	[sflag:s23] =	ssyncset.done $0x0  }
0xa4: {  	s25 =	simm.s32 $0x1B8E;
	s24 =	sld [smem:$0x3FFE];
	[sflag:s23] =	ssyncadd.s32 $0xFFFFFFFF  }
0xa5: {  	s26 =	simm.s32 $execute0_lowered;
	[smem:$0x3FD2] =	sst s25  }
0xa6: {  	s4 =	sshll.u32 s26, $0x1;
	_ =	strace $0x80000049;
	[dreg:$0x1] =	wrdreg $0xFFFFFFFF  }
0xa7: {  	s28 =	simm.s32 $_size_execute0_lowered;
	s2 =	sadd.s32 s2, s4;
	[dreg:$0x0] =	wrdreg $0x0  }
0xa8: {  	s4 =	sshll.u32 s28, $0x1;
	[dreg:$0x2] =	wrdreg s2  }
0xa9: {  	[dreg:$0x3] =	wrdreg s4  }
0xaa: {  	[dreg:$0x4] =	wrdreg $0xC0  }
0xab: {  	_ =	task [dreg:s6], $0x5FFFF  }
0xac: {  	[dreg:$0x1] =	wrdreg $0xFFFFFFFF  }
0xad: {  	[dreg:$0x0] =	wrdreg $0x60  }
0xae: {  	[dreg:$0x2] =	wrdreg s24  }
0xaf: {  	[dreg:$0x3] =	wrdreg $0x61000  }
0xb0: {  	[dreg:$0x4] =	wrdreg $0x9  }
0xb1: {  	_ =	task.clear_ibuf [dreg:s6], $0x5FFFF;
	_ =	strace $0x90000049  }
0xb2: {  	s29 =	simm.s32 $0x9;
	_ =	strace $0x8000004B  }
0xb3: {  	_ =	swait.ge [sflag:s29], $0x1  }
0xb4: {  	[sflag:s29] =	ssyncadd.s32 $0xFFFFFFFF  }
0xb5: {  	_ =	strace $0x9000004B  }
0xb6: {  	_ =	sfence  }
0xb7: {  	s30 =	sld [smem:$0x0];
	_ =	sdelay $0x2  }
0xb8: {  	s31 =	sshll.u32 s1, $0xD;
	s1 =	sshrl.u32 s1, $0x2  }
0xb9: {  	s3 =	sand.u32 $0x4000, s31;
	s1 =	sadd.s32 s1, s30  }
0xba: {  	s0 =	sor.u32 s3, s0;
	s1 =	sshll.u32 s1, $0x11  }
0xbb: {  	s0 =	sor.u32 s1, s0  }
0xbc: {  	s0 =	sadd.s32 $0x8F2B, s0  }
0xbd: {  	[sflag:s0] =	ssyncadd.remote.s32 $0x1  }
0xbe: {  	_ =	sfence.sel $0xFFFF  }
0xbf: {  	[dreg:$0x0] =	wrdreg $0xFFFFFFFF;
	(pc) =	sbr.abs _section_cstart, $3  }
0xc0: {  	[dreg:$0x1] =	wrdreg $0xFFFFFFFF  }
0xc1: {  	_ =	task.clear_ibuf [dreg:s6], $0x2FFFF;
	_ =	strace $0x9FFFFFFF  }
0xc2: {  	(tm) =	ssettm $0x7FFFFFFF  }
0xc3: {  	_ =	shalt  }
tec
execute0_lowered:
.L_overlay_start_1:
0x0: {  	(tag) =	ssettag $0x1  }
0x1: {  	s5 =	rddreg [dreg:$0x0];
	s0 =	stileid.u32  }
0x2: {  	s1 =	srdreg.scid;
	s2 =	rddreg [dreg:$0x1]  }
0x3: {  	s3 =	simm.s32 $0x0;
	s19 =	simm.s32 $0x4100;
	s20 =	simm.s32 $0x2  }
0x4: {  	s21 =	simm.s32 $0x80;
	s22 =	simm.s32 $0x100;
	s6 =	smul.u32 $0x9E0, s0  }
0x5: {  	s23 =	simm.s32 $0x1;
	s24 =	simm.s32 $0x0;
	s8 =	smul.u32 $0x2800, s0  }
0x6: {  	s11 =	sand.u32 $0x1, s1;
	s1 =	rddreg [dreg:$0x2];
	s9 =	smul.u32 $0x50000, s0  }
0x7: {  	[smem:$0x7FF] =	sst s3;
	s4 =	sadd.s32 $0x18000, s5;
	s7 =	smul.u32 $0x28000, s11  }
0x8: {  	_ =	strace $0x8000004A;
	s30 =	ssub.s32 $0x2, s11;
	s17 =	smul.u32 $0x4F0, s11  }
0x9: {  	s16 =	sadd.s32 s6, s5;
	s31 =	sshrl.u32 s30, $0x1;
	s9 =	sshrl.u32 s9, $0x2  }
0xa: {  	s7 =	sadd.s32 s8, s7;
	s8 =	ssub.s32 s30, s31;
	s18 =	sadd.s32 s17, s16  }
0xb: {  	s7 =	sadd.s32 s7, s5;
	s5 =	sadd.s32 s9, s2;
	s17 =	sadd.s32 $0x4400, s18  }
0xc: {  	s18 =	sadd.s32 $0xE200, s18;
	s6 =	sadd.s32 $0x40000, s7;
	s7 =	smax.u32 s8, $0x1  }
0xd: {  	s8 =	sadd.s32 $0x2000, s5;
	s9 =	sadd.s32 $0x4000, s5;
	s10 =	sadd.s32 $0x6000, s5  }
0xe: {  	s11 =	sadd.s32 $0x8000, s5;
	s12 =	sadd.s32 $0xA000, s5;
	s13 =	sadd.s32 $0xC000, s5  }
0xf: {  	v0 =	vimm.f32 $0.0e+00;
	s14 =	sadd.s32 $0xE000, s5;
	s15 =	sadd.s32 $0x10000, s5;
	s16 =	sadd.s32 $0x12000, s5  }
.LBB2_1:
0x10: {  	s25 =	simm.s32 $0x0;
	s26 =	simm.s32 $0x200  }
.LBB2_2:
0x11: {  	p0 =	sne.s32 s26, $0x7E00;
	[tilespmem:s25+$0x4170] =	vst v0  }
0x12: {  	[tilespmem:s25+$0x4100] =	vst v0  }
0x13: {  	[tilespmem:s25+$0x4110] =	vst v0  }
.Ltmp0:
0x14: {  	[tilespmem:s25+$0x4120] =	vst v0;
	(pc) =	sbr.rel @p0 .LBB2_2-.Ltmp0, $4  }
0x15: {  	[tilespmem:s25+$0x4130] =	vst v0  }
0x16: {  	[tilespmem:s25+$0x4140] =	vst v0  }
0x17: {  	[tilespmem:s25+$0x4150] =	vst v0  }
0x18: {  	[tilespmem:s25+$0x4160] =	vst v0;
	s25 =	sshra.s32 s26, $0x2;
	s26 =	sadd.s32 $0x200, s26  }
0x19: {  	[tilespmem:s25+$0x4170] =	vst v0  }
0x1a: {  	[tilespmem:s25+$0x4100] =	vst v0  }
0x1b: {  	[tilespmem:s25+$0x4110] =	vst v0  }
0x1c: {  	[tilespmem:s25+$0x4120] =	vst v0  }
0x1d: {  	[tilespmem:s25+$0x4130] =	vst v0  }
0x1e: {  	[tilespmem:s25+$0x4140] =	vst v0  }
0x1f: {  	[tilespmem:s25+$0x4150] =	vst v0  }
0x20: {  	[tilespmem:s25+$0x4160] =	vst v0  }
0x21: {  	[spmem:s5] =	stream.linear.scatter [tilespmem:s19], [sflag:$0x2], $0x2000, $0x38;
	[tilespmem:$0x1A100] =	vst v63  }
0x22: {  	_ =	swait.ge [sflag:s20], $0x2000  }
0x23: {  	[sflag:s20] =	ssyncset.done $0x0  }
0x24: {  	[sflag:s20] =	ssyncadd.s32 $0xFFFFE000  }
0x25: {  	[spmem:s8] =	stream.linear.scatter [tilespmem:s19], [sflag:$0x2], $0x2000, $0x38;
	[tilespmem:$0x1A100] =	vst v63  }
0x26: {  	_ =	swait.ge [sflag:s20], $0x2000  }
0x27: {  	[sflag:s20] =	ssyncset.done $0x0  }
0x28: {  	[sflag:s20] =	ssyncadd.s32 $0xFFFFE000  }
0x29: {  	[spmem:s9] =	stream.linear.scatter [tilespmem:s19], [sflag:$0x2], $0x2000, $0x38;
	[tilespmem:$0x1A100] =	vst v63  }
0x2a: {  	_ =	swait.ge [sflag:s20], $0x2000  }
0x2b: {  	[sflag:s20] =	ssyncset.done $0x0  }
0x2c: {  	[sflag:s20] =	ssyncadd.s32 $0xFFFFE000  }
0x2d: {  	[spmem:s10] =	stream.linear.scatter [tilespmem:s19], [sflag:$0x2], $0x2000, $0x38;
	[tilespmem:$0x1A100] =	vst v63  }
0x2e: {  	_ =	swait.ge [sflag:s20], $0x2000  }
0x2f: {  	[sflag:s20] =	ssyncset.done $0x0  }
0x30: {  	[sflag:s20] =	ssyncadd.s32 $0xFFFFE000  }
0x31: {  	[spmem:s11] =	stream.linear.scatter [tilespmem:s19], [sflag:$0x2], $0x2000, $0x38;
	[tilespmem:$0x1A100] =	vst v63  }
0x32: {  	_ =	swait.ge [sflag:s20], $0x2000  }
0x33: {  	[sflag:s20] =	ssyncset.done $0x0  }
0x34: {  	[sflag:s20] =	ssyncadd.s32 $0xFFFFE000  }
0x35: {  	[spmem:s12] =	stream.linear.scatter [tilespmem:s19], [sflag:$0x2], $0x2000, $0x38;
	[tilespmem:$0x1A100] =	vst v63  }
0x36: {  	_ =	swait.ge [sflag:s20], $0x2000  }
0x37: {  	[sflag:s20] =	ssyncset.done $0x0  }
0x38: {  	[sflag:s20] =	ssyncadd.s32 $0xFFFFE000  }
0x39: {  	[spmem:s13] =	stream.linear.scatter [tilespmem:s19], [sflag:$0x2], $0x2000, $0x38;
	[tilespmem:$0x1A100] =	vst v63  }
0x3a: {  	_ =	swait.ge [sflag:s20], $0x2000  }
0x3b: {  	[sflag:s20] =	ssyncset.done $0x0  }
0x3c: {  	[sflag:s20] =	ssyncadd.s32 $0xFFFFE000  }
0x3d: {  	[spmem:s14] =	stream.linear.scatter [tilespmem:s19], [sflag:$0x2], $0x2000, $0x38;
	[tilespmem:$0x1A100] =	vst v63  }
0x3e: {  	_ =	swait.ge [sflag:s20], $0x2000  }
0x3f: {  	[sflag:s20] =	ssyncset.done $0x0  }
0x40: {  	[sflag:s20] =	ssyncadd.s32 $0xFFFFE000  }
0x41: {  	[spmem:s15] =	stream.linear.scatter [tilespmem:s19], [sflag:$0x2], $0x2000, $0x38;
	[tilespmem:$0x1A100] =	vst v63  }
0x42: {  	_ =	swait.ge [sflag:s20], $0x2000  }
0x43: {  	[sflag:s20] =	ssyncset.done $0x0  }
0x44: {  	[sflag:s20] =	ssyncadd.s32 $0xFFFFE000  }
0x45: {  	[spmem:s16] =	stream.linear.scatter [tilespmem:s19], [sflag:$0x2], $0x2000, $0x38;
	[tilespmem:$0x1A100] =	vst v63  }
0x46: {  	_ =	swait.ge [sflag:s20], $0x2000  }
0x47: {  	[sflag:s20] =	ssyncset.done $0x0  }
0x48: {  	[sflag:s20] =	ssyncadd.s32 $0xFFFFE000  }
0x49: {  	s30 =	sadd.s32 $0x0, s18;
	[bflag:$0x0] =	sbarrier.arrive $0xFFFF  }
0x4a: {  	[tilespmem:s3], [sflag:$0x2] =	stream.linear.gather [hbm4b:s30+s3], $0x80, $0x38;
	[tilespmem:$0x1A100] =	vst v63  }
0x4b: {  	_ =	swait.ge [sflag:s20], $0x80  }
0x4c: {  	[sflag:s20] =	ssyncset.done $0x0  }
0x4d: {  	s31 =	sadd.s32 $0x0, s17;
	[sflag:s20] =	ssyncadd.s32 $0xFFFFFF80  }
0x4e: {  	[tilespmem:s21], [sflag:$0x2] =	stream.linear.gather [hbm4b:s31+s3], $0x80, $0x38;
	[tilespmem:$0x1A100] =	vst v63  }
0x4f: {  	_ =	swait.ge [sflag:s20], $0x80  }
0x50: {  	[sflag:s20] =	ssyncset.done $0x0  }
0x51: {  	[sflag:s20] =	ssyncadd.s32 $0xFFFFFF80  }
0x52: {  	[tilespmem:s22], [sflag:$0x1] =	stream.indirect.gather [hbm4b:s4+s21], $0x80, s3, s21, $0xb8;
	[tilespmem:$0x1A100] =	vst v63  }
0x53: {  	_ =	swait.ge [sflag:s23], $0x4000  }
0x54: {  	[sflag:s23] =	ssyncset.done $0x0  }
0x55: {  	[sflag:s23] =	ssyncadd.s32 $0xFFFFC000  }
0x56: {  	[spmem:s2] =	stream.indirect.scatter.add.f32 [tilespmem:s22], [sflag:$0x2], $0x80, s21, s21, $0xb8;
	[tilespmem:$0x1A100] =	vst v63  }
0x57: {  	_ =	swait.ge [sflag:s20], $0x4000  }
0x58: {  	s25 =	simm.s32 $0x10;
	s26 =	simm.s32 $0x20;
	[sflag:s20] =	ssyncset.done $0x0  }
.LBB2_4:
0x59: {  	s28 =	sadd.s32 s25, s18  }
0x5a: {  	[sflag:s20] =	ssyncadd.s32 $0xFFFFC000;
	s29 =	smov.u32 s26;
	s30 =	sadd.s32 $0x10, s26  }
0x5b: {  	[tilespmem:s3], [sflag:$0x2] =	stream.linear.gather [hbm4b:s28+s3], $0x80, $0x38;
	[tilespmem:$0x1A100] =	vst v63  }
0x5c: {  	p0 =	sne.s32 s26, $0x4E0;
	_ =	swait.ge [sflag:s20], $0x80  }
0x5d: {  	[sflag:s20] =	ssyncset.done $0x0  }
0x5e: {  	s26 =	sadd.s32 s25, s17;
	s25 =	smov.u32 s29;
	[sflag:s20] =	ssyncadd.s32 $0xFFFFFF80  }
0x5f: {  	[tilespmem:s21], [sflag:$0x2] =	stream.linear.gather [hbm4b:s26+s3], $0x80, $0x38;
	[tilespmem:$0x1A100] =	vst v63  }
0x60: {  	_ =	swait.ge [sflag:s20], $0x80  }
0x61: {  	[sflag:s20] =	ssyncset.done $0x0  }
0x62: {  	[sflag:s20] =	ssyncadd.s32 $0xFFFFFF80  }
0x63: {  	[tilespmem:s22], [sflag:$0x1] =	stream.indirect.gather [hbm4b:s4+s21], $0x80, s3, s21, $0xb8;
	[tilespmem:$0x1A100] =	vst v63  }
0x64: {  	_ =	swait.ge [sflag:s23], $0x4000  }
.Ltmp1:
0x65: {  	[sflag:s23] =	ssyncset.done $0x0;
	(pc) =	sbr.rel @p0 .LBB2_4-.Ltmp1, $4  }
0x66: {  	[sflag:s23] =	ssyncadd.s32 $0xFFFFC000  }
0x67: {  	[spmem:s2] =	stream.indirect.scatter.add.f32 [tilespmem:s22], [sflag:$0x2], $0x80, s21, s21, $0xb8;
	[tilespmem:$0x1A100] =	vst v63  }
0x68: {  	_ =	swait.ge [sflag:s20], $0x4000  }
0x69: {  	s26 =	smov.u32 s30;
	[sflag:s20] =	ssyncset.done $0x0  }
0x6a: {  	s26 =	sadd.s32 s25, s18;
	[sflag:s20] =	ssyncadd.s32 $0xFFFFC000  }
0x6b: {  	[tilespmem:s3], [sflag:$0x2] =	stream.linear.gather [hbm4b:s26+s3], $0x80, $0x38;
	[tilespmem:$0x1A100] =	vst v63  }
0x6c: {  	_ =	swait.ge [sflag:s20], $0x80  }
0x6d: {  	[sflag:s20] =	ssyncset.done $0x0  }
0x6e: {  	s29 =	sadd.s32 s25, s17;
	[sflag:s20] =	ssyncadd.s32 $0xFFFFFF80  }
0x6f: {  	[tilespmem:s21], [sflag:$0x2] =	stream.linear.gather [hbm4b:s29+s3], $0x80, $0x38;
	[tilespmem:$0x1A100] =	vst v63  }
0x70: {  	_ =	swait.ge [sflag:s20], $0x80  }
0x71: {  	[sflag:s20] =	ssyncset.done $0x0  }
0x72: {  	[sflag:s20] =	ssyncadd.s32 $0xFFFFFF80  }
0x73: {  	[tilespmem:s22], [sflag:$0x1] =	stream.indirect.gather [hbm4b:s4+s21], $0x80, s3, s21, $0xb8;
	[tilespmem:$0x1A100] =	vst v63  }
0x74: {  	_ =	swait.ge [sflag:s23], $0x4000  }
0x75: {  	[sflag:s23] =	ssyncset.done $0x0  }
0x76: {  	[sflag:s23] =	ssyncadd.s32 $0xFFFFC000  }
0x77: {  	[spmem:s2] =	stream.indirect.scatter.add.f32 [tilespmem:s22], [sflag:$0x2], $0x80, s21, s21, $0xb8;
	[tilespmem:$0x1A100] =	vst v63  }
0x78: {  	_ =	swait.ge [sflag:s20], $0x4000  }
0x79: {  	s30 =	sshll.u32 s0, $0x6;
	s24 =	sadd.s32 $0x1, s24;
	[sflag:s20] =	ssyncset.done $0x0  }
0x7a: {  	s31 =	sshrl.u32 s5, $0x3;
	p0 =	sne.s32 s24, s7;
	[sflag:s20] =	ssyncadd.s32 $0xFFFFC000  }
.Ltmp2:
0x7b: {  	s25 =	sor.u32 $0x1C02, s30;
	[bflag:$0x0] =	sbarrier.arrive $0xFFFF;
	(pc) =	sbr.rel @p0 .LBB2_1-.Ltmp2, $4  }
0x7c: {  	[hbm:s6], [sflag:s25] =	dma.local [spmem:s31], $0x2800  }
0x7d: {  	_ =	swait.ge [sflag:s20], $0x2800  }
0x7e: {  	[sflag:s20] =	ssyncset.done $0x0  }
0x7f: {  	[sflag:s20] =	ssyncadd.s32 $0xFFFFD800  }
0x80: {  	_ =	sfence.sel $0x180000  }
0x81: {  	[bflag:$0x0] =	sbarrier.arrive $0xFFFF  }
0x82: {  	p0 =	sne.s32 s0, $0x0;
	_ =	strace $0x9000004A  }
0x83: {  	s0 =	sadd.s32 @!p0 $0x100000, s1;
	[bflag:$0x2] =	sbarrier.arrive $0xFFFF  }
0x84: {  	[sflag:s0] =	ssyncadd.tile.s32 @!p0 $0x1;
	_ =	shalt  }
.Lfunc_end2:
_tile_overlayer_lowered:
.L_overlay_start_2:
0x85: {  	(tag) =	ssettag $0x2  }
0x86: {  	s0 =	rddreg [dreg:$0x0];
	s2 =	stileid.u32  }
0x87: {  	s1 =	rddreg [dreg:$0x1];
	p0 =	sne.s32 s2, $0x0  }
0x88: {  	s3 =	rddreg [dreg:$0x2];
	[bflag:$0x3] =	sbarrier.arrive $0xFFFF;
	s2 =	simm.s32 @!p0 $0x1C02  }
0x89: {  	[timem:s3], [sflag:s2] =	dma.local @!p0 [hbm:s0], s1  }
0x8a: {  	s0 =	simm.s32 @!p0 $0x2  }
0x8b: {  	_ =	swait.ge @!p0 [sflag:s0], s1  }
0x8c: {  	s1 =	ssub.s32 @!p0 $0x0, s1;
	[sflag:s0] =	ssyncset.done @!p0 $0x0  }
0x8d: {  	[sflag:s0] =	ssyncadd.s32 @!p0 s1  }
0x8e: {  	[bflag:$0x3] =	sbarrier.arrive $0xFFFF  }
0x8f: {  	_ =	shalt  }

// kernel: kernel.22.cloned.1.call-start
scs
__scs_entry_jumppad:
0x0: {  	(pc) =	sbr.rel $0x88, $3  }
0x1: {  	(tag) =	ssettag $0x0;
	lr =	simm.s32 $0x1  }
0x2: {  	[smem:$0x3F97] =	sst lr;
	_ =	strace $0xD0000000  }
0x3: {  	_ = 	snop  }
0x4: {  	_ = 	snop  }
0x5: {  	_ = 	snop  }
0x6: {  	_ = 	snop  }
0x7: {  	_ = 	snop  }
__scs_overlays_trampoline_lowered:
0x8: {  	[smem:$0x3FA6] =	sst s0  }
0x9: {  	[smem:$0x3FA7] =	sst s1  }
0xa: {  	[smem:$0x3FA8] =	sst s2  }
0xb: {  	[smem:$0x3FA9] =	sst s3  }
0xc: {  	[smem:$0x3FAA] =	sst s4  }
0xd: {  	[smem:$0x3FAB] =	sst s5  }
0xe: {  	[smem:$0x3FAC] =	sst s6  }
0xf: {  	[smem:$0x3FAD] =	sst s7  }
0x10: {  	[smem:$0x3FAE] =	sst s8  }
0x11: {  	[smem:$0x3FAF] =	sst s9;
	s0 =	simm.s32 @!p0 $0x0  }
0x12: {  	s1 =	sld [smem:$0x3F95];
	s0 =	simm.s32 @p0 $0x1  }
0x13: {  	[smem:$0x3FB0] =	sst s0;
	s0 =	simm.s32 @!p1 $0x0  }
0x14: {  	s2 =	sld [smem:$0x3F94];
	s0 =	simm.s32 @p1 $0x1  }
0x15: {  	[smem:$0x3FB1] =	sst s0;
	s0 =	simm.s32 @!p2 $0x0  }
0x16: {  	s3 =	sld [smem:$0x3FDB];
	s0 =	simm.s32 @p2 $0x1  }
0x17: {  	s4 =	simm.s32 $0x1BF5;
	[smem:$0x3FB3] =	sst s0  }
0x18: {  	s0 =	sld [smem:$0x3F96];
	_ =	swait.ge [sflag:s4], $0x0  }
0x19: {  	s7 =	sld [smem:$0x3F97]  }
0x1a: {  	s8 =	sadd.s32 $0xFFFFE003, lr  }
0x1b: {  	s9 =	sadd.s32 $0xFFFFFEF7, lr;
	s5 =	simm.s32 $0xFFFFFFFF;
	p2 =	slt.u32 s8, $0xFFFFF086  }
0x1c: {  	p1 =	slt.u32 s9, $0xF7A;
	s5 =	simm.s32 @!p2 $0x0  }
0x1d: {  	s5 =	simm.s32 @p1 $0x1;
	p0 =	seq.s32 s7, s2  }
0x1e: {  	s7 =	smul.u32 @!p0 $0xF7A, s2;
	p2 =	seq.s32 @!p0 s5, $0x0  }
0x1f: {  	s9 =	smul.u32 $0xF7A, s1;
	s8 =	simm.s32 @!p0 $0x1BF5;
	p2 =	por !p2, p0  }
0x20: {  	[sflag:s8] =	ssyncset.s32 @!p0 $0xFFFFF086;
	s6 =	sadd.s32 @!p0 s3, s7;
	s7 =	simm.s32 @!p0 $0x108  }
0x21: {  	s3 =	sadd.s32 s3, s9;
	s6 =	sadd.s32 @!p0 $0x88, s6;
	s7 =	simm.s32 @p2 $0x1082  }
0x22: {  	[simem:s7], [sflag:s8] =	dma.local @!p0 [hbm:s6], $0xF7A  }
0x23: {  	s9 =	sor.u32 $0xD0000000, s2;
	s6 =	simm.s32 $0x108;
	_ =	swait.ge @!p0 [sflag:s8], $0x0  }
0x24: {  	s3 =	sadd.s32 $0x88, s3;
	s6 =	simm.s32 @!p1 $0x1082;
	[sflag:s4] =	ssyncset.s32 $0xFFFFF086  }
0x25: {  	[simem:s6], [sflag:s4] =	dma.local [hbm:s3], $0xF7A  }
0x26: {  	[smem:$0x3F97] =	sst s1;
	(tag) =	ssettag s2;
	_ =	strace s9  }
0x27: {  	s1 =	sld [smem:$0x3FA7]  }
0x28: {  	s2 =	sld [smem:$0x3FA8]  }
0x29: {  	s4 =	sld [smem:$0x3FAA]  }
0x2a: {  	p0 =	seq.s32 s5, $0x0;
	s5 =	sld [smem:$0x3FAB]  }
0x2b: {  	s6 =	sld [smem:$0x3FAC]  }
0x2c: {  	s7 =	sld [smem:$0x3FAD]  }
0x2d: {  	s3 =	simm.s32 $0x108;
	s8 =	sld [smem:$0x3FAE]  }
0x2e: {  	s3 =	simm.s32 @!p0 $0x1082;
	s9 =	sld [smem:$0x3FAF]  }
0x2f: {  	lr =	sadd.s32 s0, s3;
	s0 =	sld [smem:$0x3FA6]  }
0x30: {  	s3 =	sld [smem:$0x3FA9]  }
0x31: {  	[smem:$0x3FB2] =	sst s10  }
0x32: {  	s10 =	sld [smem:$0x3FB0];
	_ =	sdelay $0x3  }
0x33: {  	p0 =	seq.s32 s10, $0x1;
	s10 =	sld [smem:$0x3FB2];
	_ =	sdelay $0x3  }
0x34: {  	[smem:$0x3FB2] =	sst s10  }
0x35: {  	s10 =	sld [smem:$0x3FB1];
	_ =	sdelay $0x3  }
0x36: {  	p1 =	seq.s32 s10, $0x1;
	s10 =	sld [smem:$0x3FB2];
	_ =	sdelay $0x3  }
0x37: {  	[smem:$0x3FB2] =	sst s10  }
0x38: {  	s10 =	sld [smem:$0x3FB3]  }
0x39: {  	_ = 	snop;
	(pc) =	sbr.ind lr, $3  }
0x3a: {  	_ = 	snop  }
0x3b: {  	_ = 	snop  }
0x3c: {  	p2 =	seq.s32 s10, $0x1;
	s10 =	sld [smem:$0x3FB2]  }
0x3d: {  	_ =	shalt  }
0x3e: {  	_ =	shalt  }
0x3f: {  	_ =	shalt  }
0x40: {  	_ =	shalt  }
0x41: {  	_ =	shalt  }
0x42: {  	_ =	shalt  }
0x43: {  	_ =	shalt  }
0x44: {  	_ =	shalt  }
0x45: {  	_ =	shalt  }
0x46: {  	_ =	shalt  }
0x47: {  	_ =	shalt  }
0x48: {  	_ =	shalt  }
0x49: {  	_ =	shalt  }
0x4a: {  	_ =	shalt  }
0x4b: {  	_ =	shalt  }
0x4c: {  	_ =	shalt  }
0x4d: {  	_ =	shalt  }
0x4e: {  	_ =	shalt  }
0x4f: {  	_ =	shalt  }
0x50: {  	_ =	shalt  }
0x51: {  	_ =	shalt  }
0x52: {  	_ =	shalt  }
0x53: {  	_ =	shalt  }
0x54: {  	_ =	shalt  }
0x55: {  	_ =	shalt  }
0x56: {  	_ =	shalt  }
0x57: {  	_ =	shalt  }
0x58: {  	_ =	shalt  }
0x59: {  	_ =	shalt  }
0x5a: {  	_ =	shalt  }
0x5b: {  	_ =	shalt  }
0x5c: {  	_ =	shalt  }
0x5d: {  	_ =	shalt  }
0x5e: {  	_ =	shalt  }
0x5f: {  	_ =	shalt  }
0x60: {  	_ =	shalt  }
0x61: {  	_ =	shalt  }
0x62: {  	_ =	shalt  }
0x63: {  	_ =	shalt  }
0x64: {  	_ =	shalt  }
0x65: {  	_ =	shalt  }
0x66: {  	_ =	shalt  }
0x67: {  	_ =	shalt  }
0x68: {  	_ =	shalt  }
0x69: {  	_ =	shalt  }
0x6a: {  	_ =	shalt  }
0x6b: {  	_ =	shalt  }
0x6c: {  	_ =	shalt  }
0x6d: {  	_ =	shalt  }
0x6e: {  	_ =	shalt  }
0x6f: {  	_ =	shalt  }
0x70: {  	_ =	shalt  }
0x71: {  	_ =	shalt  }
0x72: {  	_ =	shalt  }
0x73: {  	_ =	shalt  }
0x74: {  	_ =	shalt  }
0x75: {  	_ =	shalt  }
0x76: {  	_ =	shalt  }
0x77: {  	_ =	shalt  }
0x78: {  	_ =	shalt  }
0x79: {  	_ =	shalt  }
0x7a: {  	_ =	shalt  }
0x7b: {  	_ =	shalt  }
0x7c: {  	_ =	shalt  }
0x7d: {  	_ =	shalt  }
0x7e: {  	_ =	shalt  }
0x7f: {  	_ =	shalt  }
0x80: {  	_ =	shalt  }
0x81: {  	_ =	shalt  }
0x82: {  	_ =	shalt  }
0x83: {  	_ =	shalt  }
0x84: {  	_ =	shalt  }
0x85: {  	_ =	shalt  }
0x86: {  	_ =	shalt  }
0x87: {  	_ =	shalt  }
.Lfunc_end0:
.L_simem_size_0:
called_computation.2_lowered:
.L_overlay_start_0:
0x88: {  	s2 =	sld [smem:$0x3FD9]  }
0x89: {  	s3 =	sld [smem:$0x3FFE];
	_ =	sdelay $0x1  }
0x8a: {  	s1 =	srdreg.scid  }
0x8b: {  	s0 =	sand.u32 $0x1, s1  }
0x8c: {  	s16 =	sshll.u32 s0, $0xA;
	s2 =	sadd.s32 s3, s2  }
0x8d: {  	s2 =	sadd.s32 s2, s16  }
0x8e: {  	[smem:$0x3FBE] =	sst s2  }
0x8f: {  	_ = 	snop  }
0x90: {  	(tm) =	ssettm $0x1  }
0x91: {  	s17 =	sld [smem:$0x3FFB];
	_ =	sdelay $0x3  }
0x92: {  	_ =	strace s17  }
0x93: {  	s2 =	sld [smem:$0x3FFC];
	_ =	sdelay $0x3  }
0x94: {  	_ =	strace s2  }
0x95: {  	s2 =	sld [smem:$0x3FFD];
	_ =	sdelay $0x3  }
0x96: {  	_ =	strace s2  }
0x97: {  	_ =	strace $0x8FFFFFFF  }
0x98: {  	s18 =	sld [smem:$0x3FDB];
	_ =	sdelay $0x1  }
0x99: {  	s19 =	simm.s32 $_scs_section_size  }
0x9a: {  	s4 =	simm.s32 $_size__tile_overlayer_lowered;
	s5 =	simm.s32 $_tile_overlayer_lowered  }
0x9b: {  	s22 =	simm.s32 $0x1BFF;
	s21 =	sshll.u32 s5, $0x1;
	s2 =	sadd.s32 s19, s18  }
0x9c: {  	s6 =	simm.s32 $0x0;
	s20 =	sshll.u32 s4, $0x1;
	s4 =	sadd.s32 s21, s2  }
0x9d: {  	[timem:s6], [sflag:s22] =	dma.local [hbm:s4], s20  }
0x9e: {  	_ =	swait.ge [sflag:s22], s20  }
0x9f: {  	s3 =	ssub.s32 $0x0, s20;
	[sflag:s22] =	ssyncset.done $0x0  }
0xa0: {  	[sflag:s22] =	ssyncadd.s32 s3;
	_ =	sdelay $0x1  }
0xa1: {  	s23 =	simm.s32 $0x1B8B  }
0xa2: {  	_ =	swait.ge [sflag:s23], $0x1  }
0xa3: {  	[sflag:s23] =	ssyncset.done $0x0  }
0xa4: {  	s25 =	simm.s32 $0x1B8E;
	s24 =	sld [smem:$0x3FFE];
	[sflag:s23] =	ssyncadd.s32 $0xFFFFFFFF  }
0xa5: {  	s26 =	simm.s32 $execute0_lowered;
	[smem:$0x3FD2] =	sst s25  }
0xa6: {  	s4 =	sshll.u32 s26, $0x1;
	_ =	strace $0x8000004C;
	[dreg:$0x1] =	wrdreg $0xFFFFFFFF  }
0xa7: {  	s28 =	simm.s32 $_size_execute0_lowered;
	s2 =	sadd.s32 s2, s4;
	[dreg:$0x0] =	wrdreg $0x0  }
0xa8: {  	s4 =	sshll.u32 s28, $0x1;
	[dreg:$0x2] =	wrdreg s2  }
0xa9: {  	[dreg:$0x3] =	wrdreg s4  }
0xaa: {  	[dreg:$0x4] =	wrdreg $0xC0  }
0xab: {  	_ =	task [dreg:s6], $0x5FFFF  }
0xac: {  	[dreg:$0x1] =	wrdreg $0xFFFFFFFF  }
0xad: {  	[dreg:$0x0] =	wrdreg $0x60  }
0xae: {  	[dreg:$0x2] =	wrdreg s24  }
0xaf: {  	[dreg:$0x3] =	wrdreg $0x61000  }
0xb0: {  	[dreg:$0x4] =	wrdreg $0x9  }
0xb1: {  	_ =	task.clear_ibuf [dreg:s6], $0x5FFFF;
	_ =	strace $0x9000004C  }
0xb2: {  	s29 =	simm.s32 $0x9;
	_ =	strace $0x8000004E  }
0xb3: {  	_ =	swait.ge [sflag:s29], $0x1  }
0xb4: {  	[sflag:s29] =	ssyncadd.s32 $0xFFFFFFFF  }
0xb5: {  	_ =	strace $0x9000004E  }
0xb6: {  	_ =	sfence  }
0xb7: {  	s30 =	sld [smem:$0x0];
	_ =	sdelay $0x2  }
0xb8: {  	s31 =	sshll.u32 s1, $0xD;
	s1 =	sshrl.u32 s1, $0x2  }
0xb9: {  	s3 =	sand.u32 $0x4000, s31;
	s1 =	sadd.s32 s1, s30  }
0xba: {  	s0 =	sor.u32 s3, s0;
	s1 =	sshll.u32 s1, $0x11  }
0xbb: {  	s0 =	sor.u32 s1, s0  }
0xbc: {  	s0 =	sadd.s32 $0x8F2B, s0  }
0xbd: {  	[sflag:s0] =	ssyncadd.remote.s32 $0x1  }
0xbe: {  	_ =	sfence.sel $0xFFFF  }
0xbf: {  	[dreg:$0x0] =	wrdreg $0xFFFFFFFF;
	(pc) =	sbr.abs _section_cstart, $3  }
0xc0: {  	[dreg:$0x1] =	wrdreg $0xFFFFFFFF  }
0xc1: {  	_ =	task.clear_ibuf [dreg:s6], $0x2FFFF;
	_ =	strace $0x9FFFFFFF  }
0xc2: {  	(tm) =	ssettm $0x7FFFFFFF  }
0xc3: {  	_ =	shalt  }
tec
execute0_lowered:
.L_overlay_start_1:
0x0: {  	(tag) =	ssettag $0x1  }
0x1: {  	s5 =	rddreg [dreg:$0x0];
	s0 =	stileid.u32  }
0x2: {  	s1 =	srdreg.scid;
	s2 =	rddreg [dreg:$0x1]  }
0x3: {  	s3 =	simm.s32 $0x0;
	s19 =	simm.s32 $0x4100;
	s20 =	simm.s32 $0x2  }
0x4: {  	s21 =	simm.s32 $0x80;
	s22 =	simm.s32 $0x100;
	s6 =	smul.u32 $0x9E0, s0  }
0x5: {  	s23 =	simm.s32 $0x1;
	s24 =	simm.s32 $0x0;
	s8 =	smul.u32 $0x2800, s0  }
0x6: {  	s11 =	sand.u32 $0x1, s1;
	s1 =	rddreg [dreg:$0x2];
	s9 =	smul.u32 $0x50000, s0  }
0x7: {  	[smem:$0x7FF] =	sst s3;
	s4 =	sadd.s32 $0x18000, s5;
	s7 =	smul.u32 $0x28000, s11  }
0x8: {  	_ =	strace $0x8000004D;
	s30 =	ssub.s32 $0x2, s11;
	s17 =	smul.u32 $0x4F0, s11  }
0x9: {  	s16 =	sadd.s32 s6, s5;
	s31 =	sshrl.u32 s30, $0x1;
	s9 =	sshrl.u32 s9, $0x2  }
0xa: {  	s7 =	sadd.s32 s8, s7;
	s8 =	ssub.s32 s30, s31;
	s18 =	sadd.s32 s17, s16  }
0xb: {  	s7 =	sadd.s32 s7, s5;
	s5 =	sadd.s32 s9, s2;
	s17 =	sadd.s32 $0x4400, s18  }
0xc: {  	s18 =	sadd.s32 $0xE200, s18;
	s6 =	sadd.s32 $0x40000, s7;
	s7 =	smax.u32 s8, $0x1  }
0xd: {  	s8 =	sadd.s32 $0x2000, s5;
	s9 =	sadd.s32 $0x4000, s5;
	s10 =	sadd.s32 $0x6000, s5  }
0xe: {  	s11 =	sadd.s32 $0x8000, s5;
	s12 =	sadd.s32 $0xA000, s5;
	s13 =	sadd.s32 $0xC000, s5  }
0xf: {  	v0 =	vimm.f32 $0.0e+00;
	s14 =	sadd.s32 $0xE000, s5;
	s15 =	sadd.s32 $0x10000, s5;
	s16 =	sadd.s32 $0x12000, s5  }
.LBB2_1:
0x10: {  	s25 =	simm.s32 $0x0;
	s26 =	simm.s32 $0x200  }
.LBB2_2:
0x11: {  	p0 =	sne.s32 s26, $0x7E00;
	[tilespmem:s25+$0x4170] =	vst v0  }
0x12: {  	[tilespmem:s25+$0x4100] =	vst v0  }
0x13: {  	[tilespmem:s25+$0x4110] =	vst v0  }
.Ltmp0:
0x14: {  	[tilespmem:s25+$0x4120] =	vst v0;
	(pc) =	sbr.rel @p0 .LBB2_2-.Ltmp0, $4  }
0x15: {  	[tilespmem:s25+$0x4130] =	vst v0  }
0x16: {  	[tilespmem:s25+$0x4140] =	vst v0  }
0x17: {  	[tilespmem:s25+$0x4150] =	vst v0  }
0x18: {  	[tilespmem:s25+$0x4160] =	vst v0;
	s25 =	sshra.s32 s26, $0x2;
	s26 =	sadd.s32 $0x200, s26  }
0x19: {  	[tilespmem:s25+$0x4170] =	vst v0  }
0x1a: {  	[tilespmem:s25+$0x4100] =	vst v0  }
0x1b: {  	[tilespmem:s25+$0x4110] =	vst v0  }
0x1c: {  	[tilespmem:s25+$0x4120] =	vst v0  }
0x1d: {  	[tilespmem:s25+$0x4130] =	vst v0  }
0x1e: {  	[tilespmem:s25+$0x4140] =	vst v0  }
0x1f: {  	[tilespmem:s25+$0x4150] =	vst v0  }
0x20: {  	[tilespmem:s25+$0x4160] =	vst v0  }
0x21: {  	[spmem:s5] =	stream.linear.scatter [tilespmem:s19], [sflag:$0x2], $0x2000, $0x38;
	[tilespmem:$0x1A100] =	vst v63  }
0x22: {  	_ =	swait.ge [sflag:s20], $0x2000  }
0x23: {  	[sflag:s20] =	ssyncset.done $0x0  }
0x24: {  	[sflag:s20] =	ssyncadd.s32 $0xFFFFE000  }
0x25: {  	[spmem:s8] =	stream.linear.scatter [tilespmem:s19], [sflag:$0x2], $0x2000, $0x38;
	[tilespmem:$0x1A100] =	vst v63  }
0x26: {  	_ =	swait.ge [sflag:s20], $0x2000  }
0x27: {  	[sflag:s20] =	ssyncset.done $0x0  }
0x28: {  	[sflag:s20] =	ssyncadd.s32 $0xFFFFE000  }
0x29: {  	[spmem:s9] =	stream.linear.scatter [tilespmem:s19], [sflag:$0x2], $0x2000, $0x38;
	[tilespmem:$0x1A100] =	vst v63  }
0x2a: {  	_ =	swait.ge [sflag:s20], $0x2000  }
0x2b: {  	[sflag:s20] =	ssyncset.done $0x0  }
0x2c: {  	[sflag:s20] =	ssyncadd.s32 $0xFFFFE000  }
0x2d: {  	[spmem:s10] =	stream.linear.scatter [tilespmem:s19], [sflag:$0x2], $0x2000, $0x38;
	[tilespmem:$0x1A100] =	vst v63  }
0x2e: {  	_ =	swait.ge [sflag:s20], $0x2000  }
0x2f: {  	[sflag:s20] =	ssyncset.done $0x0  }
0x30: {  	[sflag:s20] =	ssyncadd.s32 $0xFFFFE000  }
0x31: {  	[spmem:s11] =	stream.linear.scatter [tilespmem:s19], [sflag:$0x2], $0x2000, $0x38;
	[tilespmem:$0x1A100] =	vst v63  }
0x32: {  	_ =	swait.ge [sflag:s20], $0x2000  }
0x33: {  	[sflag:s20] =	ssyncset.done $0x0  }
0x34: {  	[sflag:s20] =	ssyncadd.s32 $0xFFFFE000  }
0x35: {  	[spmem:s12] =	stream.linear.scatter [tilespmem:s19], [sflag:$0x2], $0x2000, $0x38;
	[tilespmem:$0x1A100] =	vst v63  }
0x36: {  	_ =	swait.ge [sflag:s20], $0x2000  }
0x37: {  	[sflag:s20] =	ssyncset.done $0x0  }
0x38: {  	[sflag:s20] =	ssyncadd.s32 $0xFFFFE000  }
0x39: {  	[spmem:s13] =	stream.linear.scatter [tilespmem:s19], [sflag:$0x2], $0x2000, $0x38;
	[tilespmem:$0x1A100] =	vst v63  }
0x3a: {  	_ =	swait.ge [sflag:s20], $0x2000  }
0x3b: {  	[sflag:s20] =	ssyncset.done $0x0  }
0x3c: {  	[sflag:s20] =	ssyncadd.s32 $0xFFFFE000  }
0x3d: {  	[spmem:s14] =	stream.linear.scatter [tilespmem:s19], [sflag:$0x2], $0x2000, $0x38;
	[tilespmem:$0x1A100] =	vst v63  }
0x3e: {  	_ =	swait.ge [sflag:s20], $0x2000  }
0x3f: {  	[sflag:s20] =	ssyncset.done $0x0  }
0x40: {  	[sflag:s20] =	ssyncadd.s32 $0xFFFFE000  }
0x41: {  	[spmem:s15] =	stream.linear.scatter [tilespmem:s19], [sflag:$0x2], $0x2000, $0x38;
	[tilespmem:$0x1A100] =	vst v63  }
0x42: {  	_ =	swait.ge [sflag:s20], $0x2000  }
0x43: {  	[sflag:s20] =	ssyncset.done $0x0  }
0x44: {  	[sflag:s20] =	ssyncadd.s32 $0xFFFFE000  }
0x45: {  	[spmem:s16] =	stream.linear.scatter [tilespmem:s19], [sflag:$0x2], $0x2000, $0x38;
	[tilespmem:$0x1A100] =	vst v63  }
0x46: {  	_ =	swait.ge [sflag:s20], $0x2000  }
0x47: {  	[sflag:s20] =	ssyncset.done $0x0  }
0x48: {  	[sflag:s20] =	ssyncadd.s32 $0xFFFFE000  }
0x49: {  	s30 =	sadd.s32 $0x0, s18;
	[bflag:$0x0] =	sbarrier.arrive $0xFFFF  }
0x4a: {  	[tilespmem:s3], [sflag:$0x2] =	stream.linear.gather [hbm4b:s30+s3], $0x80, $0x38;
	[tilespmem:$0x1A100] =	vst v63  }
0x4b: {  	_ =	swait.ge [sflag:s20], $0x80  }
0x4c: {  	[sflag:s20] =	ssyncset.done $0x0  }
0x4d: {  	s31 =	sadd.s32 $0x0, s17;
	[sflag:s20] =	ssyncadd.s32 $0xFFFFFF80  }
0x4e: {  	[tilespmem:s21], [sflag:$0x2] =	stream.linear.gather [hbm4b:s31+s3], $0x80, $0x38;
	[tilespmem:$0x1A100] =	vst v63  }
0x4f: {  	_ =	swait.ge [sflag:s20], $0x80  }
0x50: {  	[sflag:s20] =	ssyncset.done $0x0  }
0x51: {  	[sflag:s20] =	ssyncadd.s32 $0xFFFFFF80  }
0x52: {  	[tilespmem:s22], [sflag:$0x1] =	stream.indirect.gather [hbm4b:s4+s21], $0x80, s3, s21, $0xb8;
	[tilespmem:$0x1A100] =	vst v63  }
0x53: {  	_ =	swait.ge [sflag:s23], $0x4000  }
0x54: {  	[sflag:s23] =	ssyncset.done $0x0  }
0x55: {  	[sflag:s23] =	ssyncadd.s32 $0xFFFFC000  }
0x56: {  	[spmem:s2] =	stream.indirect.scatter.add.f32 [tilespmem:s22], [sflag:$0x2], $0x80, s21, s21, $0xb8;
	[tilespmem:$0x1A100] =	vst v63  }
0x57: {  	_ =	swait.ge [sflag:s20], $0x4000  }
0x58: {  	s25 =	simm.s32 $0x10;
	s26 =	simm.s32 $0x20;
	[sflag:s20] =	ssyncset.done $0x0  }
.LBB2_4:
0x59: {  	s28 =	sadd.s32 s25, s18  }
0x5a: {  	[sflag:s20] =	ssyncadd.s32 $0xFFFFC000;
	s29 =	smov.u32 s26;
	s30 =	sadd.s32 $0x10, s26  }
0x5b: {  	[tilespmem:s3], [sflag:$0x2] =	stream.linear.gather [hbm4b:s28+s3], $0x80, $0x38;
	[tilespmem:$0x1A100] =	vst v63  }
0x5c: {  	p0 =	sne.s32 s26, $0x4E0;
	_ =	swait.ge [sflag:s20], $0x80  }
0x5d: {  	[sflag:s20] =	ssyncset.done $0x0  }
0x5e: {  	s26 =	sadd.s32 s25, s17;
	s25 =	smov.u32 s29;
	[sflag:s20] =	ssyncadd.s32 $0xFFFFFF80  }
0x5f: {  	[tilespmem:s21], [sflag:$0x2] =	stream.linear.gather [hbm4b:s26+s3], $0x80, $0x38;
	[tilespmem:$0x1A100] =	vst v63  }
0x60: {  	_ =	swait.ge [sflag:s20], $0x80  }
0x61: {  	[sflag:s20] =	ssyncset.done $0x0  }
0x62: {  	[sflag:s20] =	ssyncadd.s32 $0xFFFFFF80  }
0x63: {  	[tilespmem:s22], [sflag:$0x1] =	stream.indirect.gather [hbm4b:s4+s21], $0x80, s3, s21, $0xb8;
	[tilespmem:$0x1A100] =	vst v63  }
0x64: {  	_ =	swait.ge [sflag:s23], $0x4000  }
.Ltmp1:
0x65: {  	[sflag:s23] =	ssyncset.done $0x0;
	(pc) =	sbr.rel @p0 .LBB2_4-.Ltmp1, $4  }
0x66: {  	[sflag:s23] =	ssyncadd.s32 $0xFFFFC000  }
0x67: {  	[spmem:s2] =	stream.indirect.scatter.add.f32 [tilespmem:s22], [sflag:$0x2], $0x80, s21, s21, $0xb8;
	[tilespmem:$0x1A100] =	vst v63  }
0x68: {  	_ =	swait.ge [sflag:s20], $0x4000  }
0x69: {  	s26 =	smov.u32 s30;
	[sflag:s20] =	ssyncset.done $0x0  }
0x6a: {  	s26 =	sadd.s32 s25, s18;
	[sflag:s20] =	ssyncadd.s32 $0xFFFFC000  }
0x6b: {  	[tilespmem:s3], [sflag:$0x2] =	stream.linear.gather [hbm4b:s26+s3], $0x80, $0x38;
	[tilespmem:$0x1A100] =	vst v63  }
0x6c: {  	_ =	swait.ge [sflag:s20], $0x80  }
0x6d: {  	[sflag:s20] =	ssyncset.done $0x0  }
0x6e: {  	s29 =	sadd.s32 s25, s17;
	[sflag:s20] =	ssyncadd.s32 $0xFFFFFF80  }
0x6f: {  	[tilespmem:s21], [sflag:$0x2] =	stream.linear.gather [hbm4b:s29+s3], $0x80, $0x38;
	[tilespmem:$0x1A100] =	vst v63  }
0x70: {  	_ =	swait.ge [sflag:s20], $0x80  }
0x71: {  	[sflag:s20] =	ssyncset.done $0x0  }
0x72: {  	[sflag:s20] =	ssyncadd.s32 $0xFFFFFF80  }
0x73: {  	[tilespmem:s22], [sflag:$0x1] =	stream.indirect.gather [hbm4b:s4+s21], $0x80, s3, s21, $0xb8;
	[tilespmem:$0x1A100] =	vst v63  }
0x74: {  	_ =	swait.ge [sflag:s23], $0x4000  }
0x75: {  	[sflag:s23] =	ssyncset.done $0x0  }
0x76: {  	[sflag:s23] =	ssyncadd.s32 $0xFFFFC000  }
0x77: {  	[spmem:s2] =	stream.indirect.scatter.add.f32 [tilespmem:s22], [sflag:$0x2], $0x80, s21, s21, $0xb8;
	[tilespmem:$0x1A100] =	vst v63  }
0x78: {  	_ =	swait.ge [sflag:s20], $0x4000  }
0x79: {  	s30 =	sshll.u32 s0, $0x6;
	s24 =	sadd.s32 $0x1, s24;
	[sflag:s20] =	ssyncset.done $0x0  }
0x7a: {  	s31 =	sshrl.u32 s5, $0x3;
	p0 =	sne.s32 s24, s7;
	[sflag:s20] =	ssyncadd.s32 $0xFFFFC000  }
.Ltmp2:
0x7b: {  	s25 =	sor.u32 $0x1C02, s30;
	[bflag:$0x0] =	sbarrier.arrive $0xFFFF;
	(pc) =	sbr.rel @p0 .LBB2_1-.Ltmp2, $4  }
0x7c: {  	[hbm:s6], [sflag:s25] =	dma.local [spmem:s31], $0x2800  }
0x7d: {  	_ =	swait.ge [sflag:s20], $0x2800  }
0x7e: {  	[sflag:s20] =	ssyncset.done $0x0  }
0x7f: {  	[sflag:s20] =	ssyncadd.s32 $0xFFFFD800  }
0x80: {  	_ =	sfence.sel $0x180000  }
0x81: {  	[bflag:$0x0] =	sbarrier.arrive $0xFFFF  }
0x82: {  	p0 =	sne.s32 s0, $0x0;
	_ =	strace $0x9000004D  }
0x83: {  	s0 =	sadd.s32 @!p0 $0x100000, s1;
	[bflag:$0x2] =	sbarrier.arrive $0xFFFF  }
0x84: {  	[sflag:s0] =	ssyncadd.tile.s32 @!p0 $0x1;
	_ =	shalt  }
.Lfunc_end2:
_tile_overlayer_lowered:
.L_overlay_start_2:
0x85: {  	(tag) =	ssettag $0x2  }
0x86: {  	s0 =	rddreg [dreg:$0x0];
	s2 =	stileid.u32  }
0x87: {  	s1 =	rddreg [dreg:$0x1];
	p0 =	sne.s32 s2, $0x0  }
0x88: {  	s3 =	rddreg [dreg:$0x2];
	[bflag:$0x3] =	sbarrier.arrive $0xFFFF;
	s2 =	simm.s32 @!p0 $0x1C02  }
0x89: {  	[timem:s3], [sflag:s2] =	dma.local @!p0 [hbm:s0], s1  }
0x8a: {  	s0 =	simm.s32 @!p0 $0x2  }
0x8b: {  	_ =	swait.ge @!p0 [sflag:s0], s1  }
0x8c: {  	s1 =	ssub.s32 @!p0 $0x0, s1;
	[sflag:s0] =	ssyncset.done @!p0 $0x0  }
0x8d: {  	[sflag:s0] =	ssyncadd.s32 @!p0 s1  }
0x8e: {  	[bflag:$0x3] =	sbarrier.arrive $0xFFFF  }
0x8f: {  	_ =	shalt  }

// kernel: kernel.25.cloned.1.call-start
scs
__scs_entry_jumppad:
0x0: {  	(pc) =	sbr.rel $0x88, $3  }
0x1: {  	(tag) =	ssettag $0x0;
	lr =	simm.s32 $0x1  }
0x2: {  	[smem:$0x3F97] =	sst lr;
	_ =	strace $0xD0000000  }
0x3: {  	_ = 	snop  }
0x4: {  	_ = 	snop  }
0x5: {  	_ = 	snop  }
0x6: {  	_ = 	snop  }
0x7: {  	_ = 	snop  }
__scs_overlays_trampoline_lowered:
0x8: {  	[smem:$0x3FA6] =	sst s0  }
0x9: {  	[smem:$0x3FA7] =	sst s1  }
0xa: {  	[smem:$0x3FA8] =	sst s2  }
0xb: {  	[smem:$0x3FA9] =	sst s3  }
0xc: {  	[smem:$0x3FAA] =	sst s4  }
0xd: {  	[smem:$0x3FAB] =	sst s5  }
0xe: {  	[smem:$0x3FAC] =	sst s6  }
0xf: {  	[smem:$0x3FAD] =	sst s7  }
0x10: {  	[smem:$0x3FAE] =	sst s8  }
0x11: {  	[smem:$0x3FAF] =	sst s9;
	s0 =	simm.s32 @!p0 $0x0  }
0x12: {  	s1 =	sld [smem:$0x3F95];
	s0 =	simm.s32 @p0 $0x1  }
0x13: {  	[smem:$0x3FB0] =	sst s0;
	s0 =	simm.s32 @!p1 $0x0  }
0x14: {  	s2 =	sld [smem:$0x3F94];
	s0 =	simm.s32 @p1 $0x1  }
0x15: {  	[smem:$0x3FB1] =	sst s0;
	s0 =	simm.s32 @!p2 $0x0  }
0x16: {  	s3 =	sld [smem:$0x3FDB];
	s0 =	simm.s32 @p2 $0x1  }
0x17: {  	s4 =	simm.s32 $0x1BF5;
	[smem:$0x3FB3] =	sst s0  }
0x18: {  	s0 =	sld [smem:$0x3F96];
	_ =	swait.ge [sflag:s4], $0x0  }
0x19: {  	s7 =	sld [smem:$0x3F97]  }
0x1a: {  	s8 =	sadd.s32 $0xFFFFE003, lr  }
0x1b: {  	s9 =	sadd.s32 $0xFFFFFEF7, lr;
	s5 =	simm.s32 $0xFFFFFFFF;
	p2 =	slt.u32 s8, $0xFFFFF086  }
0x1c: {  	p1 =	slt.u32 s9, $0xF7A;
	s5 =	simm.s32 @!p2 $0x0  }
0x1d: {  	s5 =	simm.s32 @p1 $0x1;
	p0 =	seq.s32 s7, s2  }
0x1e: {  	s7 =	smul.u32 @!p0 $0xF7A, s2;
	p2 =	seq.s32 @!p0 s5, $0x0  }
0x1f: {  	s9 =	smul.u32 $0xF7A, s1;
	s8 =	simm.s32 @!p0 $0x1BF5;
	p2 =	por !p2, p0  }
0x20: {  	[sflag:s8] =	ssyncset.s32 @!p0 $0xFFFFF086;
	s6 =	sadd.s32 @!p0 s3, s7;
	s7 =	simm.s32 @!p0 $0x108  }
0x21: {  	s3 =	sadd.s32 s3, s9;
	s6 =	sadd.s32 @!p0 $0x88, s6;
	s7 =	simm.s32 @p2 $0x1082  }
0x22: {  	[simem:s7], [sflag:s8] =	dma.local @!p0 [hbm:s6], $0xF7A  }
0x23: {  	s9 =	sor.u32 $0xD0000000, s2;
	s6 =	simm.s32 $0x108;
	_ =	swait.ge @!p0 [sflag:s8], $0x0  }
0x24: {  	s3 =	sadd.s32 $0x88, s3;
	s6 =	simm.s32 @!p1 $0x1082;
	[sflag:s4] =	ssyncset.s32 $0xFFFFF086  }
0x25: {  	[simem:s6], [sflag:s4] =	dma.local [hbm:s3], $0xF7A  }
0x26: {  	[smem:$0x3F97] =	sst s1;
	(tag) =	ssettag s2;
	_ =	strace s9  }
0x27: {  	s1 =	sld [smem:$0x3FA7]  }
0x28: {  	s2 =	sld [smem:$0x3FA8]  }
0x29: {  	s4 =	sld [smem:$0x3FAA]  }
0x2a: {  	p0 =	seq.s32 s5, $0x0;
	s5 =	sld [smem:$0x3FAB]  }
0x2b: {  	s6 =	sld [smem:$0x3FAC]  }
0x2c: {  	s7 =	sld [smem:$0x3FAD]  }
0x2d: {  	s3 =	simm.s32 $0x108;
	s8 =	sld [smem:$0x3FAE]  }
0x2e: {  	s3 =	simm.s32 @!p0 $0x1082;
	s9 =	sld [smem:$0x3FAF]  }
0x2f: {  	lr =	sadd.s32 s0, s3;
	s0 =	sld [smem:$0x3FA6]  }
0x30: {  	s3 =	sld [smem:$0x3FA9]  }
0x31: {  	[smem:$0x3FB2] =	sst s10  }
0x32: {  	s10 =	sld [smem:$0x3FB0];
	_ =	sdelay $0x3  }
0x33: {  	p0 =	seq.s32 s10, $0x1;
	s10 =	sld [smem:$0x3FB2];
	_ =	sdelay $0x3  }
0x34: {  	[smem:$0x3FB2] =	sst s10  }
0x35: {  	s10 =	sld [smem:$0x3FB1];
	_ =	sdelay $0x3  }
0x36: {  	p1 =	seq.s32 s10, $0x1;
	s10 =	sld [smem:$0x3FB2];
	_ =	sdelay $0x3  }
0x37: {  	[smem:$0x3FB2] =	sst s10  }
0x38: {  	s10 =	sld [smem:$0x3FB3]  }
0x39: {  	_ = 	snop;
	(pc) =	sbr.ind lr, $3  }
0x3a: {  	_ = 	snop  }
0x3b: {  	_ = 	snop  }
0x3c: {  	p2 =	seq.s32 s10, $0x1;
	s10 =	sld [smem:$0x3FB2]  }
0x3d: {  	_ =	shalt  }
0x3e: {  	_ =	shalt  }
0x3f: {  	_ =	shalt  }
0x40: {  	_ =	shalt  }
0x41: {  	_ =	shalt  }
0x42: {  	_ =	shalt  }
0x43: {  	_ =	shalt  }
0x44: {  	_ =	shalt  }
0x45: {  	_ =	shalt  }
0x46: {  	_ =	shalt  }
0x47: {  	_ =	shalt  }
0x48: {  	_ =	shalt  }
0x49: {  	_ =	shalt  }
0x4a: {  	_ =	shalt  }
0x4b: {  	_ =	shalt  }
0x4c: {  	_ =	shalt  }
0x4d: {  	_ =	shalt  }
0x4e: {  	_ =	shalt  }
0x4f: {  	_ =	shalt  }
0x50: {  	_ =	shalt  }
0x51: {  	_ =	shalt  }
0x52: {  	_ =	shalt  }
0x53: {  	_ =	shalt  }
0x54: {  	_ =	shalt  }
0x55: {  	_ =	shalt  }
0x56: {  	_ =	shalt  }
0x57: {  	_ =	shalt  }
0x58: {  	_ =	shalt  }
0x59: {  	_ =	shalt  }
0x5a: {  	_ =	shalt  }
0x5b: {  	_ =	shalt  }
0x5c: {  	_ =	shalt  }
0x5d: {  	_ =	shalt  }
0x5e: {  	_ =	shalt  }
0x5f: {  	_ =	shalt  }
0x60: {  	_ =	shalt  }
0x61: {  	_ =	shalt  }
0x62: {  	_ =	shalt  }
0x63: {  	_ =	shalt  }
0x64: {  	_ =	shalt  }
0x65: {  	_ =	shalt  }
0x66: {  	_ =	shalt  }
0x67: {  	_ =	shalt  }
0x68: {  	_ =	shalt  }
0x69: {  	_ =	shalt  }
0x6a: {  	_ =	shalt  }
0x6b: {  	_ =	shalt  }
0x6c: {  	_ =	shalt  }
0x6d: {  	_ =	shalt  }
0x6e: {  	_ =	shalt  }
0x6f: {  	_ =	shalt  }
0x70: {  	_ =	shalt  }
0x71: {  	_ =	shalt  }
0x72: {  	_ =	shalt  }
0x73: {  	_ =	shalt  }
0x74: {  	_ =	shalt  }
0x75: {  	_ =	shalt  }
0x76: {  	_ =	shalt  }
0x77: {  	_ =	shalt  }
0x78: {  	_ =	shalt  }
0x79: {  	_ =	shalt  }
0x7a: {  	_ =	shalt  }
0x7b: {  	_ =	shalt  }
0x7c: {  	_ =	shalt  }
0x7d: {  	_ =	shalt  }
0x7e: {  	_ =	shalt  }
0x7f: {  	_ =	shalt  }
0x80: {  	_ =	shalt  }
0x81: {  	_ =	shalt  }
0x82: {  	_ =	shalt  }
0x83: {  	_ =	shalt  }
0x84: {  	_ =	shalt  }
0x85: {  	_ =	shalt  }
0x86: {  	_ =	shalt  }
0x87: {  	_ =	shalt  }
.Lfunc_end0:
.L_simem_size_0:
called_computation.3_lowered:
.L_overlay_start_0:
0x88: {  	s2 =	sld [smem:$0x3FD9]  }
0x89: {  	s3 =	sld [smem:$0x3FFE];
	_ =	sdelay $0x1  }
0x8a: {  	s1 =	srdreg.scid  }
0x8b: {  	s0 =	sand.u32 $0x1, s1  }
0x8c: {  	s16 =	sshll.u32 s0, $0xA;
	s2 =	sadd.s32 s3, s2  }
0x8d: {  	s2 =	sadd.s32 s2, s16  }
0x8e: {  	[smem:$0x3FBE] =	sst s2  }
0x8f: {  	_ = 	snop  }
0x90: {  	(tm) =	ssettm $0x1  }
0x91: {  	s17 =	sld [smem:$0x3FFB];
	_ =	sdelay $0x3  }
0x92: {  	_ =	strace s17  }
0x93: {  	s2 =	sld [smem:$0x3FFC];
	_ =	sdelay $0x3  }
0x94: {  	_ =	strace s2  }
0x95: {  	s2 =	sld [smem:$0x3FFD];
	_ =	sdelay $0x3  }
0x96: {  	_ =	strace s2  }
0x97: {  	_ =	strace $0x8FFFFFFF  }
0x98: {  	s18 =	sld [smem:$0x3FDB];
	_ =	sdelay $0x1  }
0x99: {  	s19 =	simm.s32 $_scs_section_size  }
0x9a: {  	s4 =	simm.s32 $_size__tile_overlayer_lowered;
	s5 =	simm.s32 $_tile_overlayer_lowered  }
0x9b: {  	s22 =	simm.s32 $0x1BFF;
	s21 =	sshll.u32 s5, $0x1;
	s2 =	sadd.s32 s19, s18  }
0x9c: {  	s6 =	simm.s32 $0x0;
	s20 =	sshll.u32 s4, $0x1;
	s4 =	sadd.s32 s21, s2  }
0x9d: {  	[timem:s6], [sflag:s22] =	dma.local [hbm:s4], s20  }
0x9e: {  	_ =	swait.ge [sflag:s22], s20  }
0x9f: {  	s3 =	ssub.s32 $0x0, s20;
	[sflag:s22] =	ssyncset.done $0x0  }
0xa0: {  	[sflag:s22] =	ssyncadd.s32 s3;
	_ =	sdelay $0x1  }
0xa1: {  	s23 =	simm.s32 $0x1B8B  }
0xa2: {  	_ =	swait.ge [sflag:s23], $0x1  }
0xa3: {  	[sflag:s23] =	ssyncset.done $0x0  }
0xa4: {  	s25 =	simm.s32 $0x1B8E;
	s24 =	sld [smem:$0x3FFE];
	[sflag:s23] =	ssyncadd.s32 $0xFFFFFFFF  }
0xa5: {  	s26 =	simm.s32 $execute0_lowered;
	[smem:$0x3FD2] =	sst s25  }
0xa6: {  	s4 =	sshll.u32 s26, $0x1;
	_ =	strace $0x8000004F;
	[dreg:$0x1] =	wrdreg $0xFFFFFFFF  }
0xa7: {  	s28 =	simm.s32 $_size_execute0_lowered;
	s2 =	sadd.s32 s2, s4;
	[dreg:$0x0] =	wrdreg $0x0  }
0xa8: {  	s4 =	sshll.u32 s28, $0x1;
	[dreg:$0x2] =	wrdreg s2  }
0xa9: {  	[dreg:$0x3] =	wrdreg s4  }
0xaa: {  	[dreg:$0x4] =	wrdreg $0xC0  }
0xab: {  	_ =	task [dreg:s6], $0x5FFFF  }
0xac: {  	[dreg:$0x1] =	wrdreg $0xFFFFFFFF  }
0xad: {  	[dreg:$0x0] =	wrdreg $0x60  }
0xae: {  	[dreg:$0x2] =	wrdreg s24  }
0xaf: {  	[dreg:$0x3] =	wrdreg $0x61000  }
0xb0: {  	[dreg:$0x4] =	wrdreg $0x9  }
0xb1: {  	_ =	task.clear_ibuf [dreg:s6], $0x5FFFF;
	_ =	strace $0x9000004F  }
0xb2: {  	s29 =	simm.s32 $0x9;
	_ =	strace $0x80000051  }
0xb3: {  	_ =	swait.ge [sflag:s29], $0x1  }
0xb4: {  	[sflag:s29] =	ssyncadd.s32 $0xFFFFFFFF  }
0xb5: {  	_ =	strace $0x90000051  }
0xb6: {  	_ =	sfence  }
0xb7: {  	s30 =	sld [smem:$0x0];
	_ =	sdelay $0x2  }
0xb8: {  	s31 =	sshll.u32 s1, $0xD;
	s1 =	sshrl.u32 s1, $0x2  }
0xb9: {  	s3 =	sand.u32 $0x4000, s31;
	s1 =	sadd.s32 s1, s30  }
0xba: {  	s0 =	sor.u32 s3, s0;
	s1 =	sshll.u32 s1, $0x11  }
0xbb: {  	s0 =	sor.u32 s1, s0  }
0xbc: {  	s0 =	sadd.s32 $0x8F2B, s0  }
0xbd: {  	[sflag:s0] =	ssyncadd.remote.s32 $0x1  }
0xbe: {  	_ =	sfence.sel $0xFFFF  }
0xbf: {  	[dreg:$0x0] =	wrdreg $0xFFFFFFFF;
	(pc) =	sbr.abs _section_cstart, $3  }
0xc0: {  	[dreg:$0x1] =	wrdreg $0xFFFFFFFF  }
0xc1: {  	_ =	task.clear_ibuf [dreg:s6], $0x2FFFF;
	_ =	strace $0x9FFFFFFF  }
0xc2: {  	(tm) =	ssettm $0x7FFFFFFF  }
0xc3: {  	_ =	shalt  }
tec
execute0_lowered:
.L_overlay_start_1:
0x0: {  	(tag) =	ssettag $0x1  }
0x1: {  	s5 =	rddreg [dreg:$0x0];
	s0 =	stileid.u32  }
0x2: {  	s1 =	srdreg.scid;
	s2 =	rddreg [dreg:$0x1]  }
0x3: {  	s3 =	simm.s32 $0x0;
	s19 =	simm.s32 $0x4100;
	s20 =	simm.s32 $0x2  }
0x4: {  	s21 =	simm.s32 $0x80;
	s22 =	simm.s32 $0x100;
	s6 =	smul.u32 $0x9E0, s0  }
0x5: {  	s23 =	simm.s32 $0x1;
	s24 =	simm.s32 $0x0;
	s8 =	smul.u32 $0x2800, s0  }
0x6: {  	s11 =	sand.u32 $0x1, s1;
	s1 =	rddreg [dreg:$0x2];
	s9 =	smul.u32 $0x50000, s0  }
0x7: {  	[smem:$0x7FF] =	sst s3;
	s4 =	sadd.s32 $0x18000, s5;
	s7 =	smul.u32 $0x28000, s11  }
0x8: {  	_ =	strace $0x80000050;
	s30 =	ssub.s32 $0x2, s11;
	s17 =	smul.u32 $0x4F0, s11  }
0x9: {  	s16 =	sadd.s32 s6, s5;
	s31 =	sshrl.u32 s30, $0x1;
	s9 =	sshrl.u32 s9, $0x2  }
0xa: {  	s7 =	sadd.s32 s8, s7;
	s8 =	ssub.s32 s30, s31;
	s18 =	sadd.s32 s17, s16  }
0xb: {  	s7 =	sadd.s32 s7, s5;
	s5 =	sadd.s32 s9, s2;
	s17 =	sadd.s32 $0x4400, s18  }
0xc: {  	s18 =	sadd.s32 $0xE200, s18;
	s6 =	sadd.s32 $0x40000, s7;
	s7 =	smax.u32 s8, $0x1  }
0xd: {  	s8 =	sadd.s32 $0x2000, s5;
	s9 =	sadd.s32 $0x4000, s5;
	s10 =	sadd.s32 $0x6000, s5  }
0xe: {  	s11 =	sadd.s32 $0x8000, s5;
	s12 =	sadd.s32 $0xA000, s5;
	s13 =	sadd.s32 $0xC000, s5  }
0xf: {  	v0 =	vimm.f32 $0.0e+00;
	s14 =	sadd.s32 $0xE000, s5;
	s15 =	sadd.s32 $0x10000, s5;
	s16 =	sadd.s32 $0x12000, s5  }
.LBB2_1:
0x10: {  	s25 =	simm.s32 $0x0;
	s26 =	simm.s32 $0x200  }
.LBB2_2:
0x11: {  	p0 =	sne.s32 s26, $0x7E00;
	[tilespmem:s25+$0x4170] =	vst v0  }
0x12: {  	[tilespmem:s25+$0x4100] =	vst v0  }
0x13: {  	[tilespmem:s25+$0x4110] =	vst v0  }
.Ltmp0:
0x14: {  	[tilespmem:s25+$0x4120] =	vst v0;
	(pc) =	sbr.rel @p0 .LBB2_2-.Ltmp0, $4  }
0x15: {  	[tilespmem:s25+$0x4130] =	vst v0  }
0x16: {  	[tilespmem:s25+$0x4140] =	vst v0  }
0x17: {  	[tilespmem:s25+$0x4150] =	vst v0  }
0x18: {  	[tilespmem:s25+$0x4160] =	vst v0;
	s25 =	sshra.s32 s26, $0x2;
	s26 =	sadd.s32 $0x200, s26  }
0x19: {  	[tilespmem:s25+$0x4170] =	vst v0  }
0x1a: {  	[tilespmem:s25+$0x4100] =	vst v0  }
0x1b: {  	[tilespmem:s25+$0x4110] =	vst v0  }
0x1c: {  	[tilespmem:s25+$0x4120] =	vst v0  }
0x1d: {  	[tilespmem:s25+$0x4130] =	vst v0  }
0x1e: {  	[tilespmem:s25+$0x4140] =	vst v0  }
0x1f: {  	[tilespmem:s25+$0x4150] =	vst v0  }
0x20: {  	[tilespmem:s25+$0x4160] =	vst v0  }
0x21: {  	[spmem:s5] =	stream.linear.scatter [tilespmem:s19], [sflag:$0x2], $0x2000, $0x38;
	[tilespmem:$0x1A100] =	vst v63  }
0x22: {  	_ =	swait.ge [sflag:s20], $0x2000  }
0x23: {  	[sflag:s20] =	ssyncset.done $0x0  }
0x24: {  	[sflag:s20] =	ssyncadd.s32 $0xFFFFE000  }
0x25: {  	[spmem:s8] =	stream.linear.scatter [tilespmem:s19], [sflag:$0x2], $0x2000, $0x38;
	[tilespmem:$0x1A100] =	vst v63  }
0x26: {  	_ =	swait.ge [sflag:s20], $0x2000  }
0x27: {  	[sflag:s20] =	ssyncset.done $0x0  }
0x28: {  	[sflag:s20] =	ssyncadd.s32 $0xFFFFE000  }
0x29: {  	[spmem:s9] =	stream.linear.scatter [tilespmem:s19], [sflag:$0x2], $0x2000, $0x38;
	[tilespmem:$0x1A100] =	vst v63  }
0x2a: {  	_ =	swait.ge [sflag:s20], $0x2000  }
0x2b: {  	[sflag:s20] =	ssyncset.done $0x0  }
0x2c: {  	[sflag:s20] =	ssyncadd.s32 $0xFFFFE000  }
0x2d: {  	[spmem:s10] =	stream.linear.scatter [tilespmem:s19], [sflag:$0x2], $0x2000, $0x38;
	[tilespmem:$0x1A100] =	vst v63  }
0x2e: {  	_ =	swait.ge [sflag:s20], $0x2000  }
0x2f: {  	[sflag:s20] =	ssyncset.done $0x0  }
0x30: {  	[sflag:s20] =	ssyncadd.s32 $0xFFFFE000  }
0x31: {  	[spmem:s11] =	stream.linear.scatter [tilespmem:s19], [sflag:$0x2], $0x2000, $0x38;
	[tilespmem:$0x1A100] =	vst v63  }
0x32: {  	_ =	swait.ge [sflag:s20], $0x2000  }
0x33: {  	[sflag:s20] =	ssyncset.done $0x0  }
0x34: {  	[sflag:s20] =	ssyncadd.s32 $0xFFFFE000  }
0x35: {  	[spmem:s12] =	stream.linear.scatter [tilespmem:s19], [sflag:$0x2], $0x2000, $0x38;
	[tilespmem:$0x1A100] =	vst v63  }
0x36: {  	_ =	swait.ge [sflag:s20], $0x2000  }
0x37: {  	[sflag:s20] =	ssyncset.done $0x0  }
0x38: {  	[sflag:s20] =	ssyncadd.s32 $0xFFFFE000  }
0x39: {  	[spmem:s13] =	stream.linear.scatter [tilespmem:s19], [sflag:$0x2], $0x2000, $0x38;
	[tilespmem:$0x1A100] =	vst v63  }
0x3a: {  	_ =	swait.ge [sflag:s20], $0x2000  }
0x3b: {  	[sflag:s20] =	ssyncset.done $0x0  }
0x3c: {  	[sflag:s20] =	ssyncadd.s32 $0xFFFFE000  }
0x3d: {  	[spmem:s14] =	stream.linear.scatter [tilespmem:s19], [sflag:$0x2], $0x2000, $0x38;
	[tilespmem:$0x1A100] =	vst v63  }
0x3e: {  	_ =	swait.ge [sflag:s20], $0x2000  }
0x3f: {  	[sflag:s20] =	ssyncset.done $0x0  }
0x40: {  	[sflag:s20] =	ssyncadd.s32 $0xFFFFE000  }
0x41: {  	[spmem:s15] =	stream.linear.scatter [tilespmem:s19], [sflag:$0x2], $0x2000, $0x38;
	[tilespmem:$0x1A100] =	vst v63  }
0x42: {  	_ =	swait.ge [sflag:s20], $0x2000  }
0x43: {  	[sflag:s20] =	ssyncset.done $0x0  }
0x44: {  	[sflag:s20] =	ssyncadd.s32 $0xFFFFE000  }
0x45: {  	[spmem:s16] =	stream.linear.scatter [tilespmem:s19], [sflag:$0x2], $0x2000, $0x38;
	[tilespmem:$0x1A100] =	vst v63  }
0x46: {  	_ =	swait.ge [sflag:s20], $0x2000  }
0x47: {  	[sflag:s20] =	ssyncset.done $0x0  }
0x48: {  	[sflag:s20] =	ssyncadd.s32 $0xFFFFE000  }
0x49: {  	s30 =	sadd.s32 $0x0, s18;
	[bflag:$0x0] =	sbarrier.arrive $0xFFFF  }
0x4a: {  	[tilespmem:s3], [sflag:$0x2] =	stream.linear.gather [hbm4b:s30+s3], $0x80, $0x38;
	[tilespmem:$0x1A100] =	vst v63  }
0x4b: {  	_ =	swait.ge [sflag:s20], $0x80  }
0x4c: {  	[sflag:s20] =	ssyncset.done $0x0  }
0x4d: {  	s31 =	sadd.s32 $0x0, s17;
	[sflag:s20] =	ssyncadd.s32 $0xFFFFFF80  }
0x4e: {  	[tilespmem:s21], [sflag:$0x2] =	stream.linear.gather [hbm4b:s31+s3], $0x80, $0x38;
	[tilespmem:$0x1A100] =	vst v63  }
0x4f: {  	_ =	swait.ge [sflag:s20], $0x80  }
0x50: {  	[sflag:s20] =	ssyncset.done $0x0  }
0x51: {  	[sflag:s20] =	ssyncadd.s32 $0xFFFFFF80  }
0x52: {  	[tilespmem:s22], [sflag:$0x1] =	stream.indirect.gather [hbm4b:s4+s21], $0x80, s3, s21, $0xb8;
	[tilespmem:$0x1A100] =	vst v63  }
0x53: {  	_ =	swait.ge [sflag:s23], $0x4000  }
0x54: {  	[sflag:s23] =	ssyncset.done $0x0  }
0x55: {  	[sflag:s23] =	ssyncadd.s32 $0xFFFFC000  }
0x56: {  	[spmem:s2] =	stream.indirect.scatter.add.f32 [tilespmem:s22], [sflag:$0x2], $0x80, s21, s21, $0xb8;
	[tilespmem:$0x1A100] =	vst v63  }
0x57: {  	_ =	swait.ge [sflag:s20], $0x4000  }
0x58: {  	s25 =	simm.s32 $0x10;
	s26 =	simm.s32 $0x20;
	[sflag:s20] =	ssyncset.done $0x0  }
.LBB2_4:
0x59: {  	s28 =	sadd.s32 s25, s18  }
0x5a: {  	[sflag:s20] =	ssyncadd.s32 $0xFFFFC000;
	s29 =	smov.u32 s26;
	s30 =	sadd.s32 $0x10, s26  }
0x5b: {  	[tilespmem:s3], [sflag:$0x2] =	stream.linear.gather [hbm4b:s28+s3], $0x80, $0x38;
	[tilespmem:$0x1A100] =	vst v63  }
0x5c: {  	p0 =	sne.s32 s26, $0x4E0;
	_ =	swait.ge [sflag:s20], $0x80  }
0x5d: {  	[sflag:s20] =	ssyncset.done $0x0  }
0x5e: {  	s26 =	sadd.s32 s25, s17;
	s25 =	smov.u32 s29;
	[sflag:s20] =	ssyncadd.s32 $0xFFFFFF80  }
0x5f: {  	[tilespmem:s21], [sflag:$0x2] =	stream.linear.gather [hbm4b:s26+s3], $0x80, $0x38;
	[tilespmem:$0x1A100] =	vst v63  }
0x60: {  	_ =	swait.ge [sflag:s20], $0x80  }
0x61: {  	[sflag:s20] =	ssyncset.done $0x0  }
0x62: {  	[sflag:s20] =	ssyncadd.s32 $0xFFFFFF80  }
0x63: {  	[tilespmem:s22], [sflag:$0x1] =	stream.indirect.gather [hbm4b:s4+s21], $0x80, s3, s21, $0xb8;
	[tilespmem:$0x1A100] =	vst v63  }
0x64: {  	_ =	swait.ge [sflag:s23], $0x4000  }
.Ltmp1:
0x65: {  	[sflag:s23] =	ssyncset.done $0x0;
	(pc) =	sbr.rel @p0 .LBB2_4-.Ltmp1, $4  }
0x66: {  	[sflag:s23] =	ssyncadd.s32 $0xFFFFC000  }
0x67: {  	[spmem:s2] =	stream.indirect.scatter.add.f32 [tilespmem:s22], [sflag:$0x2], $0x80, s21, s21, $0xb8;
	[tilespmem:$0x1A100] =	vst v63  }
0x68: {  	_ =	swait.ge [sflag:s20], $0x4000  }
0x69: {  	s26 =	smov.u32 s30;
	[sflag:s20] =	ssyncset.done $0x0  }
0x6a: {  	s26 =	sadd.s32 s25, s18;
	[sflag:s20] =	ssyncadd.s32 $0xFFFFC000  }
0x6b: {  	[tilespmem:s3], [sflag:$0x2] =	stream.linear.gather [hbm4b:s26+s3], $0x80, $0x38;
	[tilespmem:$0x1A100] =	vst v63  }
0x6c: {  	_ =	swait.ge [sflag:s20], $0x80  }
0x6d: {  	[sflag:s20] =	ssyncset.done $0x0  }
0x6e: {  	s29 =	sadd.s32 s25, s17;
	[sflag:s20] =	ssyncadd.s32 $0xFFFFFF80  }
0x6f: {  	[tilespmem:s21], [sflag:$0x2] =	stream.linear.gather [hbm4b:s29+s3], $0x80, $0x38;
	[tilespmem:$0x1A100] =	vst v63  }
0x70: {  	_ =	swait.ge [sflag:s20], $0x80  }
0x71: {  	[sflag:s20] =	ssyncset.done $0x0  }
0x72: {  	[sflag:s20] =	ssyncadd.s32 $0xFFFFFF80  }
0x73: {  	[tilespmem:s22], [sflag:$0x1] =	stream.indirect.gather [hbm4b:s4+s21], $0x80, s3, s21, $0xb8;
	[tilespmem:$0x1A100] =	vst v63  }
0x74: {  	_ =	swait.ge [sflag:s23], $0x4000  }
0x75: {  	[sflag:s23] =	ssyncset.done $0x0  }
0x76: {  	[sflag:s23] =	ssyncadd.s32 $0xFFFFC000  }
0x77: {  	[spmem:s2] =	stream.indirect.scatter.add.f32 [tilespmem:s22], [sflag:$0x2], $0x80, s21, s21, $0xb8;
	[tilespmem:$0x1A100] =	vst v63  }
0x78: {  	_ =	swait.ge [sflag:s20], $0x4000  }
0x79: {  	s30 =	sshll.u32 s0, $0x6;
	s24 =	sadd.s32 $0x1, s24;
	[sflag:s20] =	ssyncset.done $0x0  }
0x7a: {  	s31 =	sshrl.u32 s5, $0x3;
	p0 =	sne.s32 s24, s7;
	[sflag:s20] =	ssyncadd.s32 $0xFFFFC000  }
.Ltmp2:
0x7b: {  	s25 =	sor.u32 $0x1C02, s30;
	[bflag:$0x0] =	sbarrier.arrive $0xFFFF;
	(pc) =	sbr.rel @p0 .LBB2_1-.Ltmp2, $4  }
0x7c: {  	[hbm:s6], [sflag:s25] =	dma.local [spmem:s31], $0x2800  }
0x7d: {  	_ =	swait.ge [sflag:s20], $0x2800  }
0x7e: {  	[sflag:s20] =	ssyncset.done $0x0  }
0x7f: {  	[sflag:s20] =	ssyncadd.s32 $0xFFFFD800  }
0x80: {  	_ =	sfence.sel $0x180000  }
0x81: {  	[bflag:$0x0] =	sbarrier.arrive $0xFFFF  }
0x82: {  	p0 =	sne.s32 s0, $0x0;
	_ =	strace $0x90000050  }
0x83: {  	s0 =	sadd.s32 @!p0 $0x100000, s1;
	[bflag:$0x2] =	sbarrier.arrive $0xFFFF  }
0x84: {  	[sflag:s0] =	ssyncadd.tile.s32 @!p0 $0x1;
	_ =	shalt  }
.Lfunc_end2:
_tile_overlayer_lowered:
.L_overlay_start_2:
0x85: {  	(tag) =	ssettag $0x2  }
0x86: {  	s0 =	rddreg [dreg:$0x0];
	s2 =	stileid.u32  }
0x87: {  	s1 =	rddreg [dreg:$0x1];
	p0 =	sne.s32 s2, $0x0  }
0x88: {  	s3 =	rddreg [dreg:$0x2];
	[bflag:$0x3] =	sbarrier.arrive $0xFFFF;
	s2 =	simm.s32 @!p0 $0x1C02  }
0x89: {  	[timem:s3], [sflag:s2] =	dma.local @!p0 [hbm:s0], s1  }
0x8a: {  	s0 =	simm.s32 @!p0 $0x2  }
0x8b: {  	_ =	swait.ge @!p0 [sflag:s0], s1  }
0x8c: {  	s1 =	ssub.s32 @!p0 $0x0, s1;
	[sflag:s0] =	ssyncset.done @!p0 $0x0  }
0x8d: {  	[sflag:s0] =	ssyncadd.s32 @!p0 s1  }
0x8e: {  	[bflag:$0x3] =	sbarrier.arrive $0xFFFF  }
0x8f: {  	_ =	shalt  }

// kernel: kernel.28.cloned.1.call-start
scs
__scs_entry_jumppad:
0x0: {  	(pc) =	sbr.rel $0x88, $3  }
0x1: {  	(tag) =	ssettag $0x0;
	lr =	simm.s32 $0x1  }
0x2: {  	[smem:$0x3F97] =	sst lr;
	_ =	strace $0xD0000000  }
0x3: {  	_ = 	snop  }
0x4: {  	_ = 	snop  }
0x5: {  	_ = 	snop  }
0x6: {  	_ = 	snop  }
0x7: {  	_ = 	snop  }
__scs_overlays_trampoline_lowered:
0x8: {  	[smem:$0x3FA6] =	sst s0  }
0x9: {  	[smem:$0x3FA7] =	sst s1  }
0xa: {  	[smem:$0x3FA8] =	sst s2  }
0xb: {  	[smem:$0x3FA9] =	sst s3  }
0xc: {  	[smem:$0x3FAA] =	sst s4  }
0xd: {  	[smem:$0x3FAB] =	sst s5  }
0xe: {  	[smem:$0x3FAC] =	sst s6  }
0xf: {  	[smem:$0x3FAD] =	sst s7  }
0x10: {  	[smem:$0x3FAE] =	sst s8  }
0x11: {  	[smem:$0x3FAF] =	sst s9;
	s0 =	simm.s32 @!p0 $0x0  }
0x12: {  	s1 =	sld [smem:$0x3F95];
	s0 =	simm.s32 @p0 $0x1  }
0x13: {  	[smem:$0x3FB0] =	sst s0;
	s0 =	simm.s32 @!p1 $0x0  }
0x14: {  	s2 =	sld [smem:$0x3F94];
	s0 =	simm.s32 @p1 $0x1  }
0x15: {  	[smem:$0x3FB1] =	sst s0;
	s0 =	simm.s32 @!p2 $0x0  }
0x16: {  	s3 =	sld [smem:$0x3FDB];
	s0 =	simm.s32 @p2 $0x1  }
0x17: {  	s4 =	simm.s32 $0x1BF5;
	[smem:$0x3FB3] =	sst s0  }
0x18: {  	s0 =	sld [smem:$0x3F96];
	_ =	swait.ge [sflag:s4], $0x0  }
0x19: {  	s7 =	sld [smem:$0x3F97]  }
0x1a: {  	s8 =	sadd.s32 $0xFFFFE003, lr  }
0x1b: {  	s9 =	sadd.s32 $0xFFFFFEF7, lr;
	s5 =	simm.s32 $0xFFFFFFFF;
	p2 =	slt.u32 s8, $0xFFFFF086  }
0x1c: {  	p1 =	slt.u32 s9, $0xF7A;
	s5 =	simm.s32 @!p2 $0x0  }
0x1d: {  	s5 =	simm.s32 @p1 $0x1;
	p0 =	seq.s32 s7, s2  }
0x1e: {  	s7 =	smul.u32 @!p0 $0xF7A, s2;
	p2 =	seq.s32 @!p0 s5, $0x0  }
0x1f: {  	s9 =	smul.u32 $0xF7A, s1;
	s8 =	simm.s32 @!p0 $0x1BF5;
	p2 =	por !p2, p0  }
0x20: {  	[sflag:s8] =	ssyncset.s32 @!p0 $0xFFFFF086;
	s6 =	sadd.s32 @!p0 s3, s7;
	s7 =	simm.s32 @!p0 $0x108  }
0x21: {  	s3 =	sadd.s32 s3, s9;
	s6 =	sadd.s32 @!p0 $0x88, s6;
	s7 =	simm.s32 @p2 $0x1082  }
0x22: {  	[simem:s7], [sflag:s8] =	dma.local @!p0 [hbm:s6], $0xF7A  }
0x23: {  	s9 =	sor.u32 $0xD0000000, s2;
	s6 =	simm.s32 $0x108;
	_ =	swait.ge @!p0 [sflag:s8], $0x0  }
0x24: {  	s3 =	sadd.s32 $0x88, s3;
	s6 =	simm.s32 @!p1 $0x1082;
	[sflag:s4] =	ssyncset.s32 $0xFFFFF086  }
0x25: {  	[simem:s6], [sflag:s4] =	dma.local [hbm:s3], $0xF7A  }
0x26: {  	[smem:$0x3F97] =	sst s1;
	(tag) =	ssettag s2;
	_ =	strace s9  }
0x27: {  	s1 =	sld [smem:$0x3FA7]  }
0x28: {  	s2 =	sld [smem:$0x3FA8]  }
0x29: {  	s4 =	sld [smem:$0x3FAA]  }
0x2a: {  	p0 =	seq.s32 s5, $0x0;
	s5 =	sld [smem:$0x3FAB]  }
0x2b: {  	s6 =	sld [smem:$0x3FAC]  }
0x2c: {  	s7 =	sld [smem:$0x3FAD]  }
0x2d: {  	s3 =	simm.s32 $0x108;
	s8 =	sld [smem:$0x3FAE]  }
0x2e: {  	s3 =	simm.s32 @!p0 $0x1082;
	s9 =	sld [smem:$0x3FAF]  }
0x2f: {  	lr =	sadd.s32 s0, s3;
	s0 =	sld [smem:$0x3FA6]  }
0x30: {  	s3 =	sld [smem:$0x3FA9]  }
0x31: {  	[smem:$0x3FB2] =	sst s10  }
0x32: {  	s10 =	sld [smem:$0x3FB0];
	_ =	sdelay $0x3  }
0x33: {  	p0 =	seq.s32 s10, $0x1;
	s10 =	sld [smem:$0x3FB2];
	_ =	sdelay $0x3  }
0x34: {  	[smem:$0x3FB2] =	sst s10  }
0x35: {  	s10 =	sld [smem:$0x3FB1];
	_ =	sdelay $0x3  }
0x36: {  	p1 =	seq.s32 s10, $0x1;
	s10 =	sld [smem:$0x3FB2];
	_ =	sdelay $0x3  }
0x37: {  	[smem:$0x3FB2] =	sst s10  }
0x38: {  	s10 =	sld [smem:$0x3FB3]  }
0x39: {  	_ = 	snop;
	(pc) =	sbr.ind lr, $3  }
0x3a: {  	_ = 	snop  }
0x3b: {  	_ = 	snop  }
0x3c: {  	p2 =	seq.s32 s10, $0x1;
	s10 =	sld [smem:$0x3FB2]  }
0x3d: {  	_ =	shalt  }
0x3e: {  	_ =	shalt  }
0x3f: {  	_ =	shalt  }
0x40: {  	_ =	shalt  }
0x41: {  	_ =	shalt  }
0x42: {  	_ =	shalt  }
0x43: {  	_ =	shalt  }
0x44: {  	_ =	shalt  }
0x45: {  	_ =	shalt  }
0x46: {  	_ =	shalt  }
0x47: {  	_ =	shalt  }
0x48: {  	_ =	shalt  }
0x49: {  	_ =	shalt  }
0x4a: {  	_ =	shalt  }
0x4b: {  	_ =	shalt  }
0x4c: {  	_ =	shalt  }
0x4d: {  	_ =	shalt  }
0x4e: {  	_ =	shalt  }
0x4f: {  	_ =	shalt  }
0x50: {  	_ =	shalt  }
0x51: {  	_ =	shalt  }
0x52: {  	_ =	shalt  }
0x53: {  	_ =	shalt  }
0x54: {  	_ =	shalt  }
0x55: {  	_ =	shalt  }
0x56: {  	_ =	shalt  }
0x57: {  	_ =	shalt  }
0x58: {  	_ =	shalt  }
0x59: {  	_ =	shalt  }
0x5a: {  	_ =	shalt  }
0x5b: {  	_ =	shalt  }
0x5c: {  	_ =	shalt  }
0x5d: {  	_ =	shalt  }
0x5e: {  	_ =	shalt  }
0x5f: {  	_ =	shalt  }
0x60: {  	_ =	shalt  }
0x61: {  	_ =	shalt  }
0x62: {  	_ =	shalt  }
0x63: {  	_ =	shalt  }
0x64: {  	_ =	shalt  }
0x65: {  	_ =	shalt  }
0x66: {  	_ =	shalt  }
0x67: {  	_ =	shalt  }
0x68: {  	_ =	shalt  }
0x69: {  	_ =	shalt  }
0x6a: {  	_ =	shalt  }
0x6b: {  	_ =	shalt  }
0x6c: {  	_ =	shalt  }
0x6d: {  	_ =	shalt  }
0x6e: {  	_ =	shalt  }
0x6f: {  	_ =	shalt  }
0x70: {  	_ =	shalt  }
0x71: {  	_ =	shalt  }
0x72: {  	_ =	shalt  }
0x73: {  	_ =	shalt  }
0x74: {  	_ =	shalt  }
0x75: {  	_ =	shalt  }
0x76: {  	_ =	shalt  }
0x77: {  	_ =	shalt  }
0x78: {  	_ =	shalt  }
0x79: {  	_ =	shalt  }
0x7a: {  	_ =	shalt  }
0x7b: {  	_ =	shalt  }
0x7c: {  	_ =	shalt  }
0x7d: {  	_ =	shalt  }
0x7e: {  	_ =	shalt  }
0x7f: {  	_ =	shalt  }
0x80: {  	_ =	shalt  }
0x81: {  	_ =	shalt  }
0x82: {  	_ =	shalt  }
0x83: {  	_ =	shalt  }
0x84: {  	_ =	shalt  }
0x85: {  	_ =	shalt  }
0x86: {  	_ =	shalt  }
0x87: {  	_ =	shalt  }
.Lfunc_end0:
.L_simem_size_0:
called_computation.4_lowered:
.L_overlay_start_0:
0x88: {  	s2 =	sld [smem:$0x3FD9]  }
0x89: {  	s3 =	sld [smem:$0x3FFE];
	_ =	sdelay $0x1  }
0x8a: {  	s1 =	srdreg.scid  }
0x8b: {  	s0 =	sand.u32 $0x1, s1  }
0x8c: {  	s16 =	sshll.u32 s0, $0xA;
	s2 =	sadd.s32 s3, s2  }
0x8d: {  	s2 =	sadd.s32 s2, s16  }
0x8e: {  	[smem:$0x3FBE] =	sst s2  }
0x8f: {  	_ = 	snop  }
0x90: {  	(tm) =	ssettm $0x1  }
0x91: {  	s17 =	sld [smem:$0x3FFB];
	_ =	sdelay $0x3  }
0x92: {  	_ =	strace s17  }
0x93: {  	s2 =	sld [smem:$0x3FFC];
	_ =	sdelay $0x3  }
0x94: {  	_ =	strace s2  }
0x95: {  	s2 =	sld [smem:$0x3FFD];
	_ =	sdelay $0x3  }
0x96: {  	_ =	strace s2  }
0x97: {  	_ =	strace $0x8FFFFFFF  }
0x98: {  	s18 =	sld [smem:$0x3FDB];
	_ =	sdelay $0x1  }
0x99: {  	s19 =	simm.s32 $_scs_section_size  }
0x9a: {  	s4 =	simm.s32 $_size__tile_overlayer_lowered;
	s5 =	simm.s32 $_tile_overlayer_lowered  }
0x9b: {  	s22 =	simm.s32 $0x1BFF;
	s21 =	sshll.u32 s5, $0x1;
	s2 =	sadd.s32 s19, s18  }
0x9c: {  	s6 =	simm.s32 $0x0;
	s20 =	sshll.u32 s4, $0x1;
	s4 =	sadd.s32 s21, s2  }
0x9d: {  	[timem:s6], [sflag:s22] =	dma.local [hbm:s4], s20  }
0x9e: {  	_ =	swait.ge [sflag:s22], s20  }
0x9f: {  	s3 =	ssub.s32 $0x0, s20;
	[sflag:s22] =	ssyncset.done $0x0  }
0xa0: {  	[sflag:s22] =	ssyncadd.s32 s3;
	_ =	sdelay $0x1  }
0xa1: {  	s23 =	simm.s32 $0x1B8B  }
0xa2: {  	_ =	swait.ge [sflag:s23], $0x1  }
0xa3: {  	[sflag:s23] =	ssyncset.done $0x0  }
0xa4: {  	s25 =	simm.s32 $0x1B8E;
	s24 =	sld [smem:$0x3FFE];
	[sflag:s23] =	ssyncadd.s32 $0xFFFFFFFF  }
0xa5: {  	s26 =	simm.s32 $execute0_lowered;
	[smem:$0x3FD2] =	sst s25  }
0xa6: {  	s4 =	sshll.u32 s26, $0x1;
	_ =	strace $0x80000052;
	[dreg:$0x1] =	wrdreg $0xFFFFFFFF  }
0xa7: {  	s28 =	simm.s32 $_size_execute0_lowered;
	s2 =	sadd.s32 s2, s4;
	[dreg:$0x0] =	wrdreg $0x0  }
0xa8: {  	s4 =	sshll.u32 s28, $0x1;
	[dreg:$0x2] =	wrdreg s2  }
0xa9: {  	[dreg:$0x3] =	wrdreg s4  }
0xaa: {  	[dreg:$0x4] =	wrdreg $0xC0  }
0xab: {  	_ =	task [dreg:s6], $0x5FFFF  }
0xac: {  	[dreg:$0x1] =	wrdreg $0xFFFFFFFF  }
0xad: {  	[dreg:$0x0] =	wrdreg $0x60  }
0xae: {  	[dreg:$0x2] =	wrdreg s24  }
0xaf: {  	[dreg:$0x3] =	wrdreg $0x61000  }
0xb0: {  	[dreg:$0x4] =	wrdreg $0x9  }
0xb1: {  	_ =	task.clear_ibuf [dreg:s6], $0x5FFFF;
	_ =	strace $0x90000052  }
0xb2: {  	s29 =	simm.s32 $0x9;
	_ =	strace $0x80000054  }
0xb3: {  	_ =	swait.ge [sflag:s29], $0x1  }
0xb4: {  	[sflag:s29] =	ssyncadd.s32 $0xFFFFFFFF  }
0xb5: {  	_ =	strace $0x90000054  }
0xb6: {  	_ =	sfence  }
0xb7: {  	s30 =	sld [smem:$0x0];
	_ =	sdelay $0x2  }
0xb8: {  	s31 =	sshll.u32 s1, $0xD;
	s1 =	sshrl.u32 s1, $0x2  }
0xb9: {  	s3 =	sand.u32 $0x4000, s31;
	s1 =	sadd.s32 s1, s30  }
0xba: {  	s0 =	sor.u32 s3, s0;
	s1 =	sshll.u32 s1, $0x11  }
0xbb: {  	s0 =	sor.u32 s1, s0  }
0xbc: {  	s0 =	sadd.s32 $0x8F2B, s0  }
0xbd: {  	[sflag:s0] =	ssyncadd.remote.s32 $0x1  }
0xbe: {  	_ =	sfence.sel $0xFFFF  }
0xbf: {  	[dreg:$0x0] =	wrdreg $0xFFFFFFFF;
	(pc) =	sbr.abs _section_cstart, $3  }
0xc0: {  	[dreg:$0x1] =	wrdreg $0xFFFFFFFF  }
0xc1: {  	_ =	task.clear_ibuf [dreg:s6], $0x2FFFF;
	_ =	strace $0x9FFFFFFF  }
0xc2: {  	(tm) =	ssettm $0x7FFFFFFF  }
0xc3: {  	_ =	shalt  }
tec
execute0_lowered:
.L_overlay_start_1:
0x0: {  	(tag) =	ssettag $0x1  }
0x1: {  	s5 =	rddreg [dreg:$0x0];
	s0 =	stileid.u32  }
0x2: {  	s1 =	srdreg.scid;
	s2 =	rddreg [dreg:$0x1]  }
0x3: {  	s3 =	simm.s32 $0x0;
	s19 =	simm.s32 $0x4100;
	s20 =	simm.s32 $0x2  }
0x4: {  	s21 =	simm.s32 $0x80;
	s22 =	simm.s32 $0x100;
	s6 =	smul.u32 $0x9E0, s0  }
0x5: {  	s23 =	simm.s32 $0x1;
	s24 =	simm.s32 $0x0;
	s8 =	smul.u32 $0x2800, s0  }
0x6: {  	s11 =	sand.u32 $0x1, s1;
	s1 =	rddreg [dreg:$0x2];
	s9 =	smul.u32 $0x50000, s0  }
0x7: {  	[smem:$0x7FF] =	sst s3;
	s4 =	sadd.s32 $0x18000, s5;
	s7 =	smul.u32 $0x28000, s11  }
0x8: {  	_ =	strace $0x80000053;
	s30 =	ssub.s32 $0x2, s11;
	s17 =	smul.u32 $0x4F0, s11  }
0x9: {  	s16 =	sadd.s32 s6, s5;
	s31 =	sshrl.u32 s30, $0x1;
	s9 =	sshrl.u32 s9, $0x2  }
0xa: {  	s7 =	sadd.s32 s8, s7;
	s8 =	ssub.s32 s30, s31;
	s18 =	sadd.s32 s17, s16  }
0xb: {  	s7 =	sadd.s32 s7, s5;
	s5 =	sadd.s32 s9, s2;
	s17 =	sadd.s32 $0x4400, s18  }
0xc: {  	s18 =	sadd.s32 $0xE200, s18;
	s6 =	sadd.s32 $0x40000, s7;
	s7 =	smax.u32 s8, $0x1  }
0xd: {  	s8 =	sadd.s32 $0x2000, s5;
	s9 =	sadd.s32 $0x4000, s5;
	s10 =	sadd.s32 $0x6000, s5  }
0xe: {  	s11 =	sadd.s32 $0x8000, s5;
	s12 =	sadd.s32 $0xA000, s5;
	s13 =	sadd.s32 $0xC000, s5  }
0xf: {  	v0 =	vimm.f32 $0.0e+00;
	s14 =	sadd.s32 $0xE000, s5;
	s15 =	sadd.s32 $0x10000, s5;
	s16 =	sadd.s32 $0x12000, s5  }
.LBB2_1:
0x10: {  	s25 =	simm.s32 $0x0;
	s26 =	simm.s32 $0x200  }
.LBB2_2:
0x11: {  	p0 =	sne.s32 s26, $0x7E00;
	[tilespmem:s25+$0x4170] =	vst v0  }
0x12: {  	[tilespmem:s25+$0x4100] =	vst v0  }
0x13: {  	[tilespmem:s25+$0x4110] =	vst v0  }
.Ltmp0:
0x14: {  	[tilespmem:s25+$0x4120] =	vst v0;
	(pc) =	sbr.rel @p0 .LBB2_2-.Ltmp0, $4  }
0x15: {  	[tilespmem:s25+$0x4130] =	vst v0  }
0x16: {  	[tilespmem:s25+$0x4140] =	vst v0  }
0x17: {  	[tilespmem:s25+$0x4150] =	vst v0  }
0x18: {  	[tilespmem:s25+$0x4160] =	vst v0;
	s25 =	sshra.s32 s26, $0x2;
	s26 =	sadd.s32 $0x200, s26  }
0x19: {  	[tilespmem:s25+$0x4170] =	vst v0  }
0x1a: {  	[tilespmem:s25+$0x4100] =	vst v0  }
0x1b: {  	[tilespmem:s25+$0x4110] =	vst v0  }
0x1c: {  	[tilespmem:s25+$0x4120] =	vst v0  }
0x1d: {  	[tilespmem:s25+$0x4130] =	vst v0  }
0x1e: {  	[tilespmem:s25+$0x4140] =	vst v0  }
0x1f: {  	[tilespmem:s25+$0x4150] =	vst v0  }
0x20: {  	[tilespmem:s25+$0x4160] =	vst v0  }
0x21: {  	[spmem:s5] =	stream.linear.scatter [tilespmem:s19], [sflag:$0x2], $0x2000, $0x38;
	[tilespmem:$0x1A100] =	vst v63  }
0x22: {  	_ =	swait.ge [sflag:s20], $0x2000  }
0x23: {  	[sflag:s20] =	ssyncset.done $0x0  }
0x24: {  	[sflag:s20] =	ssyncadd.s32 $0xFFFFE000  }
0x25: {  	[spmem:s8] =	stream.linear.scatter [tilespmem:s19], [sflag:$0x2], $0x2000, $0x38;
	[tilespmem:$0x1A100] =	vst v63  }
0x26: {  	_ =	swait.ge [sflag:s20], $0x2000  }
0x27: {  	[sflag:s20] =	ssyncset.done $0x0  }
0x28: {  	[sflag:s20] =	ssyncadd.s32 $0xFFFFE000  }
0x29: {  	[spmem:s9] =	stream.linear.scatter [tilespmem:s19], [sflag:$0x2], $0x2000, $0x38;
	[tilespmem:$0x1A100] =	vst v63  }
0x2a: {  	_ =	swait.ge [sflag:s20], $0x2000  }
0x2b: {  	[sflag:s20] =	ssyncset.done $0x0  }
0x2c: {  	[sflag:s20] =	ssyncadd.s32 $0xFFFFE000  }
0x2d: {  	[spmem:s10] =	stream.linear.scatter [tilespmem:s19], [sflag:$0x2], $0x2000, $0x38;
	[tilespmem:$0x1A100] =	vst v63  }
0x2e: {  	_ =	swait.ge [sflag:s20], $0x2000  }
0x2f: {  	[sflag:s20] =	ssyncset.done $0x0  }
0x30: {  	[sflag:s20] =	ssyncadd.s32 $0xFFFFE000  }
0x31: {  	[spmem:s11] =	stream.linear.scatter [tilespmem:s19], [sflag:$0x2], $0x2000, $0x38;
	[tilespmem:$0x1A100] =	vst v63  }
0x32: {  	_ =	swait.ge [sflag:s20], $0x2000  }
0x33: {  	[sflag:s20] =	ssyncset.done $0x0  }
0x34: {  	[sflag:s20] =	ssyncadd.s32 $0xFFFFE000  }
0x35: {  	[spmem:s12] =	stream.linear.scatter [tilespmem:s19], [sflag:$0x2], $0x2000, $0x38;
	[tilespmem:$0x1A100] =	vst v63  }
0x36: {  	_ =	swait.ge [sflag:s20], $0x2000  }
0x37: {  	[sflag:s20] =	ssyncset.done $0x0  }
0x38: {  	[sflag:s20] =	ssyncadd.s32 $0xFFFFE000  }
0x39: {  	[spmem:s13] =	stream.linear.scatter [tilespmem:s19], [sflag:$0x2], $0x2000, $0x38;
	[tilespmem:$0x1A100] =	vst v63  }
0x3a: {  	_ =	swait.ge [sflag:s20], $0x2000  }
0x3b: {  	[sflag:s20] =	ssyncset.done $0x0  }
0x3c: {  	[sflag:s20] =	ssyncadd.s32 $0xFFFFE000  }
0x3d: {  	[spmem:s14] =	stream.linear.scatter [tilespmem:s19], [sflag:$0x2], $0x2000, $0x38;
	[tilespmem:$0x1A100] =	vst v63  }
0x3e: {  	_ =	swait.ge [sflag:s20], $0x2000  }
0x3f: {  	[sflag:s20] =	ssyncset.done $0x0  }
0x40: {  	[sflag:s20] =	ssyncadd.s32 $0xFFFFE000  }
0x41: {  	[spmem:s15] =	stream.linear.scatter [tilespmem:s19], [sflag:$0x2], $0x2000, $0x38;
	[tilespmem:$0x1A100] =	vst v63  }
0x42: {  	_ =	swait.ge [sflag:s20], $0x2000  }
0x43: {  	[sflag:s20] =	ssyncset.done $0x0  }
0x44: {  	[sflag:s20] =	ssyncadd.s32 $0xFFFFE000  }
0x45: {  	[spmem:s16] =	stream.linear.scatter [tilespmem:s19], [sflag:$0x2], $0x2000, $0x38;
	[tilespmem:$0x1A100] =	vst v63  }
0x46: {  	_ =	swait.ge [sflag:s20], $0x2000  }
0x47: {  	[sflag:s20] =	ssyncset.done $0x0  }
0x48: {  	[sflag:s20] =	ssyncadd.s32 $0xFFFFE000  }
0x49: {  	s30 =	sadd.s32 $0x0, s18;
	[bflag:$0x0] =	sbarrier.arrive $0xFFFF  }
0x4a: {  	[tilespmem:s3], [sflag:$0x2] =	stream.linear.gather [hbm4b:s30+s3], $0x80, $0x38;
	[tilespmem:$0x1A100] =	vst v63  }
0x4b: {  	_ =	swait.ge [sflag:s20], $0x80  }
0x4c: {  	[sflag:s20] =	ssyncset.done $0x0  }
0x4d: {  	s31 =	sadd.s32 $0x0, s17;
	[sflag:s20] =	ssyncadd.s32 $0xFFFFFF80  }
0x4e: {  	[tilespmem:s21], [sflag:$0x2] =	stream.linear.gather [hbm4b:s31+s3], $0x80, $0x38;
	[tilespmem:$0x1A100] =	vst v63  }
0x4f: {  	_ =	swait.ge [sflag:s20], $0x80  }
0x50: {  	[sflag:s20] =	ssyncset.done $0x0  }
0x51: {  	[sflag:s20] =	ssyncadd.s32 $0xFFFFFF80  }
0x52: {  	[tilespmem:s22], [sflag:$0x1] =	stream.indirect.gather [hbm4b:s4+s21], $0x80, s3, s21, $0xb8;
	[tilespmem:$0x1A100] =	vst v63  }
0x53: {  	_ =	swait.ge [sflag:s23], $0x4000  }
0x54: {  	[sflag:s23] =	ssyncset.done $0x0  }
0x55: {  	[sflag:s23] =	ssyncadd.s32 $0xFFFFC000  }
0x56: {  	[spmem:s2] =	stream.indirect.scatter.add.f32 [tilespmem:s22], [sflag:$0x2], $0x80, s21, s21, $0xb8;
	[tilespmem:$0x1A100] =	vst v63  }
0x57: {  	_ =	swait.ge [sflag:s20], $0x4000  }
0x58: {  	s25 =	simm.s32 $0x10;
	s26 =	simm.s32 $0x20;
	[sflag:s20] =	ssyncset.done $0x0  }
.LBB2_4:
0x59: {  	s28 =	sadd.s32 s25, s18  }
0x5a: {  	[sflag:s20] =	ssyncadd.s32 $0xFFFFC000;
	s29 =	smov.u32 s26;
	s30 =	sadd.s32 $0x10, s26  }
0x5b: {  	[tilespmem:s3], [sflag:$0x2] =	stream.linear.gather [hbm4b:s28+s3], $0x80, $0x38;
	[tilespmem:$0x1A100] =	vst v63  }
0x5c: {  	p0 =	sne.s32 s26, $0x4E0;
	_ =	swait.ge [sflag:s20], $0x80  }
0x5d: {  	[sflag:s20] =	ssyncset.done $0x0  }
0x5e: {  	s26 =	sadd.s32 s25, s17;
	s25 =	smov.u32 s29;
	[sflag:s20] =	ssyncadd.s32 $0xFFFFFF80  }
0x5f: {  	[tilespmem:s21], [sflag:$0x2] =	stream.linear.gather [hbm4b:s26+s3], $0x80, $0x38;
	[tilespmem:$0x1A100] =	vst v63  }
0x60: {  	_ =	swait.ge [sflag:s20], $0x80  }
0x61: {  	[sflag:s20] =	ssyncset.done $0x0  }
0x62: {  	[sflag:s20] =	ssyncadd.s32 $0xFFFFFF80  }
0x63: {  	[tilespmem:s22], [sflag:$0x1] =	stream.indirect.gather [hbm4b:s4+s21], $0x80, s3, s21, $0xb8;
	[tilespmem:$0x1A100] =	vst v63  }
0x64: {  	_ =	swait.ge [sflag:s23], $0x4000  }
.Ltmp1:
0x65: {  	[sflag:s23] =	ssyncset.done $0x0;
	(pc) =	sbr.rel @p0 .LBB2_4-.Ltmp1, $4  }
0x66: {  	[sflag:s23] =	ssyncadd.s32 $0xFFFFC000  }
0x67: {  	[spmem:s2] =	stream.indirect.scatter.add.f32 [tilespmem:s22], [sflag:$0x2], $0x80, s21, s21, $0xb8;
	[tilespmem:$0x1A100] =	vst v63  }
0x68: {  	_ =	swait.ge [sflag:s20], $0x4000  }
0x69: {  	s26 =	smov.u32 s30;
	[sflag:s20] =	ssyncset.done $0x0  }
0x6a: {  	s26 =	sadd.s32 s25, s18;
	[sflag:s20] =	ssyncadd.s32 $0xFFFFC000  }
0x6b: {  	[tilespmem:s3], [sflag:$0x2] =	stream.linear.gather [hbm4b:s26+s3], $0x80, $0x38;
	[tilespmem:$0x1A100] =	vst v63  }
0x6c: {  	_ =	swait.ge [sflag:s20], $0x80  }
0x6d: {  	[sflag:s20] =	ssyncset.done $0x0  }
0x6e: {  	s29 =	sadd.s32 s25, s17;
	[sflag:s20] =	ssyncadd.s32 $0xFFFFFF80  }
0x6f: {  	[tilespmem:s21], [sflag:$0x2] =	stream.linear.gather [hbm4b:s29+s3], $0x80, $0x38;
	[tilespmem:$0x1A100] =	vst v63  }
0x70: {  	_ =	swait.ge [sflag:s20], $0x80  }
0x71: {  	[sflag:s20] =	ssyncset.done $0x0  }
0x72: {  	[sflag:s20] =	ssyncadd.s32 $0xFFFFFF80  }
0x73: {  	[tilespmem:s22], [sflag:$0x1] =	stream.indirect.gather [hbm4b:s4+s21], $0x80, s3, s21, $0xb8;
	[tilespmem:$0x1A100] =	vst v63  }
0x74: {  	_ =	swait.ge [sflag:s23], $0x4000  }
0x75: {  	[sflag:s23] =	ssyncset.done $0x0  }
0x76: {  	[sflag:s23] =	ssyncadd.s32 $0xFFFFC000  }
0x77: {  	[spmem:s2] =	stream.indirect.scatter.add.f32 [tilespmem:s22], [sflag:$0x2], $0x80, s21, s21, $0xb8;
	[tilespmem:$0x1A100] =	vst v63  }
0x78: {  	_ =	swait.ge [sflag:s20], $0x4000  }
0x79: {  	s30 =	sshll.u32 s0, $0x6;
	s24 =	sadd.s32 $0x1, s24;
	[sflag:s20] =	ssyncset.done $0x0  }
0x7a: {  	s31 =	sshrl.u32 s5, $0x3;
	p0 =	sne.s32 s24, s7;
	[sflag:s20] =	ssyncadd.s32 $0xFFFFC000  }
.Ltmp2:
0x7b: {  	s25 =	sor.u32 $0x1C02, s30;
	[bflag:$0x0] =	sbarrier.arrive $0xFFFF;
	(pc) =	sbr.rel @p0 .LBB2_1-.Ltmp2, $4  }
0x7c: {  	[hbm:s6], [sflag:s25] =	dma.local [spmem:s31], $0x2800  }
0x7d: {  	_ =	swait.ge [sflag:s20], $0x2800  }
0x7e: {  	[sflag:s20] =	ssyncset.done $0x0  }
0x7f: {  	[sflag:s20] =	ssyncadd.s32 $0xFFFFD800  }
0x80: {  	_ =	sfence.sel $0x180000  }
0x81: {  	[bflag:$0x0] =	sbarrier.arrive $0xFFFF  }
0x82: {  	p0 =	sne.s32 s0, $0x0;
	_ =	strace $0x90000053  }
0x83: {  	s0 =	sadd.s32 @!p0 $0x100000, s1;
	[bflag:$0x2] =	sbarrier.arrive $0xFFFF  }
0x84: {  	[sflag:s0] =	ssyncadd.tile.s32 @!p0 $0x1;
	_ =	shalt  }
.Lfunc_end2:
_tile_overlayer_lowered:
.L_overlay_start_2:
0x85: {  	(tag) =	ssettag $0x2  }
0x86: {  	s0 =	rddreg [dreg:$0x0];
	s2 =	stileid.u32  }
0x87: {  	s1 =	rddreg [dreg:$0x1];
	p0 =	sne.s32 s2, $0x0  }
0x88: {  	s3 =	rddreg [dreg:$0x2];
	[bflag:$0x3] =	sbarrier.arrive $0xFFFF;
	s2 =	simm.s32 @!p0 $0x1C02  }
0x89: {  	[timem:s3], [sflag:s2] =	dma.local @!p0 [hbm:s0], s1  }
0x8a: {  	s0 =	simm.s32 @!p0 $0x2  }
0x8b: {  	_ =	swait.ge @!p0 [sflag:s0], s1  }
0x8c: {  	s1 =	ssub.s32 @!p0 $0x0, s1;
	[sflag:s0] =	ssyncset.done @!p0 $0x0  }
0x8d: {  	[sflag:s0] =	ssyncadd.s32 @!p0 s1  }
0x8e: {  	[bflag:$0x3] =	sbarrier.arrive $0xFFFF  }
0x8f: {  	_ =	shalt  }

// kernel: kernel.31.cloned.1.call-start
scs
__scs_entry_jumppad:
0x0: {  	(pc) =	sbr.rel $0x88, $3  }
0x1: {  	(tag) =	ssettag $0x0;
	lr =	simm.s32 $0x1  }
0x2: {  	[smem:$0x3F97] =	sst lr;
	_ =	strace $0xD0000000  }
0x3: {  	_ = 	snop  }
0x4: {  	_ = 	snop  }
0x5: {  	_ = 	snop  }
0x6: {  	_ = 	snop  }
0x7: {  	_ = 	snop  }
__scs_overlays_trampoline_lowered:
0x8: {  	[smem:$0x3FA6] =	sst s0  }
0x9: {  	[smem:$0x3FA7] =	sst s1  }
0xa: {  	[smem:$0x3FA8] =	sst s2  }
0xb: {  	[smem:$0x3FA9] =	sst s3  }
0xc: {  	[smem:$0x3FAA] =	sst s4  }
0xd: {  	[smem:$0x3FAB] =	sst s5  }
0xe: {  	[smem:$0x3FAC] =	sst s6  }
0xf: {  	[smem:$0x3FAD] =	sst s7  }
0x10: {  	[smem:$0x3FAE] =	sst s8  }
0x11: {  	[smem:$0x3FAF] =	sst s9;
	s0 =	simm.s32 @!p0 $0x0  }
0x12: {  	s1 =	sld [smem:$0x3F95];
	s0 =	simm.s32 @p0 $0x1  }
0x13: {  	[smem:$0x3FB0] =	sst s0;
	s0 =	simm.s32 @!p1 $0x0  }
0x14: {  	s2 =	sld [smem:$0x3F94];
	s0 =	simm.s32 @p1 $0x1  }
0x15: {  	[smem:$0x3FB1] =	sst s0;
	s0 =	simm.s32 @!p2 $0x0  }
0x16: {  	s3 =	sld [smem:$0x3FDB];
	s0 =	simm.s32 @p2 $0x1  }
0x17: {  	s4 =	simm.s32 $0x1BF5;
	[smem:$0x3FB3] =	sst s0  }
0x18: {  	s0 =	sld [smem:$0x3F96];
	_ =	swait.ge [sflag:s4], $0x0  }
0x19: {  	s7 =	sld [smem:$0x3F97]  }
0x1a: {  	s8 =	sadd.s32 $0xFFFFE003, lr  }
0x1b: {  	s9 =	sadd.s32 $0xFFFFFEF7, lr;
	s5 =	simm.s32 $0xFFFFFFFF;
	p2 =	slt.u32 s8, $0xFFFFF086  }
0x1c: {  	p1 =	slt.u32 s9, $0xF7A;
	s5 =	simm.s32 @!p2 $0x0  }
0x1d: {  	s5 =	simm.s32 @p1 $0x1;
	p0 =	seq.s32 s7, s2  }
0x1e: {  	s7 =	smul.u32 @!p0 $0xF7A, s2;
	p2 =	seq.s32 @!p0 s5, $0x0  }
0x1f: {  	s9 =	smul.u32 $0xF7A, s1;
	s8 =	simm.s32 @!p0 $0x1BF5;
	p2 =	por !p2, p0  }
0x20: {  	[sflag:s8] =	ssyncset.s32 @!p0 $0xFFFFF086;
	s6 =	sadd.s32 @!p0 s3, s7;
	s7 =	simm.s32 @!p0 $0x108  }
0x21: {  	s3 =	sadd.s32 s3, s9;
	s6 =	sadd.s32 @!p0 $0x88, s6;
	s7 =	simm.s32 @p2 $0x1082  }
0x22: {  	[simem:s7], [sflag:s8] =	dma.local @!p0 [hbm:s6], $0xF7A  }
0x23: {  	s9 =	sor.u32 $0xD0000000, s2;
	s6 =	simm.s32 $0x108;
	_ =	swait.ge @!p0 [sflag:s8], $0x0  }
0x24: {  	s3 =	sadd.s32 $0x88, s3;
	s6 =	simm.s32 @!p1 $0x1082;
	[sflag:s4] =	ssyncset.s32 $0xFFFFF086  }
0x25: {  	[simem:s6], [sflag:s4] =	dma.local [hbm:s3], $0xF7A  }
0x26: {  	[smem:$0x3F97] =	sst s1;
	(tag) =	ssettag s2;
	_ =	strace s9  }
0x27: {  	s1 =	sld [smem:$0x3FA7]  }
0x28: {  	s2 =	sld [smem:$0x3FA8]  }
0x29: {  	s4 =	sld [smem:$0x3FAA]  }
0x2a: {  	p0 =	seq.s32 s5, $0x0;
	s5 =	sld [smem:$0x3FAB]  }
0x2b: {  	s6 =	sld [smem:$0x3FAC]  }
0x2c: {  	s7 =	sld [smem:$0x3FAD]  }
0x2d: {  	s3 =	simm.s32 $0x108;
	s8 =	sld [smem:$0x3FAE]  }
0x2e: {  	s3 =	simm.s32 @!p0 $0x1082;
	s9 =	sld [smem:$0x3FAF]  }
0x2f: {  	lr =	sadd.s32 s0, s3;
	s0 =	sld [smem:$0x3FA6]  }
0x30: {  	s3 =	sld [smem:$0x3FA9]  }
0x31: {  	[smem:$0x3FB2] =	sst s10  }
0x32: {  	s10 =	sld [smem:$0x3FB0];
	_ =	sdelay $0x3  }
0x33: {  	p0 =	seq.s32 s10, $0x1;
	s10 =	sld [smem:$0x3FB2];
	_ =	sdelay $0x3  }
0x34: {  	[smem:$0x3FB2] =	sst s10  }
0x35: {  	s10 =	sld [smem:$0x3FB1];
	_ =	sdelay $0x3  }
0x36: {  	p1 =	seq.s32 s10, $0x1;
	s10 =	sld [smem:$0x3FB2];
	_ =	sdelay $0x3  }
0x37: {  	[smem:$0x3FB2] =	sst s10  }
0x38: {  	s10 =	sld [smem:$0x3FB3]  }
0x39: {  	_ = 	snop;
	(pc) =	sbr.ind lr, $3  }
0x3a: {  	_ = 	snop  }
0x3b: {  	_ = 	snop  }
0x3c: {  	p2 =	seq.s32 s10, $0x1;
	s10 =	sld [smem:$0x3FB2]  }
0x3d: {  	_ =	shalt  }
0x3e: {  	_ =	shalt  }
0x3f: {  	_ =	shalt  }
0x40: {  	_ =	shalt  }
0x41: {  	_ =	shalt  }
0x42: {  	_ =	shalt  }
0x43: {  	_ =	shalt  }
0x44: {  	_ =	shalt  }
0x45: {  	_ =	shalt  }
0x46: {  	_ =	shalt  }
0x47: {  	_ =	shalt  }
0x48: {  	_ =	shalt  }
0x49: {  	_ =	shalt  }
0x4a: {  	_ =	shalt  }
0x4b: {  	_ =	shalt  }
0x4c: {  	_ =	shalt  }
0x4d: {  	_ =	shalt  }
0x4e: {  	_ =	shalt  }
0x4f: {  	_ =	shalt  }
0x50: {  	_ =	shalt  }
0x51: {  	_ =	shalt  }
0x52: {  	_ =	shalt  }
0x53: {  	_ =	shalt  }
0x54: {  	_ =	shalt  }
0x55: {  	_ =	shalt  }
0x56: {  	_ =	shalt  }
0x57: {  	_ =	shalt  }
0x58: {  	_ =	shalt  }
0x59: {  	_ =	shalt  }
0x5a: {  	_ =	shalt  }
0x5b: {  	_ =	shalt  }
0x5c: {  	_ =	shalt  }
0x5d: {  	_ =	shalt  }
0x5e: {  	_ =	shalt  }
0x5f: {  	_ =	shalt  }
0x60: {  	_ =	shalt  }
0x61: {  	_ =	shalt  }
0x62: {  	_ =	shalt  }
0x63: {  	_ =	shalt  }
0x64: {  	_ =	shalt  }
0x65: {  	_ =	shalt  }
0x66: {  	_ =	shalt  }
0x67: {  	_ =	shalt  }
0x68: {  	_ =	shalt  }
0x69: {  	_ =	shalt  }
0x6a: {  	_ =	shalt  }
0x6b: {  	_ =	shalt  }
0x6c: {  	_ =	shalt  }
0x6d: {  	_ =	shalt  }
0x6e: {  	_ =	shalt  }
0x6f: {  	_ =	shalt  }
0x70: {  	_ =	shalt  }
0x71: {  	_ =	shalt  }
0x72: {  	_ =	shalt  }
0x73: {  	_ =	shalt  }
0x74: {  	_ =	shalt  }
0x75: {  	_ =	shalt  }
0x76: {  	_ =	shalt  }
0x77: {  	_ =	shalt  }
0x78: {  	_ =	shalt  }
0x79: {  	_ =	shalt  }
0x7a: {  	_ =	shalt  }
0x7b: {  	_ =	shalt  }
0x7c: {  	_ =	shalt  }
0x7d: {  	_ =	shalt  }
0x7e: {  	_ =	shalt  }
0x7f: {  	_ =	shalt  }
0x80: {  	_ =	shalt  }
0x81: {  	_ =	shalt  }
0x82: {  	_ =	shalt  }
0x83: {  	_ =	shalt  }
0x84: {  	_ =	shalt  }
0x85: {  	_ =	shalt  }
0x86: {  	_ =	shalt  }
0x87: {  	_ =	shalt  }
.Lfunc_end0:
.L_simem_size_0:
called_computation.5_lowered:
.L_overlay_start_0:
0x88: {  	s2 =	sld [smem:$0x3FD9]  }
0x89: {  	s3 =	sld [smem:$0x3FFE];
	_ =	sdelay $0x1  }
0x8a: {  	s1 =	srdreg.scid  }
0x8b: {  	s0 =	sand.u32 $0x1, s1  }
0x8c: {  	s16 =	sshll.u32 s0, $0xA;
	s2 =	sadd.s32 s3, s2  }
0x8d: {  	s2 =	sadd.s32 s2, s16  }
0x8e: {  	[smem:$0x3FBE] =	sst s2  }
0x8f: {  	_ = 	snop  }
0x90: {  	(tm) =	ssettm $0x1  }
0x91: {  	s17 =	sld [smem:$0x3FFB];
	_ =	sdelay $0x3  }
0x92: {  	_ =	strace s17  }
0x93: {  	s2 =	sld [smem:$0x3FFC];
	_ =	sdelay $0x3  }
0x94: {  	_ =	strace s2  }
0x95: {  	s2 =	sld [smem:$0x3FFD];
	_ =	sdelay $0x3  }
0x96: {  	_ =	strace s2  }
0x97: {  	_ =	strace $0x8FFFFFFF  }
0x98: {  	s18 =	sld [smem:$0x3FDB];
	_ =	sdelay $0x1  }
0x99: {  	s19 =	simm.s32 $_scs_section_size  }
0x9a: {  	s4 =	simm.s32 $_size__tile_overlayer_lowered;
	s5 =	simm.s32 $_tile_overlayer_lowered  }
0x9b: {  	s22 =	simm.s32 $0x1BFF;
	s21 =	sshll.u32 s5, $0x1;
	s2 =	sadd.s32 s19, s18  }
0x9c: {  	s6 =	simm.s32 $0x0;
	s20 =	sshll.u32 s4, $0x1;
	s4 =	sadd.s32 s21, s2  }
0x9d: {  	[timem:s6], [sflag:s22] =	dma.local [hbm:s4], s20  }
0x9e: {  	_ =	swait.ge [sflag:s22], s20  }
0x9f: {  	s3 =	ssub.s32 $0x0, s20;
	[sflag:s22] =	ssyncset.done $0x0  }
0xa0: {  	[sflag:s22] =	ssyncadd.s32 s3;
	_ =	sdelay $0x1  }
0xa1: {  	s23 =	simm.s32 $0x1B8B  }
0xa2: {  	_ =	swait.ge [sflag:s23], $0x1  }
0xa3: {  	[sflag:s23] =	ssyncset.done $0x0  }
0xa4: {  	s25 =	simm.s32 $0x1B8E;
	s24 =	sld [smem:$0x3FFE];
	[sflag:s23] =	ssyncadd.s32 $0xFFFFFFFF  }
0xa5: {  	s26 =	simm.s32 $execute0_lowered;
	[smem:$0x3FD2] =	sst s25  }
0xa6: {  	s4 =	sshll.u32 s26, $0x1;
	_ =	strace $0x80000055;
	[dreg:$0x1] =	wrdreg $0xFFFFFFFF  }
0xa7: {  	s28 =	simm.s32 $_size_execute0_lowered;
	s2 =	sadd.s32 s2, s4;
	[dreg:$0x0] =	wrdreg $0x0  }
0xa8: {  	s4 =	sshll.u32 s28, $0x1;
	[dreg:$0x2] =	wrdreg s2  }
0xa9: {  	[dreg:$0x3] =	wrdreg s4  }
0xaa: {  	[dreg:$0x4] =	wrdreg $0xC0  }
0xab: {  	_ =	task [dreg:s6], $0x5FFFF  }
0xac: {  	[dreg:$0x1] =	wrdreg $0xFFFFFFFF  }
0xad: {  	[dreg:$0x0] =	wrdreg $0x60  }
0xae: {  	[dreg:$0x2] =	wrdreg s24  }
0xaf: {  	[dreg:$0x3] =	wrdreg $0x61000  }
0xb0: {  	[dreg:$0x4] =	wrdreg $0x9  }
0xb1: {  	_ =	task.clear_ibuf [dreg:s6], $0x5FFFF;
	_ =	strace $0x90000055  }
0xb2: {  	s29 =	simm.s32 $0x9;
	_ =	strace $0x80000057  }
0xb3: {  	_ =	swait.ge [sflag:s29], $0x1  }
0xb4: {  	[sflag:s29] =	ssyncadd.s32 $0xFFFFFFFF  }
0xb5: {  	_ =	strace $0x90000057  }
0xb6: {  	_ =	sfence  }
0xb7: {  	s30 =	sld [smem:$0x0];
	_ =	sdelay $0x2  }
0xb8: {  	s31 =	sshll.u32 s1, $0xD;
	s1 =	sshrl.u32 s1, $0x2  }
0xb9: {  	s3 =	sand.u32 $0x4000, s31;
	s1 =	sadd.s32 s1, s30  }
0xba: {  	s0 =	sor.u32 s3, s0;
	s1 =	sshll.u32 s1, $0x11  }
0xbb: {  	s0 =	sor.u32 s1, s0  }
0xbc: {  	s0 =	sadd.s32 $0x8F2B, s0  }
0xbd: {  	[sflag:s0] =	ssyncadd.remote.s32 $0x1  }
0xbe: {  	_ =	sfence.sel $0xFFFF  }
0xbf: {  	[dreg:$0x0] =	wrdreg $0xFFFFFFFF;
	(pc) =	sbr.abs _section_cstart, $3  }
0xc0: {  	[dreg:$0x1] =	wrdreg $0xFFFFFFFF  }
0xc1: {  	_ =	task.clear_ibuf [dreg:s6], $0x2FFFF;
	_ =	strace $0x9FFFFFFF  }
0xc2: {  	(tm) =	ssettm $0x7FFFFFFF  }
0xc3: {  	_ =	shalt  }
tec
execute0_lowered:
.L_overlay_start_1:
0x0: {  	(tag) =	ssettag $0x1  }
0x1: {  	s5 =	rddreg [dreg:$0x0];
	s0 =	stileid.u32  }
0x2: {  	s1 =	srdreg.scid;
	s2 =	rddreg [dreg:$0x1]  }
0x3: {  	s3 =	simm.s32 $0x0;
	s19 =	simm.s32 $0x4100;
	s20 =	simm.s32 $0x2  }
0x4: {  	s21 =	simm.s32 $0x80;
	s22 =	simm.s32 $0x100;
	s6 =	smul.u32 $0x9E0, s0  }
0x5: {  	s23 =	simm.s32 $0x1;
	s24 =	simm.s32 $0x0;
	s8 =	smul.u32 $0x2800, s0  }
0x6: {  	s11 =	sand.u32 $0x1, s1;
	s1 =	rddreg [dreg:$0x2];
	s9 =	smul.u32 $0x50000, s0  }
0x7: {  	[smem:$0x7FF] =	sst s3;
	s4 =	sadd.s32 $0x18000, s5;
	s7 =	smul.u32 $0x28000, s11  }
0x8: {  	_ =	strace $0x80000056;
	s30 =	ssub.s32 $0x2, s11;
	s17 =	smul.u32 $0x4F0, s11  }
0x9: {  	s16 =	sadd.s32 s6, s5;
	s31 =	sshrl.u32 s30, $0x1;
	s9 =	sshrl.u32 s9, $0x2  }
0xa: {  	s7 =	sadd.s32 s8, s7;
	s8 =	ssub.s32 s30, s31;
	s18 =	sadd.s32 s17, s16  }
0xb: {  	s7 =	sadd.s32 s7, s5;
	s5 =	sadd.s32 s9, s2;
	s17 =	sadd.s32 $0x4400, s18  }
0xc: {  	s18 =	sadd.s32 $0xE200, s18;
	s6 =	sadd.s32 $0x40000, s7;
	s7 =	smax.u32 s8, $0x1  }
0xd: {  	s8 =	sadd.s32 $0x2000, s5;
	s9 =	sadd.s32 $0x4000, s5;
	s10 =	sadd.s32 $0x6000, s5  }
0xe: {  	s11 =	sadd.s32 $0x8000, s5;
	s12 =	sadd.s32 $0xA000, s5;
	s13 =	sadd.s32 $0xC000, s5  }
0xf: {  	v0 =	vimm.f32 $0.0e+00;
	s14 =	sadd.s32 $0xE000, s5;
	s15 =	sadd.s32 $0x10000, s5;
	s16 =	sadd.s32 $0x12000, s5  }
.LBB2_1:
0x10: {  	s25 =	simm.s32 $0x0;
	s26 =	simm.s32 $0x200  }
.LBB2_2:
0x11: {  	p0 =	sne.s32 s26, $0x7E00;
	[tilespmem:s25+$0x4170] =	vst v0  }
0x12: {  	[tilespmem:s25+$0x4100] =	vst v0  }
0x13: {  	[tilespmem:s25+$0x4110] =	vst v0  }
.Ltmp0:
0x14: {  	[tilespmem:s25+$0x4120] =	vst v0;
	(pc) =	sbr.rel @p0 .LBB2_2-.Ltmp0, $4  }
0x15: {  	[tilespmem:s25+$0x4130] =	vst v0  }
0x16: {  	[tilespmem:s25+$0x4140] =	vst v0  }
0x17: {  	[tilespmem:s25+$0x4150] =	vst v0  }
0x18: {  	[tilespmem:s25+$0x4160] =	vst v0;
	s25 =	sshra.s32 s26, $0x2;
	s26 =	sadd.s32 $0x200, s26  }
0x19: {  	[tilespmem:s25+$0x4170] =	vst v0  }
0x1a: {  	[tilespmem:s25+$0x4100] =	vst v0  }
0x1b: {  	[tilespmem:s25+$0x4110] =	vst v0  }
0x1c: {  	[tilespmem:s25+$0x4120] =	vst v0  }
0x1d: {  	[tilespmem:s25+$0x4130] =	vst v0  }
0x1e: {  	[tilespmem:s25+$0x4140] =	vst v0  }
0x1f: {  	[tilespmem:s25+$0x4150] =	vst v0  }
0x20: {  	[tilespmem:s25+$0x4160] =	vst v0  }
0x21: {  	[spmem:s5] =	stream.linear.scatter [tilespmem:s19], [sflag:$0x2], $0x2000, $0x38;
	[tilespmem:$0x1A100] =	vst v63  }
0x22: {  	_ =	swait.ge [sflag:s20], $0x2000  }
0x23: {  	[sflag:s20] =	ssyncset.done $0x0  }
0x24: {  	[sflag:s20] =	ssyncadd.s32 $0xFFFFE000  }
0x25: {  	[spmem:s8] =	stream.linear.scatter [tilespmem:s19], [sflag:$0x2], $0x2000, $0x38;
	[tilespmem:$0x1A100] =	vst v63  }
0x26: {  	_ =	swait.ge [sflag:s20], $0x2000  }
0x27: {  	[sflag:s20] =	ssyncset.done $0x0  }
0x28: {  	[sflag:s20] =	ssyncadd.s32 $0xFFFFE000  }
0x29: {  	[spmem:s9] =	stream.linear.scatter [tilespmem:s19], [sflag:$0x2], $0x2000, $0x38;
	[tilespmem:$0x1A100] =	vst v63  }
0x2a: {  	_ =	swait.ge [sflag:s20], $0x2000  }
0x2b: {  	[sflag:s20] =	ssyncset.done $0x0  }
0x2c: {  	[sflag:s20] =	ssyncadd.s32 $0xFFFFE000  }
0x2d: {  	[spmem:s10] =	stream.linear.scatter [tilespmem:s19], [sflag:$0x2], $0x2000, $0x38;
	[tilespmem:$0x1A100] =	vst v63  }
0x2e: {  	_ =	swait.ge [sflag:s20], $0x2000  }
0x2f: {  	[sflag:s20] =	ssyncset.done $0x0  }
0x30: {  	[sflag:s20] =	ssyncadd.s32 $0xFFFFE000  }
0x31: {  	[spmem:s11] =	stream.linear.scatter [tilespmem:s19], [sflag:$0x2], $0x2000, $0x38;
	[tilespmem:$0x1A100] =	vst v63  }
0x32: {  	_ =	swait.ge [sflag:s20], $0x2000  }
0x33: {  	[sflag:s20] =	ssyncset.done $0x0  }
0x34: {  	[sflag:s20] =	ssyncadd.s32 $0xFFFFE000  }
0x35: {  	[spmem:s12] =	stream.linear.scatter [tilespmem:s19], [sflag:$0x2], $0x2000, $0x38;
	[tilespmem:$0x1A100] =	vst v63  }
0x36: {  	_ =	swait.ge [sflag:s20], $0x2000  }
0x37: {  	[sflag:s20] =	ssyncset.done $0x0  }
0x38: {  	[sflag:s20] =	ssyncadd.s32 $0xFFFFE000  }
0x39: {  	[spmem:s13] =	stream.linear.scatter [tilespmem:s19], [sflag:$0x2], $0x2000, $0x38;
	[tilespmem:$0x1A100] =	vst v63  }
0x3a: {  	_ =	swait.ge [sflag:s20], $0x2000  }
0x3b: {  	[sflag:s20] =	ssyncset.done $0x0  }
0x3c: {  	[sflag:s20] =	ssyncadd.s32 $0xFFFFE000  }
0x3d: {  	[spmem:s14] =	stream.linear.scatter [tilespmem:s19], [sflag:$0x2], $0x2000, $0x38;
	[tilespmem:$0x1A100] =	vst v63  }
0x3e: {  	_ =	swait.ge [sflag:s20], $0x2000  }
0x3f: {  	[sflag:s20] =	ssyncset.done $0x0  }
0x40: {  	[sflag:s20] =	ssyncadd.s32 $0xFFFFE000  }
0x41: {  	[spmem:s15] =	stream.linear.scatter [tilespmem:s19], [sflag:$0x2], $0x2000, $0x38;
	[tilespmem:$0x1A100] =	vst v63  }
0x42: {  	_ =	swait.ge [sflag:s20], $0x2000  }
0x43: {  	[sflag:s20] =	ssyncset.done $0x0  }
0x44: {  	[sflag:s20] =	ssyncadd.s32 $0xFFFFE000  }
0x45: {  	[spmem:s16] =	stream.linear.scatter [tilespmem:s19], [sflag:$0x2], $0x2000, $0x38;
	[tilespmem:$0x1A100] =	vst v63  }
0x46: {  	_ =	swait.ge [sflag:s20], $0x2000  }
0x47: {  	[sflag:s20] =	ssyncset.done $0x0  }
0x48: {  	[sflag:s20] =	ssyncadd.s32 $0xFFFFE000  }
0x49: {  	s30 =	sadd.s32 $0x0, s18;
	[bflag:$0x0] =	sbarrier.arrive $0xFFFF  }
0x4a: {  	[tilespmem:s3], [sflag:$0x2] =	stream.linear.gather [hbm4b:s30+s3], $0x80, $0x38;
	[tilespmem:$0x1A100] =	vst v63  }
0x4b: {  	_ =	swait.ge [sflag:s20], $0x80  }
0x4c: {  	[sflag:s20] =	ssyncset.done $0x0  }
0x4d: {  	s31 =	sadd.s32 $0x0, s17;
	[sflag:s20] =	ssyncadd.s32 $0xFFFFFF80  }
0x4e: {  	[tilespmem:s21], [sflag:$0x2] =	stream.linear.gather [hbm4b:s31+s3], $0x80, $0x38;
	[tilespmem:$0x1A100] =	vst v63  }
0x4f: {  	_ =	swait.ge [sflag:s20], $0x80  }
0x50: {  	[sflag:s20] =	ssyncset.done $0x0  }
0x51: {  	[sflag:s20] =	ssyncadd.s32 $0xFFFFFF80  }
0x52: {  	[tilespmem:s22], [sflag:$0x1] =	stream.indirect.gather [hbm4b:s4+s21], $0x80, s3, s21, $0xb8;
	[tilespmem:$0x1A100] =	vst v63  }
0x53: {  	_ =	swait.ge [sflag:s23], $0x4000  }
0x54: {  	[sflag:s23] =	ssyncset.done $0x0  }
0x55: {  	[sflag:s23] =	ssyncadd.s32 $0xFFFFC000  }
0x56: {  	[spmem:s2] =	stream.indirect.scatter.add.f32 [tilespmem:s22], [sflag:$0x2], $0x80, s21, s21, $0xb8;
	[tilespmem:$0x1A100] =	vst v63  }
0x57: {  	_ =	swait.ge [sflag:s20], $0x4000  }
0x58: {  	s25 =	simm.s32 $0x10;
	s26 =	simm.s32 $0x20;
	[sflag:s20] =	ssyncset.done $0x0  }
.LBB2_4:
0x59: {  	s28 =	sadd.s32 s25, s18  }
0x5a: {  	[sflag:s20] =	ssyncadd.s32 $0xFFFFC000;
	s29 =	smov.u32 s26;
	s30 =	sadd.s32 $0x10, s26  }
0x5b: {  	[tilespmem:s3], [sflag:$0x2] =	stream.linear.gather [hbm4b:s28+s3], $0x80, $0x38;
	[tilespmem:$0x1A100] =	vst v63  }
0x5c: {  	p0 =	sne.s32 s26, $0x4E0;
	_ =	swait.ge [sflag:s20], $0x80  }
0x5d: {  	[sflag:s20] =	ssyncset.done $0x0  }
0x5e: {  	s26 =	sadd.s32 s25, s17;
	s25 =	smov.u32 s29;
	[sflag:s20] =	ssyncadd.s32 $0xFFFFFF80  }
0x5f: {  	[tilespmem:s21], [sflag:$0x2] =	stream.linear.gather [hbm4b:s26+s3], $0x80, $0x38;
	[tilespmem:$0x1A100] =	vst v63  }
0x60: {  	_ =	swait.ge [sflag:s20], $0x80  }
0x61: {  	[sflag:s20] =	ssyncset.done $0x0  }
0x62: {  	[sflag:s20] =	ssyncadd.s32 $0xFFFFFF80  }
0x63: {  	[tilespmem:s22], [sflag:$0x1] =	stream.indirect.gather [hbm4b:s4+s21], $0x80, s3, s21, $0xb8;
	[tilespmem:$0x1A100] =	vst v63  }
0x64: {  	_ =	swait.ge [sflag:s23], $0x4000  }
.Ltmp1:
0x65: {  	[sflag:s23] =	ssyncset.done $0x0;
	(pc) =	sbr.rel @p0 .LBB2_4-.Ltmp1, $4  }
0x66: {  	[sflag:s23] =	ssyncadd.s32 $0xFFFFC000  }
0x67: {  	[spmem:s2] =	stream.indirect.scatter.add.f32 [tilespmem:s22], [sflag:$0x2], $0x80, s21, s21, $0xb8;
	[tilespmem:$0x1A100] =	vst v63  }
0x68: {  	_ =	swait.ge [sflag:s20], $0x4000  }
0x69: {  	s26 =	smov.u32 s30;
	[sflag:s20] =	ssyncset.done $0x0  }
0x6a: {  	s26 =	sadd.s32 s25, s18;
	[sflag:s20] =	ssyncadd.s32 $0xFFFFC000  }
0x6b: {  	[tilespmem:s3], [sflag:$0x2] =	stream.linear.gather [hbm4b:s26+s3], $0x80, $0x38;
	[tilespmem:$0x1A100] =	vst v63  }
0x6c: {  	_ =	swait.ge [sflag:s20], $0x80  }
0x6d: {  	[sflag:s20] =	ssyncset.done $0x0  }
0x6e: {  	s29 =	sadd.s32 s25, s17;
	[sflag:s20] =	ssyncadd.s32 $0xFFFFFF80  }
0x6f: {  	[tilespmem:s21], [sflag:$0x2] =	stream.linear.gather [hbm4b:s29+s3], $0x80, $0x38;
	[tilespmem:$0x1A100] =	vst v63  }
0x70: {  	_ =	swait.ge [sflag:s20], $0x80  }
0x71: {  	[sflag:s20] =	ssyncset.done $0x0  }
0x72: {  	[sflag:s20] =	ssyncadd.s32 $0xFFFFFF80  }
0x73: {  	[tilespmem:s22], [sflag:$0x1] =	stream.indirect.gather [hbm4b:s4+s21], $0x80, s3, s21, $0xb8;
	[tilespmem:$0x1A100] =	vst v63  }
0x74: {  	_ =	swait.ge [sflag:s23], $0x4000  }
0x75: {  	[sflag:s23] =	ssyncset.done $0x0  }
0x76: {  	[sflag:s23] =	ssyncadd.s32 $0xFFFFC000  }
0x77: {  	[spmem:s2] =	stream.indirect.scatter.add.f32 [tilespmem:s22], [sflag:$0x2], $0x80, s21, s21, $0xb8;
	[tilespmem:$0x1A100] =	vst v63  }
0x78: {  	_ =	swait.ge [sflag:s20], $0x4000  }
0x79: {  	s30 =	sshll.u32 s0, $0x6;
	s24 =	sadd.s32 $0x1, s24;
	[sflag:s20] =	ssyncset.done $0x0  }
0x7a: {  	s31 =	sshrl.u32 s5, $0x3;
	p0 =	sne.s32 s24, s7;
	[sflag:s20] =	ssyncadd.s32 $0xFFFFC000  }
.Ltmp2:
0x7b: {  	s25 =	sor.u32 $0x1C02, s30;
	[bflag:$0x0] =	sbarrier.arrive $0xFFFF;
	(pc) =	sbr.rel @p0 .LBB2_1-.Ltmp2, $4  }
0x7c: {  	[hbm:s6], [sflag:s25] =	dma.local [spmem:s31], $0x2800  }
0x7d: {  	_ =	swait.ge [sflag:s20], $0x2800  }
0x7e: {  	[sflag:s20] =	ssyncset.done $0x0  }
0x7f: {  	[sflag:s20] =	ssyncadd.s32 $0xFFFFD800  }
0x80: {  	_ =	sfence.sel $0x180000  }
0x81: {  	[bflag:$0x0] =	sbarrier.arrive $0xFFFF  }
0x82: {  	p0 =	sne.s32 s0, $0x0;
	_ =	strace $0x90000056  }
0x83: {  	s0 =	sadd.s32 @!p0 $0x100000, s1;
	[bflag:$0x2] =	sbarrier.arrive $0xFFFF  }
0x84: {  	[sflag:s0] =	ssyncadd.tile.s32 @!p0 $0x1;
	_ =	shalt  }
.Lfunc_end2:
_tile_overlayer_lowered:
.L_overlay_start_2:
0x85: {  	(tag) =	ssettag $0x2  }
0x86: {  	s0 =	rddreg [dreg:$0x0];
	s2 =	stileid.u32  }
0x87: {  	s1 =	rddreg [dreg:$0x1];
	p0 =	sne.s32 s2, $0x0  }
0x88: {  	s3 =	rddreg [dreg:$0x2];
	[bflag:$0x3] =	sbarrier.arrive $0xFFFF;
	s2 =	simm.s32 @!p0 $0x1C02  }
0x89: {  	[timem:s3], [sflag:s2] =	dma.local @!p0 [hbm:s0], s1  }
0x8a: {  	s0 =	simm.s32 @!p0 $0x2  }
0x8b: {  	_ =	swait.ge @!p0 [sflag:s0], s1  }
0x8c: {  	s1 =	ssub.s32 @!p0 $0x0, s1;
	[sflag:s0] =	ssyncset.done @!p0 $0x0  }
0x8d: {  	[sflag:s0] =	ssyncadd.s32 @!p0 s1  }
0x8e: {  	[bflag:$0x3] =	sbarrier.arrive $0xFFFF  }
0x8f: {  	_ =	shalt  }

// kernel: kernel.34.cloned.1.call-start
scs
__scs_entry_jumppad:
0x0: {  	(pc) =	sbr.rel $0x88, $3  }
0x1: {  	(tag) =	ssettag $0x0;
	lr =	simm.s32 $0x1  }
0x2: {  	[smem:$0x3F97] =	sst lr;
	_ =	strace $0xD0000000  }
0x3: {  	_ = 	snop  }
0x4: {  	_ = 	snop  }
0x5: {  	_ = 	snop  }
0x6: {  	_ = 	snop  }
0x7: {  	_ = 	snop  }
__scs_overlays_trampoline_lowered:
0x8: {  	[smem:$0x3FA6] =	sst s0  }
0x9: {  	[smem:$0x3FA7] =	sst s1  }
0xa: {  	[smem:$0x3FA8] =	sst s2  }
0xb: {  	[smem:$0x3FA9] =	sst s3  }
0xc: {  	[smem:$0x3FAA] =	sst s4  }
0xd: {  	[smem:$0x3FAB] =	sst s5  }
0xe: {  	[smem:$0x3FAC] =	sst s6  }
0xf: {  	[smem:$0x3FAD] =	sst s7  }
0x10: {  	[smem:$0x3FAE] =	sst s8  }
0x11: {  	[smem:$0x3FAF] =	sst s9;
	s0 =	simm.s32 @!p0 $0x0  }
0x12: {  	s1 =	sld [smem:$0x3F95];
	s0 =	simm.s32 @p0 $0x1  }
0x13: {  	[smem:$0x3FB0] =	sst s0;
	s0 =	simm.s32 @!p1 $0x0  }
0x14: {  	s2 =	sld [smem:$0x3F94];
	s0 =	simm.s32 @p1 $0x1  }
0x15: {  	[smem:$0x3FB1] =	sst s0;
	s0 =	simm.s32 @!p2 $0x0  }
0x16: {  	s3 =	sld [smem:$0x3FDB];
	s0 =	simm.s32 @p2 $0x1  }
0x17: {  	s4 =	simm.s32 $0x1BF5;
	[smem:$0x3FB3] =	sst s0  }
0x18: {  	s0 =	sld [smem:$0x3F96];
	_ =	swait.ge [sflag:s4], $0x0  }
0x19: {  	s7 =	sld [smem:$0x3F97]  }
0x1a: {  	s8 =	sadd.s32 $0xFFFFE003, lr  }
0x1b: {  	s9 =	sadd.s32 $0xFFFFFEF7, lr;
	s5 =	simm.s32 $0xFFFFFFFF;
	p2 =	slt.u32 s8, $0xFFFFF086  }
0x1c: {  	p1 =	slt.u32 s9, $0xF7A;
	s5 =	simm.s32 @!p2 $0x0  }
0x1d: {  	s5 =	simm.s32 @p1 $0x1;
	p0 =	seq.s32 s7, s2  }
0x1e: {  	s7 =	smul.u32 @!p0 $0xF7A, s2;
	p2 =	seq.s32 @!p0 s5, $0x0  }
0x1f: {  	s9 =	smul.u32 $0xF7A, s1;
	s8 =	simm.s32 @!p0 $0x1BF5;
	p2 =	por !p2, p0  }
0x20: {  	[sflag:s8] =	ssyncset.s32 @!p0 $0xFFFFF086;
	s6 =	sadd.s32 @!p0 s3, s7;
	s7 =	simm.s32 @!p0 $0x108  }
0x21: {  	s3 =	sadd.s32 s3, s9;
	s6 =	sadd.s32 @!p0 $0x88, s6;
	s7 =	simm.s32 @p2 $0x1082  }
0x22: {  	[simem:s7], [sflag:s8] =	dma.local @!p0 [hbm:s6], $0xF7A  }
0x23: {  	s9 =	sor.u32 $0xD0000000, s2;
	s6 =	simm.s32 $0x108;
	_ =	swait.ge @!p0 [sflag:s8], $0x0  }
0x24: {  	s3 =	sadd.s32 $0x88, s3;
	s6 =	simm.s32 @!p1 $0x1082;
	[sflag:s4] =	ssyncset.s32 $0xFFFFF086  }
0x25: {  	[simem:s6], [sflag:s4] =	dma.local [hbm:s3], $0xF7A  }
0x26: {  	[smem:$0x3F97] =	sst s1;
	(tag) =	ssettag s2;
	_ =	strace s9  }
0x27: {  	s1 =	sld [smem:$0x3FA7]  }
0x28: {  	s2 =	sld [smem:$0x3FA8]  }
0x29: {  	s4 =	sld [smem:$0x3FAA]  }
0x2a: {  	p0 =	seq.s32 s5, $0x0;
	s5 =	sld [smem:$0x3FAB]  }
0x2b: {  	s6 =	sld [smem:$0x3FAC]  }
0x2c: {  	s7 =	sld [smem:$0x3FAD]  }
0x2d: {  	s3 =	simm.s32 $0x108;
	s8 =	sld [smem:$0x3FAE]  }
0x2e: {  	s3 =	simm.s32 @!p0 $0x1082;
	s9 =	sld [smem:$0x3FAF]  }
0x2f: {  	lr =	sadd.s32 s0, s3;
	s0 =	sld [smem:$0x3FA6]  }
0x30: {  	s3 =	sld [smem:$0x3FA9]  }
0x31: {  	[smem:$0x3FB2] =	sst s10  }
0x32: {  	s10 =	sld [smem:$0x3FB0];
	_ =	sdelay $0x3  }
0x33: {  	p0 =	seq.s32 s10, $0x1;
	s10 =	sld [smem:$0x3FB2];
	_ =	sdelay $0x3  }
0x34: {  	[smem:$0x3FB2] =	sst s10  }
0x35: {  	s10 =	sld [smem:$0x3FB1];
	_ =	sdelay $0x3  }
0x36: {  	p1 =	seq.s32 s10, $0x1;
	s10 =	sld [smem:$0x3FB2];
	_ =	sdelay $0x3  }
0x37: {  	[smem:$0x3FB2] =	sst s10  }
0x38: {  	s10 =	sld [smem:$0x3FB3]  }
0x39: {  	_ = 	snop;
	(pc) =	sbr.ind lr, $3  }
0x3a: {  	_ = 	snop  }
0x3b: {  	_ = 	snop  }
0x3c: {  	p2 =	seq.s32 s10, $0x1;
	s10 =	sld [smem:$0x3FB2]  }
0x3d: {  	_ =	shalt  }
0x3e: {  	_ =	shalt  }
0x3f: {  	_ =	shalt  }
0x40: {  	_ =	shalt  }
0x41: {  	_ =	shalt  }
0x42: {  	_ =	shalt  }
0x43: {  	_ =	shalt  }
0x44: {  	_ =	shalt  }
0x45: {  	_ =	shalt  }
0x46: {  	_ =	shalt  }
0x47: {  	_ =	shalt  }
0x48: {  	_ =	shalt  }
0x49: {  	_ =	shalt  }
0x4a: {  	_ =	shalt  }
0x4b: {  	_ =	shalt  }
0x4c: {  	_ =	shalt  }
0x4d: {  	_ =	shalt  }
0x4e: {  	_ =	shalt  }
0x4f: {  	_ =	shalt  }
0x50: {  	_ =	shalt  }
0x51: {  	_ =	shalt  }
0x52: {  	_ =	shalt  }
0x53: {  	_ =	shalt  }
0x54: {  	_ =	shalt  }
0x55: {  	_ =	shalt  }
0x56: {  	_ =	shalt  }
0x57: {  	_ =	shalt  }
0x58: {  	_ =	shalt  }
0x59: {  	_ =	shalt  }
0x5a: {  	_ =	shalt  }
0x5b: {  	_ =	shalt  }
0x5c: {  	_ =	shalt  }
0x5d: {  	_ =	shalt  }
0x5e: {  	_ =	shalt  }
0x5f: {  	_ =	shalt  }
0x60: {  	_ =	shalt  }
0x61: {  	_ =	shalt  }
0x62: {  	_ =	shalt  }
0x63: {  	_ =	shalt  }
0x64: {  	_ =	shalt  }
0x65: {  	_ =	shalt  }
0x66: {  	_ =	shalt  }
0x67: {  	_ =	shalt  }
0x68: {  	_ =	shalt  }
0x69: {  	_ =	shalt  }
0x6a: {  	_ =	shalt  }
0x6b: {  	_ =	shalt  }
0x6c: {  	_ =	shalt  }
0x6d: {  	_ =	shalt  }
0x6e: {  	_ =	shalt  }
0x6f: {  	_ =	shalt  }
0x70: {  	_ =	shalt  }
0x71: {  	_ =	shalt  }
0x72: {  	_ =	shalt  }
0x73: {  	_ =	shalt  }
0x74: {  	_ =	shalt  }
0x75: {  	_ =	shalt  }
0x76: {  	_ =	shalt  }
0x77: {  	_ =	shalt  }
0x78: {  	_ =	shalt  }
0x79: {  	_ =	shalt  }
0x7a: {  	_ =	shalt  }
0x7b: {  	_ =	shalt  }
0x7c: {  	_ =	shalt  }
0x7d: {  	_ =	shalt  }
0x7e: {  	_ =	shalt  }
0x7f: {  	_ =	shalt  }
0x80: {  	_ =	shalt  }
0x81: {  	_ =	shalt  }
0x82: {  	_ =	shalt  }
0x83: {  	_ =	shalt  }
0x84: {  	_ =	shalt  }
0x85: {  	_ =	shalt  }
0x86: {  	_ =	shalt  }
0x87: {  	_ =	shalt  }
.Lfunc_end0:
.L_simem_size_0:
called_computation.6_lowered:
.L_overlay_start_0:
0x88: {  	s2 =	sld [smem:$0x3FD9]  }
0x89: {  	s3 =	sld [smem:$0x3FFE];
	_ =	sdelay $0x1  }
0x8a: {  	s1 =	srdreg.scid  }
0x8b: {  	s0 =	sand.u32 $0x1, s1  }
0x8c: {  	s17 =	sshll.u32 s0, $0xA;
	s2 =	sadd.s32 s3, s2  }
0x8d: {  	s2 =	sadd.s32 s2, s17  }
0x8e: {  	[smem:$0x3FBE] =	sst s2  }
0x8f: {  	_ = 	snop  }
0x90: {  	s2 =	sld [smem:$0x3FD0];
	(tm) =	ssettm $0x1  }
0x91: {  	s18 =	sld [smem:$0x3FFB];
	_ =	sdelay $0x3  }
0x92: {  	_ =	strace s18  }
0x93: {  	s3 =	sld [smem:$0x3FFC];
	_ =	sdelay $0x3  }
0x94: {  	_ =	strace s3  }
0x95: {  	s3 =	sld [smem:$0x3FFD];
	_ =	sdelay $0x3  }
0x96: {  	_ =	strace s3  }
0x97: {  	_ =	strace $0x8FFFFFFF  }
0x98: {  	s19 =	sld [smem:$0x3FDB];
	_ =	sdelay $0x1  }
0x99: {  	s4 =	simm.s32 $_scs_section_size  }
0x9a: {  	s5 =	simm.s32 $_size__tile_overlayer_lowered;
	s6 =	simm.s32 $_tile_overlayer_lowered  }
0x9b: {  	s22 =	simm.s32 $0x1BFF;
	s21 =	sshll.u32 s6, $0x1;
	s3 =	sadd.s32 s4, s19  }
0x9c: {  	s7 =	simm.s32 $0x0;
	s20 =	sshll.u32 s5, $0x1;
	s5 =	sadd.s32 s21, s3  }
0x9d: {  	[timem:s7], [sflag:s22] =	dma.local [hbm:s5], s20  }
0x9e: {  	_ =	swait.ge [sflag:s22], s20  }
0x9f: {  	s4 =	ssub.s32 $0x0, s20;
	[sflag:s22] =	ssyncset.done $0x0  }
0xa0: {  	[sflag:s22] =	ssyncadd.s32 s4;
	_ =	sdelay $0x1  }
0xa1: {  	s23 =	simm.s32 $0x1B8B  }
0xa2: {  	_ =	swait.ge [sflag:s23], $0x1  }
0xa3: {  	[sflag:s23] =	ssyncset.done $0x0  }
0xa4: {  	s25 =	simm.s32 $0x1B8E;
	s24 =	sld [smem:$0x3FFE];
	[sflag:s23] =	ssyncadd.s32 $0xFFFFFFFF  }
0xa5: {  	s26 =	simm.s32 $execute0_lowered;
	[smem:$0x3FD2] =	sst s25  }
0xa6: {  	s5 =	sshll.u32 s26, $0x1;
	_ =	strace $0x80000058;
	[dreg:$0x1] =	wrdreg $0xFFFFFFFF  }
0xa7: {  	s28 =	simm.s32 $_size_execute0_lowered;
	s3 =	sadd.s32 s3, s5;
	[dreg:$0x0] =	wrdreg $0x0  }
0xa8: {  	s5 =	sshll.u32 s28, $0x1;
	[dreg:$0x2] =	wrdreg s3  }
0xa9: {  	[dreg:$0x3] =	wrdreg s5  }
0xaa: {  	[dreg:$0x4] =	wrdreg $0xC0  }
0xab: {  	_ =	task [dreg:s7], $0x5FFFF  }
0xac: {  	[dreg:$0x1] =	wrdreg $0xFFFFFFFF  }
0xad: {  	[dreg:$0x0] =	wrdreg $0x60  }
0xae: {  	[dreg:$0x2] =	wrdreg s24  }
0xaf: {  	[dreg:$0x3] =	wrdreg s2  }
0xb0: {  	[dreg:$0x4] =	wrdreg $0x9  }
0xb1: {  	_ =	task.clear_ibuf [dreg:s7], $0x5FFFF;
	_ =	strace $0x90000058  }
0xb2: {  	s29 =	simm.s32 $0x9;
	_ =	strace $0x8000005A  }
0xb3: {  	_ =	swait.ge [sflag:s29], $0x1  }
0xb4: {  	[sflag:s29] =	ssyncadd.s32 $0xFFFFFFFF  }
0xb5: {  	_ =	strace $0x9000005A  }
0xb6: {  	_ =	sfence  }
0xb7: {  	s30 =	sld [smem:$0x0];
	_ =	sdelay $0x2  }
0xb8: {  	s31 =	sshll.u32 s1, $0xD;
	s1 =	sshrl.u32 s1, $0x2  }
0xb9: {  	s3 =	sand.u32 $0x4000, s31;
	s1 =	sadd.s32 s1, s30  }
0xba: {  	s0 =	sor.u32 s3, s0;
	s1 =	sshll.u32 s1, $0x11  }
0xbb: {  	s0 =	sor.u32 s1, s0  }
0xbc: {  	s0 =	sadd.s32 $0x8F2B, s0  }
0xbd: {  	[sflag:s0] =	ssyncadd.remote.s32 $0x1  }
0xbe: {  	_ =	sfence.sel $0xFFFF  }
0xbf: {  	[dreg:$0x0] =	wrdreg $0xFFFFFFFF;
	(pc) =	sbr.abs _section_cstart, $3  }
0xc0: {  	[dreg:$0x1] =	wrdreg $0xFFFFFFFF  }
0xc1: {  	_ =	task.clear_ibuf [dreg:s7], $0x2FFFF;
	_ =	strace $0x9FFFFFFF  }
0xc2: {  	(tm) =	ssettm $0x7FFFFFFF  }
0xc3: {  	_ =	shalt  }
tec
execute0_lowered:
.L_overlay_start_1:
0x0: {  	(tag) =	ssettag $0x1  }
0x1: {  	s0 =	srdreg.scid  }
0x2: {  	s9 =	sand.u32 $0x1, s0;
	s0 =	stileid.u32  }
0x3: {  	s3 =	sor.u32 s0, s9  }
0x4: {  	p0 =	sne.s32 s3, $0x0  }
.Ltmp0:
0x5: {  	_ = 	snop;
	(pc) =	sbr.rel @p0 .LBB2_4-.Ltmp0, $4  }
0x6: {  	_ = 	snop  }
0x7: {  	s8 =	rddreg [dreg:$0x0]  }
0x8: {  	s2 =	rddreg [dreg:$0x1]  }
0x9: {  	s1 =	rddreg [dreg:$0x2];
	_ =	strace $0x80000059  }
0xa: {  	s4 =	simm.s32 $0x0;
	s3 =	simm.s32 $0x2  }
0xb: {  	[tilespmem:s4], [sflag:$0x2] =	stream.linear.gather [hbm4b:s2+s4], $0x80, $0x38;
	[tilespmem:$0x4080] =	vst v63  }
0xc: {  	s5 =	sadd.s32 $0x4400, s8;
	s9 =	ssub.s32 $0x2, s9;
	_ =	swait.ge [sflag:s3], $0x80  }
0xd: {  	s6 =	simm.s32 $0x80;
	s10 =	sshrl.u32 s9, $0x1;
	[sflag:s3] =	ssyncset.done $0x0  }
0xe: {  	s7 =	simm.s32 $0x1;
	s9 =	ssub.s32 s9, s10;
	[sflag:s3] =	ssyncadd.s32 $0xFFFFFF80  }
0xf: {  	[tilespmem:s6], [sflag:$0x1] =	stream.indirect.gather [hbm4b:s5+s6], $0x80, s4, s6, $0xb8;
	[tilespmem:$0x4080] =	vst v63  }
0x10: {  	p0 =	sne.s32 s9, $0x1;
	_ =	swait.ge [sflag:s7], $0x4000  }
.Ltmp1:
0x11: {  	[sflag:s7] =	ssyncset.done $0x0;
	(pc) =	sbr.rel @!p0 .LBB2_3-.Ltmp1, $4  }
0x12: {  	s8 =	sadd.s32 $0x2C400, s8;
	[sflag:s7] =	ssyncadd.s32 $0xFFFFC000  }
0x13: {  	[hbm4b:s8+s4] =	stream.linear.scatter [tilespmem:s6], [sflag:$0x2], $0x4000, $0x38;
	[tilespmem:$0x4080] =	vst v63  }
0x14: {  	_ =	swait.ge [sflag:s3], $0x4000  }
0x15: {  	s9 =	sadd.s32 $0xFFFFFFFF, s9;
	[sflag:s3] =	ssyncset.done $0x0  }
.LBB2_2:
0x16: {  	p0 =	sne.s32 s9, $0x1;
	s9 =	sadd.s32 $0xFFFFFFFF, s9;
	[sflag:s3] =	ssyncadd.s32 $0xFFFFC000  }
0x17: {  	[tilespmem:s4], [sflag:$0x2] =	stream.linear.gather [hbm4b:s2+s4], $0x80, $0x38;
	[tilespmem:$0x4080] =	vst v63  }
0x18: {  	_ =	swait.ge [sflag:s3], $0x80  }
0x19: {  	[sflag:s3] =	ssyncset.done $0x0  }
0x1a: {  	[sflag:s3] =	ssyncadd.s32 $0xFFFFFF80  }
0x1b: {  	[tilespmem:s6], [sflag:$0x1] =	stream.indirect.gather [hbm4b:s5+s6], $0x80, s4, s6, $0xb8;
	[tilespmem:$0x4080] =	vst v63  }
0x1c: {  	_ =	swait.ge [sflag:s7], $0x4000  }
.Ltmp2:
0x1d: {  	[sflag:s7] =	ssyncset.done $0x0;
	(pc) =	sbr.rel @p0 .LBB2_2-.Ltmp2, $4  }
0x1e: {  	[sflag:s7] =	ssyncadd.s32 $0xFFFFC000  }
0x1f: {  	[hbm4b:s8+s4] =	stream.linear.scatter [tilespmem:s6], [sflag:$0x2], $0x4000, $0x38;
	[tilespmem:$0x4080] =	vst v63  }
0x20: {  	_ =	swait.ge [sflag:s3], $0x4000  }
0x21: {  	[sflag:s3] =	ssyncset.done $0x0  }
.LBB2_3:
0x22: {  	[sflag:s3] =	ssyncadd.s32 $0xFFFFC000  }
.LBB2_4:
0x23: {  	_ =	sfence.sel $0x180000  }
0x24: {  	[bflag:$0x0] =	sbarrier.arrive $0xFFFF  }
0x25: {  	p0 =	sne.s32 s0, $0x0;
	_ =	strace $0x90000059  }
0x26: {  	s0 =	sadd.s32 @!p0 $0x100000, s1;
	[bflag:$0x2] =	sbarrier.arrive $0xFFFF  }
0x27: {  	[sflag:s0] =	ssyncadd.tile.s32 @!p0 $0x1;
	_ =	shalt  }
.Lfunc_end2:
_tile_overlayer_lowered:
.L_overlay_start_2:
0x28: {  	(tag) =	ssettag $0x2  }
0x29: {  	s0 =	rddreg [dreg:$0x0];
	s2 =	stileid.u32  }
0x2a: {  	s1 =	rddreg [dreg:$0x1];
	p0 =	sne.s32 s2, $0x0  }
0x2b: {  	s3 =	rddreg [dreg:$0x2];
	[bflag:$0x3] =	sbarrier.arrive $0xFFFF;
	s2 =	simm.s32 @!p0 $0x1C02  }
0x2c: {  	[timem:s3], [sflag:s2] =	dma.local @!p0 [hbm:s0], s1  }
0x2d: {  	s0 =	simm.s32 @!p0 $0x2  }
0x2e: {  	_ =	swait.ge @!p0 [sflag:s0], s1  }
0x2f: {  	s1 =	ssub.s32 @!p0 $0x0, s1;
	[sflag:s0] =	ssyncset.done @!p0 $0x0  }
0x30: {  	[sflag:s0] =	ssyncadd.s32 @!p0 s1  }
0x31: {  	[bflag:$0x3] =	sbarrier.arrive $0xFFFF  }
0x32: {  	_ =	shalt  }

</sc_bundles>
